<compile_context>
chip_gen: v7x
topology: tpu7x:2x2x1
jax: 0.10.2.dev20260603
libtpu: 0.0.44.dev20260713+nightly
codegen_flags: <defaults>
</compile_context>

<pallas_src>
import functools

import jax
import jax.numpy as jnp
from jax import lax
from jax.experimental import pallas as pl
from jax.experimental.pallas import tpu as pltpu
from jax.experimental.pallas import tpu_sc as plsc

B, L = 4096, 200
DW, DP = 32, 32
DO = DW + DP
N = B * L
NC, NS = 2, 16
NW = NC * NS
BW = B // NW
PER_W = BW * L
NGR = BW
VLANES = 16


def _gather_body(idx_scale, col_off, d,
                 idx_hbm, tbl_hbm, out_hbm, idx_v, rows_v, semg, semo):
    wid = lax.axis_index("s") * NC + lax.axis_index("c")
    base = wid * PER_W
    pltpu.sync_copy(idx_hbm.at[pl.ds(base, PER_W)], idx_v)
    b_base = wid * BW

    if idx_scale != 1:
        def scale(i, carry):
            s = pl.ds(i * VLANES, VLANES)
            idx_v[s] = idx_v[s] * idx_scale
            return carry
        lax.fori_loop(0, PER_W // VLANES, scale, 0)

    def start_gather(s, j):
        pltpu.async_copy(tbl_hbm.at[idx_v.at[pl.ds(j * L, L)]],
                         rows_v.at[s], semg.at[s])

    def wait_gather(s, j):
        pltpu.make_async_copy(tbl_hbm.at[idx_v.at[pl.ds(j * L, L)]],
                              rows_v.at[s], semg.at[s]).wait()

    def start_write(s, j):
        pltpu.async_copy(rows_v.at[s],
                         out_hbm.at[b_base + j, :, pl.ds(col_off, d)],
                         semo.at[s])

    def wait_write(s, j):
        pltpu.make_async_copy(rows_v.at[s],
                              out_hbm.at[b_base + j, :, pl.ds(col_off, d)],
                              semo.at[s]).wait()

    def steps12(s, j):
        wait_gather(s, j)
        start_write(s, j)

    def steps34(s2, j):
        wait_write(s2, j - 2)
        start_gather(s2, j + 2)

    start_gather(0, 0)
    start_gather(1, 1)
    steps12(0, 0)
    start_gather(2, 2)
    steps12(1, 1)
    start_gather(3, 3)
    steps12(2, 2)
    steps34(0, 2)
    steps12(3, 3)
    steps34(1, 3)

    def step(it, carry):
        g = it * 4
        for b in range(4):
            j = g + b
            steps12(b, j)
            steps34((b + 2) % 4, j)
        return carry

    lax.fori_loop(1, NGR // 4 - 1, step, 0)

    for b in range(4):
        j = NGR - 4 + b
        steps12(b, j)
        if j + 2 < NGR:
            steps34((b + 2) % 4, j)
    for b in range(4):
        wait_write(b, NGR - 4 + b)


def _mesh():
    return plsc.VectorSubcoreMesh(
        core_axis_name="c", subcore_axis_name="s",
        num_cores=NC, num_subcores=NS)


def _scratch(d):
    return [
        pltpu.VMEM((PER_W,), jnp.int32),
        pltpu.VMEM((4, L, d), jnp.float32),
        pltpu.SemaphoreType.DMA((4,)),
        pltpu.SemaphoreType.DMA((4,)),
    ]


@jax.jit
def _run(words_f, pos_f, W_words, W_pos):
    kpos = pl.kernel(
        functools.partial(_gather_body, 1, DW, DP),
        out_type=jax.ShapeDtypeStruct((B, L, 128), jnp.float32),
        mesh=_mesh(),
        compiler_params=pltpu.CompilerParams(use_tc_tiling_on_sc=False),
        scratch_types=_scratch(DP),
    )
    out1 = kpos(pos_f, W_pos)
    ref = jax.new_ref(out1)
    W4 = jnp.pad(W_words, ((0, 0), (0, 128 - DW))).reshape(4 * 1000000, DW)
    kwords = pl.kernel(
        functools.partial(_gather_body, 4, 0, DW),
        out_type=(),
        mesh=_mesh(),
        compiler_params=pltpu.CompilerParams(use_tc_tiling_on_sc=False),
        scratch_types=_scratch(DW),
    )
    kwords(words_f, W4, ref)
    return ref[...]


def kernel(words, pos, W_words, W_pos):
    words_f = words.astype(jnp.int32).reshape(N)
    pos_f = pos.astype(jnp.int32).reshape(N)
    out = _run(words_f, pos_f, W_words, W_pos)
    return out[:, :, :DO]

# --- scband reference (transcript-rebuilt; emitter-appended) ---
"""Pipeline reference for scband-embedding-48576080118491 (READ-ONLY COPY).

The authoritative reference and input builder live on the scoring server;
editing this copy changes nothing except your own understanding.
"""

import jax, jax.numpy as jnp
import numpy as np

VOCAB_WORDS = 1000000
DIM_WORDS = 32
VOCAB_POS = 1000
DIM_POS = 32
B, L = 4096, 200


def setup_inputs(seed: int = 0) -> dict:
    key = jax.random.key(seed)
    k1, k2, k3, k4 = jax.random.split(key, 4)
    words = jax.random.randint(k1, (B, L), 0, VOCAB_WORDS, dtype=jnp.int64 if jax.config.jax_enable_x64 else jnp.int32)
    pos = jax.random.randint(k2, (B, L), 0, VOCAB_POS, dtype=jnp.int64 if jax.config.jax_enable_x64 else jnp.int32)
    W_words = jax.random.normal(k3, (VOCAB_WORDS, DIM_WORDS), dtype=jnp.float32) * 0.02
    W_pos = jax.random.normal(k4, (VOCAB_POS, DIM_POS), dtype=jnp.float32) * 0.02
    return {"words": words, "pos": pos, "W_words": W_words, "W_pos": W_pos}


def reference(words, pos, W_words, W_pos):
    # Embedding.forward: emb = [item.emb(x[item.field]) for item in self.embeds]
    # then torch.cat(emb, dim=-1) since cat_output=True
    emb_words = jnp.take(W_words, words, axis=0)  # [B, L, DIM_WORDS]
    emb_pos = jnp.take(W_pos, pos, axis=0)        # [B, L, DIM_POS]
    return jnp.concatenate([emb_words, emb_pos], axis=-1)  # [B, L, DIM_WORDS+DIM_POS]

if __name__ == "__main__":
    import jax
    _d = setup_inputs()
    print(jax.jit(kernel)(*tuple(_d.values())))

</pallas_src>

<mosaic_0001>
#map = affine_map<(d0, d1) -> (0)>
#map1 = affine_map<(d0, d1) -> (0, 0)>
#map2 = affine_map<(d0, d1) -> (0, 0, 0)>
module attributes {stable_mosaic.version = 14 : i64} {
  func.func @_gather_body(%arg0: i32, %arg1: i32, %arg2: memref<819200xi32, #tpu.memory_space<hbm>>, %arg3: memref<1000x32xf32, #tpu.memory_space<hbm>>, %arg4: memref<4096x200x128xf32, #tpu.memory_space<hbm>>, %arg5: memref<25600xi32, #tpu.memory_space<vmem>>, %arg6: memref<4x200x32xf32, #tpu.memory_space<vmem>>, %arg7: memref<4x!tpu.dma_semaphore, #tpu.memory_space<semaphore_mem>>, %arg8: memref<4x!tpu.dma_semaphore, #tpu.memory_space<semaphore_mem>>) attributes {dimension_semantics = [#tpu.dimension_semantics<core_parallel>, #tpu.dimension_semantics<subcore_parallel>], iteration_bounds = array<i64: 2, 16>, scalar_prefetch = 0 : i64, scratch_operands = 4 : i64, tpu.core_type = #tpu.core_type<sc_vector_subcore>, window_params = [{transform_indices = #map}, {transform_indices = #map1}, {transform_indices = #map2}]} {
    %mul3A = arith.constant 2 : i32
    %mul3A_0 = arith.muli %arg1, %mul3A : i32
    %add3A = arith.addi %mul3A_0, %arg0 : i32
    %mul3A_1 = arith.constant 25600 : i32
    %mul3A_2 = arith.muli %add3A, %mul3A_1 : i32
    "tpu.region"() ({
      %run_scoped3A = tpu.sem_alloc : memref<!tpu.dma_semaphore, #tpu.memory_space<semaphore_mem>>
      %dma_start3A_568 = tpu.memref_slice %arg2[%mul3A_2] : memref<819200xi32, #tpu.memory_space<hbm>> -> memref<25600xi32, #tpu.memory_space<hbm>>
      %dma_start3A_569 = tpu.memref_slice %arg2[%mul3A_2] : memref<819200xi32, #tpu.memory_space<hbm>> -> memref<25600xi32, #tpu.memory_space<hbm>>
      tpu.enqueue_dma source(%dma_start3A_569 : memref<25600xi32, #tpu.memory_space<hbm>>) target(%arg5 : memref<25600xi32, #tpu.memory_space<vmem>>) target_semaphore(%run_scoped3A : memref<!tpu.dma_semaphore, #tpu.memory_space<semaphore_mem>>)
      %dma_wait3A_570 = tpu.memref_slice %arg2[%mul3A_2] : memref<819200xi32, #tpu.memory_space<hbm>> -> memref<25600xi32, #tpu.memory_space<hbm>>
      %dma_wait3A_571 = tpu.memref_slice %arg2[%mul3A_2] : memref<819200xi32, #tpu.memory_space<hbm>> -> memref<25600xi32, #tpu.memory_space<hbm>>
      tpu.wait_dma2 semaphore(%run_scoped3A : memref<!tpu.dma_semaphore, #tpu.memory_space<semaphore_mem>>) src(%dma_wait3A_571 : memref<25600xi32, #tpu.memory_space<hbm>>) dst(%arg5 : memref<25600xi32, #tpu.memory_space<vmem>>)
      tpu.yield
    }) : () -> ()
    %mul3A_3 = arith.constant 128 : i32
    %mul3A_4 = arith.muli %add3A, %mul3A_3 : i32
    %dma_start3A = arith.constant 0 : i32
    %dma_start3A_5 = arith.constant 0 : i32
    %dma_start3A_6 = arith.constant 0 : i32
    %dma_start3A_7 = arith.constant 0 : i32
    %dma_start3A_8 = tpu.memref_slice %arg6[%dma_start3A, %dma_start3A_6, %dma_start3A_7] : memref<4x200x32xf32, #tpu.memory_space<vmem>> -> memref<1x200x32xf32, #tpu.memory_space<vmem>>
    %dma_start3A_9 = tpu.memref_squeeze %dma_start3A_8 : memref<1x200x32xf32, #tpu.memory_space<vmem>> -> memref<200x32xf32, #tpu.memory_space<vmem>>
    %dma_start3A_10 = arith.constant 0 : i32
    %dma_start3A_11 = tpu.memref_slice %arg5[%dma_start3A_10] : memref<25600xi32, #tpu.memory_space<vmem>> -> memref<200xi32, #tpu.memory_space<vmem>>
    %dma_start3A_12 = arith.constant 0 : i32
    %dma_start3A_13 = arith.constant 0 : i32
    %dma_start3A_14 = tpu.memref_slice %arg3[%dma_start3A_12, %dma_start3A_13] : memref<1000x32xf32, #tpu.memory_space<hbm>> -> memref<1000x32xf32, #tpu.memory_space<hbm>>
    %dma_start3A_15 = tpu.memref_slice %arg7[%dma_start3A_5] : memref<4x!tpu.dma_semaphore, #tpu.memory_space<semaphore_mem>> -> memref<1x!tpu.dma_semaphore, #tpu.memory_space<semaphore_mem>>
    %dma_start3A_16 = tpu.memref_squeeze %dma_start3A_15 : memref<1x!tpu.dma_semaphore, #tpu.memory_space<semaphore_mem>> -> memref<!tpu.dma_semaphore, #tpu.memory_space<semaphore_mem>>
    tpu.enqueue_indirect_dma source(%dma_start3A_14 : memref<1000x32xf32, #tpu.memory_space<hbm>>) target(%dma_start3A_9 : memref<200x32xf32, #tpu.memory_space<vmem>>) offsets(%dma_start3A_11 : memref<200xi32, #tpu.memory_space<vmem>>) semaphore(%dma_start3A_16 : memref<!tpu.dma_semaphore, #tpu.memory_space<semaphore_mem>>)
    %dma_start3A_17 = arith.constant 1 : i32
    %dma_start3A_18 = arith.constant 1 : i32
    %dma_start3A_19 = arith.constant 0 : i32
    %dma_start3A_20 = arith.constant 0 : i32
    %dma_start3A_21 = tpu.memref_slice %arg6[%dma_start3A_17, %dma_start3A_19, %dma_start3A_20] : memref<4x200x32xf32, #tpu.memory_space<vmem>> -> memref<1x200x32xf32, #tpu.memory_space<vmem>>
    %dma_start3A_22 = tpu.memref_squeeze %dma_start3A_21 : memref<1x200x32xf32, #tpu.memory_space<vmem>> -> memref<200x32xf32, #tpu.memory_space<vmem>>
    %dma_start3A_23 = arith.constant 200 : i32
    %dma_start3A_24 = tpu.memref_slice %arg5[%dma_start3A_23] : memref<25600xi32, #tpu.memory_space<vmem>> -> memref<200xi32, #tpu.memory_space<vmem>>
    %dma_start3A_25 = arith.constant 0 : i32
    %dma_start3A_26 = arith.constant 0 : i32
    %dma_start3A_27 = tpu.memref_slice %arg3[%dma_start3A_25, %dma_start3A_26] : memref<1000x32xf32, #tpu.memory_space<hbm>> -> memref<1000x32xf32, #tpu.memory_space<hbm>>
    %dma_start3A_28 = tpu.memref_slice %arg7[%dma_start3A_18] : memref<4x!tpu.dma_semaphore, #tpu.memory_space<semaphore_mem>> -> memref<1x!tpu.dma_semaphore, #tpu.memory_space<semaphore_mem>>
    %dma_start3A_29 = tpu.memref_squeeze %dma_start3A_28 : memref<1x!tpu.dma_semaphore, #tpu.memory_space<semaphore_mem>> -> memref<!tpu.dma_semaphore, #tpu.memory_space<semaphore_mem>>
    tpu.enqueue_indirect_dma source(%dma_start3A_27 : memref<1000x32xf32, #tpu.memory_space<hbm>>) target(%dma_start3A_22 : memref<200x32xf32, #tpu.memory_space<vmem>>) offsets(%dma_start3A_24 : memref<200xi32, #tpu.memory_space<vmem>>) semaphore(%dma_start3A_29 : memref<!tpu.dma_semaphore, #tpu.memory_space<semaphore_mem>>)
    %dma_wait3A = arith.constant 0 : i32
    %dma_wait3A_30 = arith.constant 0 : i32
    %dma_wait3A_31 = arith.constant 0 : i32
    %dma_wait3A_32 = arith.constant 0 : i32
    %dma_wait3A_33 = tpu.memref_slice %arg6[%dma_wait3A, %dma_wait3A_31, %dma_wait3A_32] : memref<4x200x32xf32, #tpu.memory_space<vmem>> -> memref<1x200x32xf32, #tpu.memory_space<vmem>>
    %dma_wait3A_34 = tpu.memref_squeeze %dma_wait3A_33 : memref<1x200x32xf32, #tpu.memory_space<vmem>> -> memref<200x32xf32, #tpu.memory_space<vmem>>
    %dma_wait3A_35 = arith.constant 0 : i32
    %dma_wait3A_36 = tpu.memref_slice %arg5[%dma_wait3A_35] : memref<25600xi32, #tpu.memory_space<vmem>> -> memref<200xi32, #tpu.memory_space<vmem>>
    %dma_wait3A_37 = arith.constant 0 : i32
    %dma_wait3A_38 = arith.constant 0 : i32
    %dma_wait3A_39 = tpu.memref_slice %arg3[%dma_wait3A_37, %dma_wait3A_38] : memref<1000x32xf32, #tpu.memory_space<hbm>> -> memref<1000x32xf32, #tpu.memory_space<hbm>>
    %dma_wait3A_40 = tpu.memref_slice %arg7[%dma_wait3A_30] : memref<4x!tpu.dma_semaphore, #tpu.memory_space<semaphore_mem>> -> memref<1x!tpu.dma_semaphore, #tpu.memory_space<semaphore_mem>>
    %dma_wait3A_41 = tpu.memref_squeeze %dma_wait3A_40 : memref<1x!tpu.dma_semaphore, #tpu.memory_space<semaphore_mem>> -> memref<!tpu.dma_semaphore, #tpu.memory_space<semaphore_mem>>
    tpu.wait_indirect_dma semaphore(%dma_wait3A_41 : memref<!tpu.dma_semaphore, #tpu.memory_space<semaphore_mem>>) src(%dma_wait3A_39 : memref<1000x32xf32, #tpu.memory_space<hbm>>) dst(%dma_wait3A_34 : memref<200x32xf32, #tpu.memory_space<vmem>>)
    %add3A_42 = arith.constant 0 : i32
    %add3A_43 = arith.addi %mul3A_4, %add3A_42 : i32
    %dma_start3A_44 = arith.constant 0 : i32
    %dma_start3A_45 = arith.constant 0 : i32
    %dma_start3A_46 = arith.constant 0 : i32
    %dma_start3A_47 = arith.constant 0 : i32
    %dma_start3A_48 = tpu.memref_slice %arg6[%dma_start3A_44, %dma_start3A_46, %dma_start3A_47] : memref<4x200x32xf32, #tpu.memory_space<vmem>> -> memref<1x200x32xf32, #tpu.memory_space<vmem>>
    %dma_start3A_49 = tpu.memref_squeeze %dma_start3A_48 : memref<1x200x32xf32, #tpu.memory_space<vmem>> -> memref<200x32xf32, #tpu.memory_space<vmem>>
    %dma_start3A_50 = arith.constant 0 : i32
    %dma_start3A_51 = arith.constant 32 : i32
    %dma_start3A_52 = tpu.memref_slice %arg4[%add3A_43, %dma_start3A_50, %dma_start3A_51] : memref<4096x200x128xf32, #tpu.memory_space<hbm>> -> memref<1x200x32xf32, #tpu.memory_space<hbm>>
    %dma_start3A_53 = tpu.memref_squeeze %dma_start3A_52 : memref<1x200x32xf32, #tpu.memory_space<hbm>> -> memref<200x32xf32, #tpu.memory_space<hbm>>
    %dma_start3A_54 = tpu.memref_slice %arg8[%dma_start3A_45] : memref<4x!tpu.dma_semaphore, #tpu.memory_space<semaphore_mem>> -> memref<1x!tpu.dma_semaphore, #tpu.memory_space<semaphore_mem>>
    %dma_start3A_55 = tpu.memref_squeeze %dma_start3A_54 : memref<1x!tpu.dma_semaphore, #tpu.memory_space<semaphore_mem>> -> memref<!tpu.dma_semaphore, #tpu.memory_space<semaphore_mem>>
    %dma_start3A_56 = arith.constant 0 : i32
    %dma_start3A_57 = arith.constant 32 : i32
    %dma_start3A_58 = tpu.memref_slice %arg4[%add3A_43, %dma_start3A_56, %dma_start3A_57] : memref<4096x200x128xf32, #tpu.memory_space<hbm>> -> memref<1x200x32xf32, #tpu.memory_space<hbm>>
    %dma_start3A_59 = tpu.memref_squeeze %dma_start3A_58 : memref<1x200x32xf32, #tpu.memory_space<hbm>> -> memref<200x32xf32, #tpu.memory_space<hbm>>
    %dma_start3A_60 = arith.constant 0 : i32
    %dma_start3A_61 = arith.constant 0 : i32
    %dma_start3A_62 = tpu.memref_slice %arg6[%dma_start3A_44, %dma_start3A_60, %dma_start3A_61] : memref<4x200x32xf32, #tpu.memory_space<vmem>> -> memref<1x200x32xf32, #tpu.memory_space<vmem>>
    %dma_start3A_63 = tpu.memref_squeeze %dma_start3A_62 : memref<1x200x32xf32, #tpu.memory_space<vmem>> -> memref<200x32xf32, #tpu.memory_space<vmem>>
    tpu.enqueue_dma source(%dma_start3A_63 : memref<200x32xf32, #tpu.memory_space<vmem>>) target(%dma_start3A_59 : memref<200x32xf32, #tpu.memory_space<hbm>>) target_semaphore(%dma_start3A_55 : memref<!tpu.dma_semaphore, #tpu.memory_space<semaphore_mem>>)
    %dma_start3A_64 = arith.constant 2 : i32
    %dma_start3A_65 = arith.constant 2 : i32
    %dma_start3A_66 = arith.constant 0 : i32
    %dma_start3A_67 = arith.constant 0 : i32
    %dma_start3A_68 = tpu.memref_slice %arg6[%dma_start3A_64, %dma_start3A_66, %dma_start3A_67] : memref<4x200x32xf32, #tpu.memory_space<vmem>> -> memref<1x200x32xf32, #tpu.memory_space<vmem>>
    %dma_start3A_69 = tpu.memref_squeeze %dma_start3A_68 : memref<1x200x32xf32, #tpu.memory_space<vmem>> -> memref<200x32xf32, #tpu.memory_space<vmem>>
    %dma_start3A_70 = arith.constant 400 : i32
    %dma_start3A_71 = tpu.memref_slice %arg5[%dma_start3A_70] : memref<25600xi32, #tpu.memory_space<vmem>> -> memref<200xi32, #tpu.memory_space<vmem>>
    %dma_start3A_72 = arith.constant 0 : i32
    %dma_start3A_73 = arith.constant 0 : i32
    %dma_start3A_74 = tpu.memref_slice %arg3[%dma_start3A_72, %dma_start3A_73] : memref<1000x32xf32, #tpu.memory_space<hbm>> -> memref<1000x32xf32, #tpu.memory_space<hbm>>
    %dma_start3A_75 = tpu.memref_slice %arg7[%dma_start3A_65] : memref<4x!tpu.dma_semaphore, #tpu.memory_space<semaphore_mem>> -> memref<1x!tpu.dma_semaphore, #tpu.memory_space<semaphore_mem>>
    %dma_start3A_76 = tpu.memref_squeeze %dma_start3A_75 : memref<1x!tpu.dma_semaphore, #tpu.memory_space<semaphore_mem>> -> memref<!tpu.dma_semaphore, #tpu.memory_space<semaphore_mem>>
    tpu.enqueue_indirect_dma source(%dma_start3A_74 : memref<1000x32xf32, #tpu.memory_space<hbm>>) target(%dma_start3A_69 : memref<200x32xf32, #tpu.memory_space<vmem>>) offsets(%dma_start3A_71 : memref<200xi32, #tpu.memory_space<vmem>>) semaphore(%dma_start3A_76 : memref<!tpu.dma_semaphore, #tpu.memory_space<semaphore_mem>>)
    %dma_wait3A_77 = arith.constant 1 : i32
    %dma_wait3A_78 = arith.constant 1 : i32
    %dma_wait3A_79 = arith.constant 0 : i32
    %dma_wait3A_80 = arith.constant 0 : i32
    %dma_wait3A_81 = tpu.memref_slice %arg6[%dma_wait3A_77, %dma_wait3A_79, %dma_wait3A_80] : memref<4x200x32xf32, #tpu.memory_space<vmem>> -> memref<1x200x32xf32, #tpu.memory_space<vmem>>
    %dma_wait3A_82 = tpu.memref_squeeze %dma_wait3A_81 : memref<1x200x32xf32, #tpu.memory_space<vmem>> -> memref<200x32xf32, #tpu.memory_space<vmem>>
    %dma_wait3A_83 = arith.constant 200 : i32
    %dma_wait3A_84 = tpu.memref_slice %arg5[%dma_wait3A_83] : memref<25600xi32, #tpu.memory_space<vmem>> -> memref<200xi32, #tpu.memory_space<vmem>>
    %dma_wait3A_85 = arith.constant 0 : i32
    %dma_wait3A_86 = arith.constant 0 : i32
    %dma_wait3A_87 = tpu.memref_slice %arg3[%dma_wait3A_85, %dma_wait3A_86] : memref<1000x32xf32, #tpu.memory_space<hbm>> -> memref<1000x32xf32, #tpu.memory_space<hbm>>
    %dma_wait3A_88 = tpu.memref_slice %arg7[%dma_wait3A_78] : memref<4x!tpu.dma_semaphore, #tpu.memory_space<semaphore_mem>> -> memref<1x!tpu.dma_semaphore, #tpu.memory_space<semaphore_mem>>
    %dma_wait3A_89 = tpu.memref_squeeze %dma_wait3A_88 : memref<1x!tpu.dma_semaphore, #tpu.memory_space<semaphore_mem>> -> memref<!tpu.dma_semaphore, #tpu.memory_space<semaphore_mem>>
    tpu.wait_indirect_dma semaphore(%dma_wait3A_89 : memref<!tpu.dma_semaphore, #tpu.memory_space<semaphore_mem>>) src(%dma_wait3A_87 : memref<1000x32xf32, #tpu.memory_space<hbm>>) dst(%dma_wait3A_82 : memref<200x32xf32, #tpu.memory_space<vmem>>)
    %add3A_90 = arith.constant 1 : i32
    %add3A_91 = arith.addi %mul3A_4, %add3A_90 : i32
    %dma_start3A_92 = arith.constant 1 : i32
    %dma_start3A_93 = arith.constant 1 : i32
    %dma_start3A_94 = arith.constant 0 : i32
    %dma_start3A_95 = arith.constant 0 : i32
    %dma_start3A_96 = tpu.memref_slice %arg6[%dma_start3A_92, %dma_start3A_94, %dma_start3A_95] : memref<4x200x32xf32, #tpu.memory_space<vmem>> -> memref<1x200x32xf32, #tpu.memory_space<vmem>>
    %dma_start3A_97 = tpu.memref_squeeze %dma_start3A_96 : memref<1x200x32xf32, #tpu.memory_space<vmem>> -> memref<200x32xf32, #tpu.memory_space<vmem>>
    %dma_start3A_98 = arith.constant 0 : i32
    %dma_start3A_99 = arith.constant 32 : i32
    %dma_start3A_100 = tpu.memref_slice %arg4[%add3A_91, %dma_start3A_98, %dma_start3A_99] : memref<4096x200x128xf32, #tpu.memory_space<hbm>> -> memref<1x200x32xf32, #tpu.memory_space<hbm>>
    %dma_start3A_101 = tpu.memref_squeeze %dma_start3A_100 : memref<1x200x32xf32, #tpu.memory_space<hbm>> -> memref<200x32xf32, #tpu.memory_space<hbm>>
    %dma_start3A_102 = tpu.memref_slice %arg8[%dma_start3A_93] : memref<4x!tpu.dma_semaphore, #tpu.memory_space<semaphore_mem>> -> memref<1x!tpu.dma_semaphore, #tpu.memory_space<semaphore_mem>>
    %dma_start3A_103 = tpu.memref_squeeze %dma_start3A_102 : memref<1x!tpu.dma_semaphore, #tpu.memory_space<semaphore_mem>> -> memref<!tpu.dma_semaphore, #tpu.memory_space<semaphore_mem>>
    %dma_start3A_104 = arith.constant 0 : i32
    %dma_start3A_105 = arith.constant 32 : i32
    %dma_start3A_106 = tpu.memref_slice %arg4[%add3A_91, %dma_start3A_104, %dma_start3A_105] : memref<4096x200x128xf32, #tpu.memory_space<hbm>> -> memref<1x200x32xf32, #tpu.memory_space<hbm>>
    %dma_start3A_107 = tpu.memref_squeeze %dma_start3A_106 : memref<1x200x32xf32, #tpu.memory_space<hbm>> -> memref<200x32xf32, #tpu.memory_space<hbm>>
    %dma_start3A_108 = arith.constant 0 : i32
    %dma_start3A_109 = arith.constant 0 : i32
    %dma_start3A_110 = tpu.memref_slice %arg6[%dma_start3A_92, %dma_start3A_108, %dma_start3A_109] : memref<4x200x32xf32, #tpu.memory_space<vmem>> -> memref<1x200x32xf32, #tpu.memory_space<vmem>>
    %dma_start3A_111 = tpu.memref_squeeze %dma_start3A_110 : memref<1x200x32xf32, #tpu.memory_space<vmem>> -> memref<200x32xf32, #tpu.memory_space<vmem>>
    tpu.enqueue_dma source(%dma_start3A_111 : memref<200x32xf32, #tpu.memory_space<vmem>>) target(%dma_start3A_107 : memref<200x32xf32, #tpu.memory_space<hbm>>) target_semaphore(%dma_start3A_103 : memref<!tpu.dma_semaphore, #tpu.memory_space<semaphore_mem>>)
    %dma_start3A_112 = arith.constant 3 : i32
    %dma_start3A_113 = arith.constant 3 : i32
    %dma_start3A_114 = arith.constant 0 : i32
    %dma_start3A_115 = arith.constant 0 : i32
    %dma_start3A_116 = tpu.memref_slice %arg6[%dma_start3A_112, %dma_start3A_114, %dma_start3A_115] : memref<4x200x32xf32, #tpu.memory_space<vmem>> -> memref<1x200x32xf32, #tpu.memory_space<vmem>>
    %dma_start3A_117 = tpu.memref_squeeze %dma_start3A_116 : memref<1x200x32xf32, #tpu.memory_space<vmem>> -> memref<200x32xf32, #tpu.memory_space<vmem>>
    %dma_start3A_118 = arith.constant 600 : i32
    %dma_start3A_119 = tpu.memref_slice %arg5[%dma_start3A_118] : memref<25600xi32, #tpu.memory_space<vmem>> -> memref<200xi32, #tpu.memory_space<vmem>>
    %dma_start3A_120 = arith.constant 0 : i32
    %dma_start3A_121 = arith.constant 0 : i32
    %dma_start3A_122 = tpu.memref_slice %arg3[%dma_start3A_120, %dma_start3A_121] : memref<1000x32xf32, #tpu.memory_space<hbm>> -> memref<1000x32xf32, #tpu.memory_space<hbm>>
    %dma_start3A_123 = tpu.memref_slice %arg7[%dma_start3A_113] : memref<4x!tpu.dma_semaphore, #tpu.memory_space<semaphore_mem>> -> memref<1x!tpu.dma_semaphore, #tpu.memory_space<semaphore_mem>>
    %dma_start3A_124 = tpu.memref_squeeze %dma_start3A_123 : memref<1x!tpu.dma_semaphore, #tpu.memory_space<semaphore_mem>> -> memref<!tpu.dma_semaphore, #tpu.memory_space<semaphore_mem>>
    tpu.enqueue_indirect_dma source(%dma_start3A_122 : memref<1000x32xf32, #tpu.memory_space<hbm>>) target(%dma_start3A_117 : memref<200x32xf32, #tpu.memory_space<vmem>>) offsets(%dma_start3A_119 : memref<200xi32, #tpu.memory_space<vmem>>) semaphore(%dma_start3A_124 : memref<!tpu.dma_semaphore, #tpu.memory_space<semaphore_mem>>)
    %dma_wait3A_125 = arith.constant 2 : i32
    %dma_wait3A_126 = arith.constant 2 : i32
    %dma_wait3A_127 = arith.constant 0 : i32
    %dma_wait3A_128 = arith.constant 0 : i32
    %dma_wait3A_129 = tpu.memref_slice %arg6[%dma_wait3A_125, %dma_wait3A_127, %dma_wait3A_128] : memref<4x200x32xf32, #tpu.memory_space<vmem>> -> memref<1x200x32xf32, #tpu.memory_space<vmem>>
    %dma_wait3A_130 = tpu.memref_squeeze %dma_wait3A_129 : memref<1x200x32xf32, #tpu.memory_space<vmem>> -> memref<200x32xf32, #tpu.memory_space<vmem>>
    %dma_wait3A_131 = arith.constant 400 : i32
    %dma_wait3A_132 = tpu.memref_slice %arg5[%dma_wait3A_131] : memref<25600xi32, #tpu.memory_space<vmem>> -> memref<200xi32, #tpu.memory_space<vmem>>
    %dma_wait3A_133 = arith.constant 0 : i32
    %dma_wait3A_134 = arith.constant 0 : i32
    %dma_wait3A_135 = tpu.memref_slice %arg3[%dma_wait3A_133, %dma_wait3A_134] : memref<1000x32xf32, #tpu.memory_space<hbm>> -> memref<1000x32xf32, #tpu.memory_space<hbm>>
    %dma_wait3A_136 = tpu.memref_slice %arg7[%dma_wait3A_126] : memref<4x!tpu.dma_semaphore, #tpu.memory_space<semaphore_mem>> -> memref<1x!tpu.dma_semaphore, #tpu.memory_space<semaphore_mem>>
    %dma_wait3A_137 = tpu.memref_squeeze %dma_wait3A_136 : memref<1x!tpu.dma_semaphore, #tpu.memory_space<semaphore_mem>> -> memref<!tpu.dma_semaphore, #tpu.memory_space<semaphore_mem>>
    tpu.wait_indirect_dma semaphore(%dma_wait3A_137 : memref<!tpu.dma_semaphore, #tpu.memory_space<semaphore_mem>>) src(%dma_wait3A_135 : memref<1000x32xf32, #tpu.memory_space<hbm>>) dst(%dma_wait3A_130 : memref<200x32xf32, #tpu.memory_space<vmem>>)
    %add3A_138 = arith.constant 2 : i32
    %add3A_139 = arith.addi %mul3A_4, %add3A_138 : i32
    %dma_start3A_140 = arith.constant 2 : i32
    %dma_start3A_141 = arith.constant 2 : i32
    %dma_start3A_142 = arith.constant 0 : i32
    %dma_start3A_143 = arith.constant 0 : i32
    %dma_start3A_144 = tpu.memref_slice %arg6[%dma_start3A_140, %dma_start3A_142, %dma_start3A_143] : memref<4x200x32xf32, #tpu.memory_space<vmem>> -> memref<1x200x32xf32, #tpu.memory_space<vmem>>
    %dma_start3A_145 = tpu.memref_squeeze %dma_start3A_144 : memref<1x200x32xf32, #tpu.memory_space<vmem>> -> memref<200x32xf32, #tpu.memory_space<vmem>>
    %dma_start3A_146 = arith.constant 0 : i32
    %dma_start3A_147 = arith.constant 32 : i32
    %dma_start3A_148 = tpu.memref_slice %arg4[%add3A_139, %dma_start3A_146, %dma_start3A_147] : memref<4096x200x128xf32, #tpu.memory_space<hbm>> -> memref<1x200x32xf32, #tpu.memory_space<hbm>>
    %dma_start3A_149 = tpu.memref_squeeze %dma_start3A_148 : memref<1x200x32xf32, #tpu.memory_space<hbm>> -> memref<200x32xf32, #tpu.memory_space<hbm>>
    %dma_start3A_150 = tpu.memref_slice %arg8[%dma_start3A_141] : memref<4x!tpu.dma_semaphore, #tpu.memory_space<semaphore_mem>> -> memref<1x!tpu.dma_semaphore, #tpu.memory_space<semaphore_mem>>
    %dma_start3A_151 = tpu.memref_squeeze %dma_start3A_150 : memref<1x!tpu.dma_semaphore, #tpu.memory_space<semaphore_mem>> -> memref<!tpu.dma_semaphore, #tpu.memory_space<semaphore_mem>>
    %dma_start3A_152 = arith.constant 0 : i32
    %dma_start3A_153 = arith.constant 32 : i32
    %dma_start3A_154 = tpu.memref_slice %arg4[%add3A_139, %dma_start3A_152, %dma_start3A_153] : memref<4096x200x128xf32, #tpu.memory_space<hbm>> -> memref<1x200x32xf32, #tpu.memory_space<hbm>>
    %dma_start3A_155 = tpu.memref_squeeze %dma_start3A_154 : memref<1x200x32xf32, #tpu.memory_space<hbm>> -> memref<200x32xf32, #tpu.memory_space<hbm>>
    %dma_start3A_156 = arith.constant 0 : i32
    %dma_start3A_157 = arith.constant 0 : i32
    %dma_start3A_158 = tpu.memref_slice %arg6[%dma_start3A_140, %dma_start3A_156, %dma_start3A_157] : memref<4x200x32xf32, #tpu.memory_space<vmem>> -> memref<1x200x32xf32, #tpu.memory_space<vmem>>
    %dma_start3A_159 = tpu.memref_squeeze %dma_start3A_158 : memref<1x200x32xf32, #tpu.memory_space<vmem>> -> memref<200x32xf32, #tpu.memory_space<vmem>>
    tpu.enqueue_dma source(%dma_start3A_159 : memref<200x32xf32, #tpu.memory_space<vmem>>) target(%dma_start3A_155 : memref<200x32xf32, #tpu.memory_space<hbm>>) target_semaphore(%dma_start3A_151 : memref<!tpu.dma_semaphore, #tpu.memory_space<semaphore_mem>>)
    %add3A_160 = arith.constant 0 : i32
    %add3A_161 = arith.addi %mul3A_4, %add3A_160 : i32
    %dma_wait3A_162 = arith.constant 0 : i32
    %dma_wait3A_163 = arith.constant 0 : i32
    %dma_wait3A_164 = arith.constant 0 : i32
    %dma_wait3A_165 = arith.constant 0 : i32
    %dma_wait3A_166 = tpu.memref_slice %arg6[%dma_wait3A_162, %dma_wait3A_164, %dma_wait3A_165] : memref<4x200x32xf32, #tpu.memory_space<vmem>> -> memref<1x200x32xf32, #tpu.memory_space<vmem>>
    %dma_wait3A_167 = tpu.memref_squeeze %dma_wait3A_166 : memref<1x200x32xf32, #tpu.memory_space<vmem>> -> memref<200x32xf32, #tpu.memory_space<vmem>>
    %dma_wait3A_168 = arith.constant 0 : i32
    %dma_wait3A_169 = arith.constant 32 : i32
    %dma_wait3A_170 = tpu.memref_slice %arg4[%add3A_161, %dma_wait3A_168, %dma_wait3A_169] : memref<4096x200x128xf32, #tpu.memory_space<hbm>> -> memref<1x200x32xf32, #tpu.memory_space<hbm>>
    %dma_wait3A_171 = tpu.memref_squeeze %dma_wait3A_170 : memref<1x200x32xf32, #tpu.memory_space<hbm>> -> memref<200x32xf32, #tpu.memory_space<hbm>>
    %dma_wait3A_172 = tpu.memref_slice %arg8[%dma_wait3A_163] : memref<4x!tpu.dma_semaphore, #tpu.memory_space<semaphore_mem>> -> memref<1x!tpu.dma_semaphore, #tpu.memory_space<semaphore_mem>>
    %dma_wait3A_173 = tpu.memref_squeeze %dma_wait3A_172 : memref<1x!tpu.dma_semaphore, #tpu.memory_space<semaphore_mem>> -> memref<!tpu.dma_semaphore, #tpu.memory_space<semaphore_mem>>
    %dma_wait3A_174 = arith.constant 0 : i32
    %dma_wait3A_175 = arith.constant 32 : i32
    %dma_wait3A_176 = tpu.memref_slice %arg4[%add3A_161, %dma_wait3A_174, %dma_wait3A_175] : memref<4096x200x128xf32, #tpu.memory_space<hbm>> -> memref<1x200x32xf32, #tpu.memory_space<hbm>>
    %dma_wait3A_177 = tpu.memref_squeeze %dma_wait3A_176 : memref<1x200x32xf32, #tpu.memory_space<hbm>> -> memref<200x32xf32, #tpu.memory_space<hbm>>
    %dma_wait3A_178 = arith.constant 0 : i32
    %dma_wait3A_179 = arith.constant 0 : i32
    %dma_wait3A_180 = tpu.memref_slice %arg6[%dma_wait3A_162, %dma_wait3A_178, %dma_wait3A_179] : memref<4x200x32xf32, #tpu.memory_space<vmem>> -> memref<1x200x32xf32, #tpu.memory_space<vmem>>
    %dma_wait3A_181 = tpu.memref_squeeze %dma_wait3A_180 : memref<1x200x32xf32, #tpu.memory_space<vmem>> -> memref<200x32xf32, #tpu.memory_space<vmem>>
    tpu.wait_dma2 semaphore(%dma_wait3A_173 : memref<!tpu.dma_semaphore, #tpu.memory_space<semaphore_mem>>) src(%dma_wait3A_181 : memref<200x32xf32, #tpu.memory_space<vmem>>) dst(%dma_wait3A_177 : memref<200x32xf32, #tpu.memory_space<hbm>>)
    %dma_start3A_182 = arith.constant 0 : i32
    %dma_start3A_183 = arith.constant 0 : i32
    %dma_start3A_184 = arith.constant 0 : i32
    %dma_start3A_185 = arith.constant 0 : i32
    %dma_start3A_186 = tpu.memref_slice %arg6[%dma_start3A_182, %dma_start3A_184, %dma_start3A_185] : memref<4x200x32xf32, #tpu.memory_space<vmem>> -> memref<1x200x32xf32, #tpu.memory_space<vmem>>
    %dma_start3A_187 = tpu.memref_squeeze %dma_start3A_186 : memref<1x200x32xf32, #tpu.memory_space<vmem>> -> memref<200x32xf32, #tpu.memory_space<vmem>>
    %dma_start3A_188 = arith.constant 800 : i32
    %dma_start3A_189 = tpu.memref_slice %arg5[%dma_start3A_188] : memref<25600xi32, #tpu.memory_space<vmem>> -> memref<200xi32, #tpu.memory_space<vmem>>
    %dma_start3A_190 = arith.constant 0 : i32
    %dma_start3A_191 = arith.constant 0 : i32
    %dma_start3A_192 = tpu.memref_slice %arg3[%dma_start3A_190, %dma_start3A_191] : memref<1000x32xf32, #tpu.memory_space<hbm>> -> memref<1000x32xf32, #tpu.memory_space<hbm>>
    %dma_start3A_193 = tpu.memref_slice %arg7[%dma_start3A_183] : memref<4x!tpu.dma_semaphore, #tpu.memory_space<semaphore_mem>> -> memref<1x!tpu.dma_semaphore, #tpu.memory_space<semaphore_mem>>
    %dma_start3A_194 = tpu.memref_squeeze %dma_start3A_193 : memref<1x!tpu.dma_semaphore, #tpu.memory_space<semaphore_mem>> -> memref<!tpu.dma_semaphore, #tpu.memory_space<semaphore_mem>>
    tpu.enqueue_indirect_dma source(%dma_start3A_192 : memref<1000x32xf32, #tpu.memory_space<hbm>>) target(%dma_start3A_187 : memref<200x32xf32, #tpu.memory_space<vmem>>) offsets(%dma_start3A_189 : memref<200xi32, #tpu.memory_space<vmem>>) semaphore(%dma_start3A_194 : memref<!tpu.dma_semaphore, #tpu.memory_space<semaphore_mem>>)
    %dma_wait3A_195 = arith.constant 3 : i32
    %dma_wait3A_196 = arith.constant 3 : i32
    %dma_wait3A_197 = arith.constant 0 : i32
    %dma_wait3A_198 = arith.constant 0 : i32
    %dma_wait3A_199 = tpu.memref_slice %arg6[%dma_wait3A_195, %dma_wait3A_197, %dma_wait3A_198] : memref<4x200x32xf32, #tpu.memory_space<vmem>> -> memref<1x200x32xf32, #tpu.memory_space<vmem>>
    %dma_wait3A_200 = tpu.memref_squeeze %dma_wait3A_199 : memref<1x200x32xf32, #tpu.memory_space<vmem>> -> memref<200x32xf32, #tpu.memory_space<vmem>>
    %dma_wait3A_201 = arith.constant 600 : i32
    %dma_wait3A_202 = tpu.memref_slice %arg5[%dma_wait3A_201] : memref<25600xi32, #tpu.memory_space<vmem>> -> memref<200xi32, #tpu.memory_space<vmem>>
    %dma_wait3A_203 = arith.constant 0 : i32
    %dma_wait3A_204 = arith.constant 0 : i32
    %dma_wait3A_205 = tpu.memref_slice %arg3[%dma_wait3A_203, %dma_wait3A_204] : memref<1000x32xf32, #tpu.memory_space<hbm>> -> memref<1000x32xf32, #tpu.memory_space<hbm>>
    %dma_wait3A_206 = tpu.memref_slice %arg7[%dma_wait3A_196] : memref<4x!tpu.dma_semaphore, #tpu.memory_space<semaphore_mem>> -> memref<1x!tpu.dma_semaphore, #tpu.memory_space<semaphore_mem>>
    %dma_wait3A_207 = tpu.memref_squeeze %dma_wait3A_206 : memref<1x!tpu.dma_semaphore, #tpu.memory_space<semaphore_mem>> -> memref<!tpu.dma_semaphore, #tpu.memory_space<semaphore_mem>>
    tpu.wait_indirect_dma semaphore(%dma_wait3A_207 : memref<!tpu.dma_semaphore, #tpu.memory_space<semaphore_mem>>) src(%dma_wait3A_205 : memref<1000x32xf32, #tpu.memory_space<hbm>>) dst(%dma_wait3A_200 : memref<200x32xf32, #tpu.memory_space<vmem>>)
    %add3A_208 = arith.constant 3 : i32
    %add3A_209 = arith.addi %mul3A_4, %add3A_208 : i32
    %dma_start3A_210 = arith.constant 3 : i32
    %dma_start3A_211 = arith.constant 3 : i32
    %dma_start3A_212 = arith.constant 0 : i32
    %dma_start3A_213 = arith.constant 0 : i32
    %dma_start3A_214 = tpu.memref_slice %arg6[%dma_start3A_210, %dma_start3A_212, %dma_start3A_213] : memref<4x200x32xf32, #tpu.memory_space<vmem>> -> memref<1x200x32xf32, #tpu.memory_space<vmem>>
    %dma_start3A_215 = tpu.memref_squeeze %dma_start3A_214 : memref<1x200x32xf32, #tpu.memory_space<vmem>> -> memref<200x32xf32, #tpu.memory_space<vmem>>
    %dma_start3A_216 = arith.constant 0 : i32
    %dma_start3A_217 = arith.constant 32 : i32
    %dma_start3A_218 = tpu.memref_slice %arg4[%add3A_209, %dma_start3A_216, %dma_start3A_217] : memref<4096x200x128xf32, #tpu.memory_space<hbm>> -> memref<1x200x32xf32, #tpu.memory_space<hbm>>
    %dma_start3A_219 = tpu.memref_squeeze %dma_start3A_218 : memref<1x200x32xf32, #tpu.memory_space<hbm>> -> memref<200x32xf32, #tpu.memory_space<hbm>>
    %dma_start3A_220 = tpu.memref_slice %arg8[%dma_start3A_211] : memref<4x!tpu.dma_semaphore, #tpu.memory_space<semaphore_mem>> -> memref<1x!tpu.dma_semaphore, #tpu.memory_space<semaphore_mem>>
    %dma_start3A_221 = tpu.memref_squeeze %dma_start3A_220 : memref<1x!tpu.dma_semaphore, #tpu.memory_space<semaphore_mem>> -> memref<!tpu.dma_semaphore, #tpu.memory_space<semaphore_mem>>
    %dma_start3A_222 = arith.constant 0 : i32
    %dma_start3A_223 = arith.constant 32 : i32
    %dma_start3A_224 = tpu.memref_slice %arg4[%add3A_209, %dma_start3A_222, %dma_start3A_223] : memref<4096x200x128xf32, #tpu.memory_space<hbm>> -> memref<1x200x32xf32, #tpu.memory_space<hbm>>
    %dma_start3A_225 = tpu.memref_squeeze %dma_start3A_224 : memref<1x200x32xf32, #tpu.memory_space<hbm>> -> memref<200x32xf32, #tpu.memory_space<hbm>>
    %dma_start3A_226 = arith.constant 0 : i32
    %dma_start3A_227 = arith.constant 0 : i32
    %dma_start3A_228 = tpu.memref_slice %arg6[%dma_start3A_210, %dma_start3A_226, %dma_start3A_227] : memref<4x200x32xf32, #tpu.memory_space<vmem>> -> memref<1x200x32xf32, #tpu.memory_space<vmem>>
    %dma_start3A_229 = tpu.memref_squeeze %dma_start3A_228 : memref<1x200x32xf32, #tpu.memory_space<vmem>> -> memref<200x32xf32, #tpu.memory_space<vmem>>
    tpu.enqueue_dma source(%dma_start3A_229 : memref<200x32xf32, #tpu.memory_space<vmem>>) target(%dma_start3A_225 : memref<200x32xf32, #tpu.memory_space<hbm>>) target_semaphore(%dma_start3A_221 : memref<!tpu.dma_semaphore, #tpu.memory_space<semaphore_mem>>)
    %add3A_230 = arith.constant 1 : i32
    %add3A_231 = arith.addi %mul3A_4, %add3A_230 : i32
    %dma_wait3A_232 = arith.constant 1 : i32
    %dma_wait3A_233 = arith.constant 1 : i32
    %dma_wait3A_234 = arith.constant 0 : i32
    %dma_wait3A_235 = arith.constant 0 : i32
    %dma_wait3A_236 = tpu.memref_slice %arg6[%dma_wait3A_232, %dma_wait3A_234, %dma_wait3A_235] : memref<4x200x32xf32, #tpu.memory_space<vmem>> -> memref<1x200x32xf32, #tpu.memory_space<vmem>>
    %dma_wait3A_237 = tpu.memref_squeeze %dma_wait3A_236 : memref<1x200x32xf32, #tpu.memory_space<vmem>> -> memref<200x32xf32, #tpu.memory_space<vmem>>
    %dma_wait3A_238 = arith.constant 0 : i32
    %dma_wait3A_239 = arith.constant 32 : i32
    %dma_wait3A_240 = tpu.memref_slice %arg4[%add3A_231, %dma_wait3A_238, %dma_wait3A_239] : memref<4096x200x128xf32, #tpu.memory_space<hbm>> -> memref<1x200x32xf32, #tpu.memory_space<hbm>>
    %dma_wait3A_241 = tpu.memref_squeeze %dma_wait3A_240 : memref<1x200x32xf32, #tpu.memory_space<hbm>> -> memref<200x32xf32, #tpu.memory_space<hbm>>
    %dma_wait3A_242 = tpu.memref_slice %arg8[%dma_wait3A_233] : memref<4x!tpu.dma_semaphore, #tpu.memory_space<semaphore_mem>> -> memref<1x!tpu.dma_semaphore, #tpu.memory_space<semaphore_mem>>
    %dma_wait3A_243 = tpu.memref_squeeze %dma_wait3A_242 : memref<1x!tpu.dma_semaphore, #tpu.memory_space<semaphore_mem>> -> memref<!tpu.dma_semaphore, #tpu.memory_space<semaphore_mem>>
    %dma_wait3A_244 = arith.constant 0 : i32
    %dma_wait3A_245 = arith.constant 32 : i32
    %dma_wait3A_246 = tpu.memref_slice %arg4[%add3A_231, %dma_wait3A_244, %dma_wait3A_245] : memref<4096x200x128xf32, #tpu.memory_space<hbm>> -> memref<1x200x32xf32, #tpu.memory_space<hbm>>
    %dma_wait3A_247 = tpu.memref_squeeze %dma_wait3A_246 : memref<1x200x32xf32, #tpu.memory_space<hbm>> -> memref<200x32xf32, #tpu.memory_space<hbm>>
    %dma_wait3A_248 = arith.constant 0 : i32
    %dma_wait3A_249 = arith.constant 0 : i32
    %dma_wait3A_250 = tpu.memref_slice %arg6[%dma_wait3A_232, %dma_wait3A_248, %dma_wait3A_249] : memref<4x200x32xf32, #tpu.memory_space<vmem>> -> memref<1x200x32xf32, #tpu.memory_space<vmem>>
    %dma_wait3A_251 = tpu.memref_squeeze %dma_wait3A_250 : memref<1x200x32xf32, #tpu.memory_space<vmem>> -> memref<200x32xf32, #tpu.memory_space<vmem>>
    tpu.wait_dma2 semaphore(%dma_wait3A_243 : memref<!tpu.dma_semaphore, #tpu.memory_space<semaphore_mem>>) src(%dma_wait3A_251 : memref<200x32xf32, #tpu.memory_space<vmem>>) dst(%dma_wait3A_247 : memref<200x32xf32, #tpu.memory_space<hbm>>)
    %dma_start3A_252 = arith.constant 1 : i32
    %dma_start3A_253 = arith.constant 1 : i32
    %dma_start3A_254 = arith.constant 0 : i32
    %dma_start3A_255 = arith.constant 0 : i32
    %dma_start3A_256 = tpu.memref_slice %arg6[%dma_start3A_252, %dma_start3A_254, %dma_start3A_255] : memref<4x200x32xf32, #tpu.memory_space<vmem>> -> memref<1x200x32xf32, #tpu.memory_space<vmem>>
    %dma_start3A_257 = tpu.memref_squeeze %dma_start3A_256 : memref<1x200x32xf32, #tpu.memory_space<vmem>> -> memref<200x32xf32, #tpu.memory_space<vmem>>
    %dma_start3A_258 = arith.constant 1000 : i32
    %dma_start3A_259 = tpu.memref_slice %arg5[%dma_start3A_258] : memref<25600xi32, #tpu.memory_space<vmem>> -> memref<200xi32, #tpu.memory_space<vmem>>
    %dma_start3A_260 = arith.constant 0 : i32
    %dma_start3A_261 = arith.constant 0 : i32
    %dma_start3A_262 = tpu.memref_slice %arg3[%dma_start3A_260, %dma_start3A_261] : memref<1000x32xf32, #tpu.memory_space<hbm>> -> memref<1000x32xf32, #tpu.memory_space<hbm>>
    %dma_start3A_263 = tpu.memref_slice %arg7[%dma_start3A_253] : memref<4x!tpu.dma_semaphore, #tpu.memory_space<semaphore_mem>> -> memref<1x!tpu.dma_semaphore, #tpu.memory_space<semaphore_mem>>
    %dma_start3A_264 = tpu.memref_squeeze %dma_start3A_263 : memref<1x!tpu.dma_semaphore, #tpu.memory_space<semaphore_mem>> -> memref<!tpu.dma_semaphore, #tpu.memory_space<semaphore_mem>>
    tpu.enqueue_indirect_dma source(%dma_start3A_262 : memref<1000x32xf32, #tpu.memory_space<hbm>>) target(%dma_start3A_257 : memref<200x32xf32, #tpu.memory_space<vmem>>) offsets(%dma_start3A_259 : memref<200xi32, #tpu.memory_space<vmem>>) semaphore(%dma_start3A_264 : memref<!tpu.dma_semaphore, #tpu.memory_space<semaphore_mem>>)
    %scan3A = arith.constant 0 : i32
    %scan3A_265 = arith.constant 1 : i32
    %scan3A_266 = arith.constant 30 : i32
    %scan3A_267 = arith.addi %scan3A_265, %scan3A_266 : i32
    %scan3A_268 = arith.constant 1 : i32
    scf.for %scan3A_568 = %scan3A_265 to %scan3A_267 step %scan3A_268  : i32 {
      %mul3A_569 = arith.constant 4 : i32
      %mul3A_570 = arith.muli %scan3A_568, %mul3A_569 : i32
      %add3A_571 = arith.constant 0 : i32
      %add3A_572 = arith.addi %mul3A_570, %add3A_571 : i32
      %mul3A_573 = arith.constant 200 : i32
      %mul3A_574 = arith.muli %add3A_572, %mul3A_573 : i32
      %dma_wait3A_575 = arith.constant 0 : i32
      %dma_wait3A_576 = arith.constant 0 : i32
      %dma_wait3A_577 = arith.constant 0 : i32
      %dma_wait3A_578 = arith.constant 0 : i32
      %dma_wait3A_579 = tpu.memref_slice %arg6[%dma_wait3A_575, %dma_wait3A_577, %dma_wait3A_578] : memref<4x200x32xf32, #tpu.memory_space<vmem>> -> memref<1x200x32xf32, #tpu.memory_space<vmem>>
      %dma_wait3A_580 = tpu.memref_squeeze %dma_wait3A_579 : memref<1x200x32xf32, #tpu.memory_space<vmem>> -> memref<200x32xf32, #tpu.memory_space<vmem>>
      %dma_wait3A_581 = tpu.memref_slice %arg5[%mul3A_574] : memref<25600xi32, #tpu.memory_space<vmem>> -> memref<200xi32, #tpu.memory_space<vmem>>
      %dma_wait3A_582 = arith.constant 0 : i32
      %dma_wait3A_583 = arith.constant 0 : i32
      %dma_wait3A_584 = tpu.memref_slice %arg3[%dma_wait3A_582, %dma_wait3A_583] : memref<1000x32xf32, #tpu.memory_space<hbm>> -> memref<1000x32xf32, #tpu.memory_space<hbm>>
      %dma_wait3A_585 = tpu.memref_slice %arg7[%dma_wait3A_576] : memref<4x!tpu.dma_semaphore, #tpu.memory_space<semaphore_mem>> -> memref<1x!tpu.dma_semaphore, #tpu.memory_space<semaphore_mem>>
      %dma_wait3A_586 = tpu.memref_squeeze %dma_wait3A_585 : memref<1x!tpu.dma_semaphore, #tpu.memory_space<semaphore_mem>> -> memref<!tpu.dma_semaphore, #tpu.memory_space<semaphore_mem>>
      tpu.wait_indirect_dma semaphore(%dma_wait3A_586 : memref<!tpu.dma_semaphore, #tpu.memory_space<semaphore_mem>>) src(%dma_wait3A_584 : memref<1000x32xf32, #tpu.memory_space<hbm>>) dst(%dma_wait3A_580 : memref<200x32xf32, #tpu.memory_space<vmem>>)
      %add3A_587 = arith.addi %mul3A_4, %add3A_572 : i32
      %dma_start3A_588 = arith.constant 0 : i32
      %dma_start3A_589 = arith.constant 0 : i32
      %dma_start3A_590 = arith.constant 0 : i32
      %dma_start3A_591 = arith.constant 0 : i32
      %dma_start3A_592 = tpu.memref_slice %arg6[%dma_start3A_588, %dma_start3A_590, %dma_start3A_591] : memref<4x200x32xf32, #tpu.memory_space<vmem>> -> memref<1x200x32xf32, #tpu.memory_space<vmem>>
      %dma_start3A_593 = tpu.memref_squeeze %dma_start3A_592 : memref<1x200x32xf32, #tpu.memory_space<vmem>> -> memref<200x32xf32, #tpu.memory_space<vmem>>
      %dma_start3A_594 = arith.constant 0 : i32
      %dma_start3A_595 = arith.constant 32 : i32
      %dma_start3A_596 = tpu.memref_slice %arg4[%add3A_587, %dma_start3A_594, %dma_start3A_595] : memref<4096x200x128xf32, #tpu.memory_space<hbm>> -> memref<1x200x32xf32, #tpu.memory_space<hbm>>
      %dma_start3A_597 = tpu.memref_squeeze %dma_start3A_596 : memref<1x200x32xf32, #tpu.memory_space<hbm>> -> memref<200x32xf32, #tpu.memory_space<hbm>>
      %dma_start3A_598 = tpu.memref_slice %arg8[%dma_start3A_589] : memref<4x!tpu.dma_semaphore, #tpu.memory_space<semaphore_mem>> -> memref<1x!tpu.dma_semaphore, #tpu.memory_space<semaphore_mem>>
      %dma_start3A_599 = tpu.memref_squeeze %dma_start3A_598 : memref<1x!tpu.dma_semaphore, #tpu.memory_space<semaphore_mem>> -> memref<!tpu.dma_semaphore, #tpu.memory_space<semaphore_mem>>
      %dma_start3A_600 = arith.constant 0 : i32
      %dma_start3A_601 = arith.constant 32 : i32
      %dma_start3A_602 = tpu.memref_slice %arg4[%add3A_587, %dma_start3A_600, %dma_start3A_601] : memref<4096x200x128xf32, #tpu.memory_space<hbm>> -> memref<1x200x32xf32, #tpu.memory_space<hbm>>
      %dma_start3A_603 = tpu.memref_squeeze %dma_start3A_602 : memref<1x200x32xf32, #tpu.memory_space<hbm>> -> memref<200x32xf32, #tpu.memory_space<hbm>>
      %dma_start3A_604 = arith.constant 0 : i32
      %dma_start3A_605 = arith.constant 0 : i32
      %dma_start3A_606 = tpu.memref_slice %arg6[%dma_start3A_588, %dma_start3A_604, %dma_start3A_605] : memref<4x200x32xf32, #tpu.memory_space<vmem>> -> memref<1x200x32xf32, #tpu.memory_space<vmem>>
      %dma_start3A_607 = tpu.memref_squeeze %dma_start3A_606 : memref<1x200x32xf32, #tpu.memory_space<vmem>> -> memref<200x32xf32, #tpu.memory_space<vmem>>
      tpu.enqueue_dma source(%dma_start3A_607 : memref<200x32xf32, #tpu.memory_space<vmem>>) target(%dma_start3A_603 : memref<200x32xf32, #tpu.memory_space<hbm>>) target_semaphore(%dma_start3A_599 : memref<!tpu.dma_semaphore, #tpu.memory_space<semaphore_mem>>)
      %sub3A = arith.constant 2 : i32
      %sub3A_608 = arith.subi %add3A_572, %sub3A : i32
      %add3A_609 = arith.addi %mul3A_4, %sub3A_608 : i32
      %dma_wait3A_610 = arith.constant 2 : i32
      %dma_wait3A_611 = arith.constant 2 : i32
      %dma_wait3A_612 = arith.constant 0 : i32
      %dma_wait3A_613 = arith.constant 0 : i32
      %dma_wait3A_614 = tpu.memref_slice %arg6[%dma_wait3A_610, %dma_wait3A_612, %dma_wait3A_613] : memref<4x200x32xf32, #tpu.memory_space<vmem>> -> memref<1x200x32xf32, #tpu.memory_space<vmem>>
      %dma_wait3A_615 = tpu.memref_squeeze %dma_wait3A_614 : memref<1x200x32xf32, #tpu.memory_space<vmem>> -> memref<200x32xf32, #tpu.memory_space<vmem>>
      %dma_wait3A_616 = arith.constant 0 : i32
      %dma_wait3A_617 = arith.constant 32 : i32
      %dma_wait3A_618 = tpu.memref_slice %arg4[%add3A_609, %dma_wait3A_616, %dma_wait3A_617] : memref<4096x200x128xf32, #tpu.memory_space<hbm>> -> memref<1x200x32xf32, #tpu.memory_space<hbm>>
      %dma_wait3A_619 = tpu.memref_squeeze %dma_wait3A_618 : memref<1x200x32xf32, #tpu.memory_space<hbm>> -> memref<200x32xf32, #tpu.memory_space<hbm>>
      %dma_wait3A_620 = tpu.memref_slice %arg8[%dma_wait3A_611] : memref<4x!tpu.dma_semaphore, #tpu.memory_space<semaphore_mem>> -> memref<1x!tpu.dma_semaphore, #tpu.memory_space<semaphore_mem>>
      %dma_wait3A_621 = tpu.memref_squeeze %dma_wait3A_620 : memref<1x!tpu.dma_semaphore, #tpu.memory_space<semaphore_mem>> -> memref<!tpu.dma_semaphore, #tpu.memory_space<semaphore_mem>>
      %dma_wait3A_622 = arith.constant 0 : i32
      %dma_wait3A_623 = arith.constant 32 : i32
      %dma_wait3A_624 = tpu.memref_slice %arg4[%add3A_609, %dma_wait3A_622, %dma_wait3A_623] : memref<4096x200x128xf32, #tpu.memory_space<hbm>> -> memref<1x200x32xf32, #tpu.memory_space<hbm>>
      %dma_wait3A_625 = tpu.memref_squeeze %dma_wait3A_624 : memref<1x200x32xf32, #tpu.memory_space<hbm>> -> memref<200x32xf32, #tpu.memory_space<hbm>>
      %dma_wait3A_626 = arith.constant 0 : i32
      %dma_wait3A_627 = arith.constant 0 : i32
      %dma_wait3A_628 = tpu.memref_slice %arg6[%dma_wait3A_610, %dma_wait3A_626, %dma_wait3A_627] : memref<4x200x32xf32, #tpu.memory_space<vmem>> -> memref<1x200x32xf32, #tpu.memory_space<vmem>>
      %dma_wait3A_629 = tpu.memref_squeeze %dma_wait3A_628 : memref<1x200x32xf32, #tpu.memory_space<vmem>> -> memref<200x32xf32, #tpu.memory_space<vmem>>
      tpu.wait_dma2 semaphore(%dma_wait3A_621 : memref<!tpu.dma_semaphore, #tpu.memory_space<semaphore_mem>>) src(%dma_wait3A_629 : memref<200x32xf32, #tpu.memory_space<vmem>>) dst(%dma_wait3A_625 : memref<200x32xf32, #tpu.memory_space<hbm>>)
      %add3A_630 = arith.constant 2 : i32
      %add3A_631 = arith.addi %add3A_572, %add3A_630 : i32
      %mul3A_632 = arith.constant 200 : i32
      %mul3A_633 = arith.muli %add3A_631, %mul3A_632 : i32
      %dma_start3A_634 = arith.constant 2 : i32
      %dma_start3A_635 = arith.constant 2 : i32
      %dma_start3A_636 = arith.constant 0 : i32
      %dma_start3A_637 = arith.constant 0 : i32
      %dma_start3A_638 = tpu.memref_slice %arg6[%dma_start3A_634, %dma_start3A_636, %dma_start3A_637] : memref<4x200x32xf32, #tpu.memory_space<vmem>> -> memref<1x200x32xf32, #tpu.memory_space<vmem>>
      %dma_start3A_639 = tpu.memref_squeeze %dma_start3A_638 : memref<1x200x32xf32, #tpu.memory_space<vmem>> -> memref<200x32xf32, #tpu.memory_space<vmem>>
      %dma_start3A_640 = tpu.memref_slice %arg5[%mul3A_633] : memref<25600xi32, #tpu.memory_space<vmem>> -> memref<200xi32, #tpu.memory_space<vmem>>
      %dma_start3A_641 = arith.constant 0 : i32
      %dma_start3A_642 = arith.constant 0 : i32
      %dma_start3A_643 = tpu.memref_slice %arg3[%dma_start3A_641, %dma_start3A_642] : memref<1000x32xf32, #tpu.memory_space<hbm>> -> memref<1000x32xf32, #tpu.memory_space<hbm>>
      %dma_start3A_644 = tpu.memref_slice %arg7[%dma_start3A_635] : memref<4x!tpu.dma_semaphore, #tpu.memory_space<semaphore_mem>> -> memref<1x!tpu.dma_semaphore, #tpu.memory_space<semaphore_mem>>
      %dma_start3A_645 = tpu.memref_squeeze %dma_start3A_644 : memref<1x!tpu.dma_semaphore, #tpu.memory_space<semaphore_mem>> -> memref<!tpu.dma_semaphore, #tpu.memory_space<semaphore_mem>>
      tpu.enqueue_indirect_dma source(%dma_start3A_643 : memref<1000x32xf32, #tpu.memory_space<hbm>>) target(%dma_start3A_639 : memref<200x32xf32, #tpu.memory_space<vmem>>) offsets(%dma_start3A_640 : memref<200xi32, #tpu.memory_space<vmem>>) semaphore(%dma_start3A_645 : memref<!tpu.dma_semaphore, #tpu.memory_space<semaphore_mem>>)
      %add3A_646 = arith.constant 1 : i32
      %add3A_647 = arith.addi %mul3A_570, %add3A_646 : i32
      %mul3A_648 = arith.constant 200 : i32
      %mul3A_649 = arith.muli %add3A_647, %mul3A_648 : i32
      %dma_wait3A_650 = arith.constant 1 : i32
      %dma_wait3A_651 = arith.constant 1 : i32
      %dma_wait3A_652 = arith.constant 0 : i32
      %dma_wait3A_653 = arith.constant 0 : i32
      %dma_wait3A_654 = tpu.memref_slice %arg6[%dma_wait3A_650, %dma_wait3A_652, %dma_wait3A_653] : memref<4x200x32xf32, #tpu.memory_space<vmem>> -> memref<1x200x32xf32, #tpu.memory_space<vmem>>
      %dma_wait3A_655 = tpu.memref_squeeze %dma_wait3A_654 : memref<1x200x32xf32, #tpu.memory_space<vmem>> -> memref<200x32xf32, #tpu.memory_space<vmem>>
      %dma_wait3A_656 = tpu.memref_slice %arg5[%mul3A_649] : memref<25600xi32, #tpu.memory_space<vmem>> -> memref<200xi32, #tpu.memory_space<vmem>>
      %dma_wait3A_657 = arith.constant 0 : i32
      %dma_wait3A_658 = arith.constant 0 : i32
      %dma_wait3A_659 = tpu.memref_slice %arg3[%dma_wait3A_657, %dma_wait3A_658] : memref<1000x32xf32, #tpu.memory_space<hbm>> -> memref<1000x32xf32, #tpu.memory_space<hbm>>
      %dma_wait3A_660 = tpu.memref_slice %arg7[%dma_wait3A_651] : memref<4x!tpu.dma_semaphore, #tpu.memory_space<semaphore_mem>> -> memref<1x!tpu.dma_semaphore, #tpu.memory_space<semaphore_mem>>
      %dma_wait3A_661 = tpu.memref_squeeze %dma_wait3A_660 : memref<1x!tpu.dma_semaphore, #tpu.memory_space<semaphore_mem>> -> memref<!tpu.dma_semaphore, #tpu.memory_space<semaphore_mem>>
      tpu.wait_indirect_dma semaphore(%dma_wait3A_661 : memref<!tpu.dma_semaphore, #tpu.memory_space<semaphore_mem>>) src(%dma_wait3A_659 : memref<1000x32xf32, #tpu.memory_space<hbm>>) dst(%dma_wait3A_655 : memref<200x32xf32, #tpu.memory_space<vmem>>)
      %add3A_662 = arith.addi %mul3A_4, %add3A_647 : i32
      %dma_start3A_663 = arith.constant 1 : i32
      %dma_start3A_664 = arith.constant 1 : i32
      %dma_start3A_665 = arith.constant 0 : i32
      %dma_start3A_666 = arith.constant 0 : i32
      %dma_start3A_667 = tpu.memref_slice %arg6[%dma_start3A_663, %dma_start3A_665, %dma_start3A_666] : memref<4x200x32xf32, #tpu.memory_space<vmem>> -> memref<1x200x32xf32, #tpu.memory_space<vmem>>
      %dma_start3A_668 = tpu.memref_squeeze %dma_start3A_667 : memref<1x200x32xf32, #tpu.memory_space<vmem>> -> memref<200x32xf32, #tpu.memory_space<vmem>>
      %dma_start3A_669 = arith.constant 0 : i32
      %dma_start3A_670 = arith.constant 32 : i32
      %dma_start3A_671 = tpu.memref_slice %arg4[%add3A_662, %dma_start3A_669, %dma_start3A_670] : memref<4096x200x128xf32, #tpu.memory_space<hbm>> -> memref<1x200x32xf32, #tpu.memory_space<hbm>>
      %dma_start3A_672 = tpu.memref_squeeze %dma_start3A_671 : memref<1x200x32xf32, #tpu.memory_space<hbm>> -> memref<200x32xf32, #tpu.memory_space<hbm>>
      %dma_start3A_673 = tpu.memref_slice %arg8[%dma_start3A_664] : memref<4x!tpu.dma_semaphore, #tpu.memory_space<semaphore_mem>> -> memref<1x!tpu.dma_semaphore, #tpu.memory_space<semaphore_mem>>
      %dma_start3A_674 = tpu.memref_squeeze %dma_start3A_673 : memref<1x!tpu.dma_semaphore, #tpu.memory_space<semaphore_mem>> -> memref<!tpu.dma_semaphore, #tpu.memory_space<semaphore_mem>>
      %dma_start3A_675 = arith.constant 0 : i32
      %dma_start3A_676 = arith.constant 32 : i32
      %dma_start3A_677 = tpu.memref_slice %arg4[%add3A_662, %dma_start3A_675, %dma_start3A_676] : memref<4096x200x128xf32, #tpu.memory_space<hbm>> -> memref<1x200x32xf32, #tpu.memory_space<hbm>>
      %dma_start3A_678 = tpu.memref_squeeze %dma_start3A_677 : memref<1x200x32xf32, #tpu.memory_space<hbm>> -> memref<200x32xf32, #tpu.memory_space<hbm>>
      %dma_start3A_679 = arith.constant 0 : i32
      %dma_start3A_680 = arith.constant 0 : i32
      %dma_start3A_681 = tpu.memref_slice %arg6[%dma_start3A_663, %dma_start3A_679, %dma_start3A_680] : memref<4x200x32xf32, #tpu.memory_space<vmem>> -> memref<1x200x32xf32, #tpu.memory_space<vmem>>
      %dma_start3A_682 = tpu.memref_squeeze %dma_start3A_681 : memref<1x200x32xf32, #tpu.memory_space<vmem>> -> memref<200x32xf32, #tpu.memory_space<vmem>>
      tpu.enqueue_dma source(%dma_start3A_682 : memref<200x32xf32, #tpu.memory_space<vmem>>) target(%dma_start3A_678 : memref<200x32xf32, #tpu.memory_space<hbm>>) target_semaphore(%dma_start3A_674 : memref<!tpu.dma_semaphore, #tpu.memory_space<semaphore_mem>>)
      %sub3A_683 = arith.constant 2 : i32
      %sub3A_684 = arith.subi %add3A_647, %sub3A_683 : i32
      %add3A_685 = arith.addi %mul3A_4, %sub3A_684 : i32
      %dma_wait3A_686 = arith.constant 3 : i32
      %dma_wait3A_687 = arith.constant 3 : i32
      %dma_wait3A_688 = arith.constant 0 : i32
      %dma_wait3A_689 = arith.constant 0 : i32
      %dma_wait3A_690 = tpu.memref_slice %arg6[%dma_wait3A_686, %dma_wait3A_688, %dma_wait3A_689] : memref<4x200x32xf32, #tpu.memory_space<vmem>> -> memref<1x200x32xf32, #tpu.memory_space<vmem>>
      %dma_wait3A_691 = tpu.memref_squeeze %dma_wait3A_690 : memref<1x200x32xf32, #tpu.memory_space<vmem>> -> memref<200x32xf32, #tpu.memory_space<vmem>>
      %dma_wait3A_692 = arith.constant 0 : i32
      %dma_wait3A_693 = arith.constant 32 : i32
      %dma_wait3A_694 = tpu.memref_slice %arg4[%add3A_685, %dma_wait3A_692, %dma_wait3A_693] : memref<4096x200x128xf32, #tpu.memory_space<hbm>> -> memref<1x200x32xf32, #tpu.memory_space<hbm>>
      %dma_wait3A_695 = tpu.memref_squeeze %dma_wait3A_694 : memref<1x200x32xf32, #tpu.memory_space<hbm>> -> memref<200x32xf32, #tpu.memory_space<hbm>>
      %dma_wait3A_696 = tpu.memref_slice %arg8[%dma_wait3A_687] : memref<4x!tpu.dma_semaphore, #tpu.memory_space<semaphore_mem>> -> memref<1x!tpu.dma_semaphore, #tpu.memory_space<semaphore_mem>>
      %dma_wait3A_697 = tpu.memref_squeeze %dma_wait3A_696 : memref<1x!tpu.dma_semaphore, #tpu.memory_space<semaphore_mem>> -> memref<!tpu.dma_semaphore, #tpu.memory_space<semaphore_mem>>
      %dma_wait3A_698 = arith.constant 0 : i32
      %dma_wait3A_699 = arith.constant 32 : i32
      %dma_wait3A_700 = tpu.memref_slice %arg4[%add3A_685, %dma_wait3A_698, %dma_wait3A_699] : memref<4096x200x128xf32, #tpu.memory_space<hbm>> -> memref<1x200x32xf32, #tpu.memory_space<hbm>>
      %dma_wait3A_701 = tpu.memref_squeeze %dma_wait3A_700 : memref<1x200x32xf32, #tpu.memory_space<hbm>> -> memref<200x32xf32, #tpu.memory_space<hbm>>
      %dma_wait3A_702 = arith.constant 0 : i32
      %dma_wait3A_703 = arith.constant 0 : i32
      %dma_wait3A_704 = tpu.memref_slice %arg6[%dma_wait3A_686, %dma_wait3A_702, %dma_wait3A_703] : memref<4x200x32xf32, #tpu.memory_space<vmem>> -> memref<1x200x32xf32, #tpu.memory_space<vmem>>
      %dma_wait3A_705 = tpu.memref_squeeze %dma_wait3A_704 : memref<1x200x32xf32, #tpu.memory_space<vmem>> -> memref<200x32xf32, #tpu.memory_space<vmem>>
      tpu.wait_dma2 semaphore(%dma_wait3A_697 : memref<!tpu.dma_semaphore, #tpu.memory_space<semaphore_mem>>) src(%dma_wait3A_705 : memref<200x32xf32, #tpu.memory_space<vmem>>) dst(%dma_wait3A_701 : memref<200x32xf32, #tpu.memory_space<hbm>>)
      %add3A_706 = arith.constant 2 : i32
      %add3A_707 = arith.addi %add3A_647, %add3A_706 : i32
      %mul3A_708 = arith.constant 200 : i32
      %mul3A_709 = arith.muli %add3A_707, %mul3A_708 : i32
      %dma_start3A_710 = arith.constant 3 : i32
      %dma_start3A_711 = arith.constant 3 : i32
      %dma_start3A_712 = arith.constant 0 : i32
      %dma_start3A_713 = arith.constant 0 : i32
      %dma_start3A_714 = tpu.memref_slice %arg6[%dma_start3A_710, %dma_start3A_712, %dma_start3A_713] : memref<4x200x32xf32, #tpu.memory_space<vmem>> -> memref<1x200x32xf32, #tpu.memory_space<vmem>>
      %dma_start3A_715 = tpu.memref_squeeze %dma_start3A_714 : memref<1x200x32xf32, #tpu.memory_space<vmem>> -> memref<200x32xf32, #tpu.memory_space<vmem>>
      %dma_start3A_716 = tpu.memref_slice %arg5[%mul3A_709] : memref<25600xi32, #tpu.memory_space<vmem>> -> memref<200xi32, #tpu.memory_space<vmem>>
      %dma_start3A_717 = arith.constant 0 : i32
      %dma_start3A_718 = arith.constant 0 : i32
      %dma_start3A_719 = tpu.memref_slice %arg3[%dma_start3A_717, %dma_start3A_718] : memref<1000x32xf32, #tpu.memory_space<hbm>> -> memref<1000x32xf32, #tpu.memory_space<hbm>>
      %dma_start3A_720 = tpu.memref_slice %arg7[%dma_start3A_711] : memref<4x!tpu.dma_semaphore, #tpu.memory_space<semaphore_mem>> -> memref<1x!tpu.dma_semaphore, #tpu.memory_space<semaphore_mem>>
      %dma_start3A_721 = tpu.memref_squeeze %dma_start3A_720 : memref<1x!tpu.dma_semaphore, #tpu.memory_space<semaphore_mem>> -> memref<!tpu.dma_semaphore, #tpu.memory_space<semaphore_mem>>
      tpu.enqueue_indirect_dma source(%dma_start3A_719 : memref<1000x32xf32, #tpu.memory_space<hbm>>) target(%dma_start3A_715 : memref<200x32xf32, #tpu.memory_space<vmem>>) offsets(%dma_start3A_716 : memref<200xi32, #tpu.memory_space<vmem>>) semaphore(%dma_start3A_721 : memref<!tpu.dma_semaphore, #tpu.memory_space<semaphore_mem>>)
      %add3A_722 = arith.constant 2 : i32
      %add3A_723 = arith.addi %mul3A_570, %add3A_722 : i32
      %mul3A_724 = arith.constant 200 : i32
      %mul3A_725 = arith.muli %add3A_723, %mul3A_724 : i32
      %dma_wait3A_726 = arith.constant 2 : i32
      %dma_wait3A_727 = arith.constant 2 : i32
      %dma_wait3A_728 = arith.constant 0 : i32
      %dma_wait3A_729 = arith.constant 0 : i32
      %dma_wait3A_730 = tpu.memref_slice %arg6[%dma_wait3A_726, %dma_wait3A_728, %dma_wait3A_729] : memref<4x200x32xf32, #tpu.memory_space<vmem>> -> memref<1x200x32xf32, #tpu.memory_space<vmem>>
      %dma_wait3A_731 = tpu.memref_squeeze %dma_wait3A_730 : memref<1x200x32xf32, #tpu.memory_space<vmem>> -> memref<200x32xf32, #tpu.memory_space<vmem>>
      %dma_wait3A_732 = tpu.memref_slice %arg5[%mul3A_725] : memref<25600xi32, #tpu.memory_space<vmem>> -> memref<200xi32, #tpu.memory_space<vmem>>
      %dma_wait3A_733 = arith.constant 0 : i32
      %dma_wait3A_734 = arith.constant 0 : i32
      %dma_wait3A_735 = tpu.memref_slice %arg3[%dma_wait3A_733, %dma_wait3A_734] : memref<1000x32xf32, #tpu.memory_space<hbm>> -> memref<1000x32xf32, #tpu.memory_space<hbm>>
      %dma_wait3A_736 = tpu.memref_slice %arg7[%dma_wait3A_727] : memref<4x!tpu.dma_semaphore, #tpu.memory_space<semaphore_mem>> -> memref<1x!tpu.dma_semaphore, #tpu.memory_space<semaphore_mem>>
      %dma_wait3A_737 = tpu.memref_squeeze %dma_wait3A_736 : memref<1x!tpu.dma_semaphore, #tpu.memory_space<semaphore_mem>> -> memref<!tpu.dma_semaphore, #tpu.memory_space<semaphore_mem>>
      tpu.wait_indirect_dma semaphore(%dma_wait3A_737 : memref<!tpu.dma_semaphore, #tpu.memory_space<semaphore_mem>>) src(%dma_wait3A_735 : memref<1000x32xf32, #tpu.memory_space<hbm>>) dst(%dma_wait3A_731 : memref<200x32xf32, #tpu.memory_space<vmem>>)
      %add3A_738 = arith.addi %mul3A_4, %add3A_723 : i32
      %dma_start3A_739 = arith.constant 2 : i32
      %dma_start3A_740 = arith.constant 2 : i32
      %dma_start3A_741 = arith.constant 0 : i32
      %dma_start3A_742 = arith.constant 0 : i32
      %dma_start3A_743 = tpu.memref_slice %arg6[%dma_start3A_739, %dma_start3A_741, %dma_start3A_742] : memref<4x200x32xf32, #tpu.memory_space<vmem>> -> memref<1x200x32xf32, #tpu.memory_space<vmem>>
      %dma_start3A_744 = tpu.memref_squeeze %dma_start3A_743 : memref<1x200x32xf32, #tpu.memory_space<vmem>> -> memref<200x32xf32, #tpu.memory_space<vmem>>
      %dma_start3A_745 = arith.constant 0 : i32
      %dma_start3A_746 = arith.constant 32 : i32
      %dma_start3A_747 = tpu.memref_slice %arg4[%add3A_738, %dma_start3A_745, %dma_start3A_746] : memref<4096x200x128xf32, #tpu.memory_space<hbm>> -> memref<1x200x32xf32, #tpu.memory_space<hbm>>
      %dma_start3A_748 = tpu.memref_squeeze %dma_start3A_747 : memref<1x200x32xf32, #tpu.memory_space<hbm>> -> memref<200x32xf32, #tpu.memory_space<hbm>>
      %dma_start3A_749 = tpu.memref_slice %arg8[%dma_start3A_740] : memref<4x!tpu.dma_semaphore, #tpu.memory_space<semaphore_mem>> -> memref<1x!tpu.dma_semaphore, #tpu.memory_space<semaphore_mem>>
      %dma_start3A_750 = tpu.memref_squeeze %dma_start3A_749 : memref<1x!tpu.dma_semaphore, #tpu.memory_space<semaphore_mem>> -> memref<!tpu.dma_semaphore, #tpu.memory_space<semaphore_mem>>
      %dma_start3A_751 = arith.constant 0 : i32
      %dma_start3A_752 = arith.constant 32 : i32
      %dma_start3A_753 = tpu.memref_slice %arg4[%add3A_738, %dma_start3A_751, %dma_start3A_752] : memref<4096x200x128xf32, #tpu.memory_space<hbm>> -> memref<1x200x32xf32, #tpu.memory_space<hbm>>
      %dma_start3A_754 = tpu.memref_squeeze %dma_start3A_753 : memref<1x200x32xf32, #tpu.memory_space<hbm>> -> memref<200x32xf32, #tpu.memory_space<hbm>>
      %dma_start3A_755 = arith.constant 0 : i32
      %dma_start3A_756 = arith.constant 0 : i32
      %dma_start3A_757 = tpu.memref_slice %arg6[%dma_start3A_739, %dma_start3A_755, %dma_start3A_756] : memref<4x200x32xf32, #tpu.memory_space<vmem>> -> memref<1x200x32xf32, #tpu.memory_space<vmem>>
      %dma_start3A_758 = tpu.memref_squeeze %dma_start3A_757 : memref<1x200x32xf32, #tpu.memory_space<vmem>> -> memref<200x32xf32, #tpu.memory_space<vmem>>
      tpu.enqueue_dma source(%dma_start3A_758 : memref<200x32xf32, #tpu.memory_space<vmem>>) target(%dma_start3A_754 : memref<200x32xf32, #tpu.memory_space<hbm>>) target_semaphore(%dma_start3A_750 : memref<!tpu.dma_semaphore, #tpu.memory_space<semaphore_mem>>)
      %sub3A_759 = arith.constant 2 : i32
      %sub3A_760 = arith.subi %add3A_723, %sub3A_759 : i32
      %add3A_761 = arith.addi %mul3A_4, %sub3A_760 : i32
      %dma_wait3A_762 = arith.constant 0 : i32
      %dma_wait3A_763 = arith.constant 0 : i32
      %dma_wait3A_764 = arith.constant 0 : i32
      %dma_wait3A_765 = arith.constant 0 : i32
      %dma_wait3A_766 = tpu.memref_slice %arg6[%dma_wait3A_762, %dma_wait3A_764, %dma_wait3A_765] : memref<4x200x32xf32, #tpu.memory_space<vmem>> -> memref<1x200x32xf32, #tpu.memory_space<vmem>>
      %dma_wait3A_767 = tpu.memref_squeeze %dma_wait3A_766 : memref<1x200x32xf32, #tpu.memory_space<vmem>> -> memref<200x32xf32, #tpu.memory_space<vmem>>
      %dma_wait3A_768 = arith.constant 0 : i32
      %dma_wait3A_769 = arith.constant 32 : i32
      %dma_wait3A_770 = tpu.memref_slice %arg4[%add3A_761, %dma_wait3A_768, %dma_wait3A_769] : memref<4096x200x128xf32, #tpu.memory_space<hbm>> -> memref<1x200x32xf32, #tpu.memory_space<hbm>>
      %dma_wait3A_771 = tpu.memref_squeeze %dma_wait3A_770 : memref<1x200x32xf32, #tpu.memory_space<hbm>> -> memref<200x32xf32, #tpu.memory_space<hbm>>
      %dma_wait3A_772 = tpu.memref_slice %arg8[%dma_wait3A_763] : memref<4x!tpu.dma_semaphore, #tpu.memory_space<semaphore_mem>> -> memref<1x!tpu.dma_semaphore, #tpu.memory_space<semaphore_mem>>
      %dma_wait3A_773 = tpu.memref_squeeze %dma_wait3A_772 : memref<1x!tpu.dma_semaphore, #tpu.memory_space<semaphore_mem>> -> memref<!tpu.dma_semaphore, #tpu.memory_space<semaphore_mem>>
      %dma_wait3A_774 = arith.constant 0 : i32
      %dma_wait3A_775 = arith.constant 32 : i32
      %dma_wait3A_776 = tpu.memref_slice %arg4[%add3A_761, %dma_wait3A_774, %dma_wait3A_775] : memref<4096x200x128xf32, #tpu.memory_space<hbm>> -> memref<1x200x32xf32, #tpu.memory_space<hbm>>
      %dma_wait3A_777 = tpu.memref_squeeze %dma_wait3A_776 : memref<1x200x32xf32, #tpu.memory_space<hbm>> -> memref<200x32xf32, #tpu.memory_space<hbm>>
      %dma_wait3A_778 = arith.constant 0 : i32
      %dma_wait3A_779 = arith.constant 0 : i32
      %dma_wait3A_780 = tpu.memref_slice %arg6[%dma_wait3A_762, %dma_wait3A_778, %dma_wait3A_779] : memref<4x200x32xf32, #tpu.memory_space<vmem>> -> memref<1x200x32xf32, #tpu.memory_space<vmem>>
      %dma_wait3A_781 = tpu.memref_squeeze %dma_wait3A_780 : memref<1x200x32xf32, #tpu.memory_space<vmem>> -> memref<200x32xf32, #tpu.memory_space<vmem>>
      tpu.wait_dma2 semaphore(%dma_wait3A_773 : memref<!tpu.dma_semaphore, #tpu.memory_space<semaphore_mem>>) src(%dma_wait3A_781 : memref<200x32xf32, #tpu.memory_space<vmem>>) dst(%dma_wait3A_777 : memref<200x32xf32, #tpu.memory_space<hbm>>)
      %add3A_782 = arith.constant 2 : i32
      %add3A_783 = arith.addi %add3A_723, %add3A_782 : i32
      %mul3A_784 = arith.constant 200 : i32
      %mul3A_785 = arith.muli %add3A_783, %mul3A_784 : i32
      %dma_start3A_786 = arith.constant 0 : i32
      %dma_start3A_787 = arith.constant 0 : i32
      %dma_start3A_788 = arith.constant 0 : i32
      %dma_start3A_789 = arith.constant 0 : i32
      %dma_start3A_790 = tpu.memref_slice %arg6[%dma_start3A_786, %dma_start3A_788, %dma_start3A_789] : memref<4x200x32xf32, #tpu.memory_space<vmem>> -> memref<1x200x32xf32, #tpu.memory_space<vmem>>
      %dma_start3A_791 = tpu.memref_squeeze %dma_start3A_790 : memref<1x200x32xf32, #tpu.memory_space<vmem>> -> memref<200x32xf32, #tpu.memory_space<vmem>>
      %dma_start3A_792 = tpu.memref_slice %arg5[%mul3A_785] : memref<25600xi32, #tpu.memory_space<vmem>> -> memref<200xi32, #tpu.memory_space<vmem>>
      %dma_start3A_793 = arith.constant 0 : i32
      %dma_start3A_794 = arith.constant 0 : i32
      %dma_start3A_795 = tpu.memref_slice %arg3[%dma_start3A_793, %dma_start3A_794] : memref<1000x32xf32, #tpu.memory_space<hbm>> -> memref<1000x32xf32, #tpu.memory_space<hbm>>
      %dma_start3A_796 = tpu.memref_slice %arg7[%dma_start3A_787] : memref<4x!tpu.dma_semaphore, #tpu.memory_space<semaphore_mem>> -> memref<1x!tpu.dma_semaphore, #tpu.memory_space<semaphore_mem>>
      %dma_start3A_797 = tpu.memref_squeeze %dma_start3A_796 : memref<1x!tpu.dma_semaphore, #tpu.memory_space<semaphore_mem>> -> memref<!tpu.dma_semaphore, #tpu.memory_space<semaphore_mem>>
      tpu.enqueue_indirect_dma source(%dma_start3A_795 : memref<1000x32xf32, #tpu.memory_space<hbm>>) target(%dma_start3A_791 : memref<200x32xf32, #tpu.memory_space<vmem>>) offsets(%dma_start3A_792 : memref<200xi32, #tpu.memory_space<vmem>>) semaphore(%dma_start3A_797 : memref<!tpu.dma_semaphore, #tpu.memory_space<semaphore_mem>>)
      %add3A_798 = arith.constant 3 : i32
      %add3A_799 = arith.addi %mul3A_570, %add3A_798 : i32
      %mul3A_800 = arith.constant 200 : i32
      %mul3A_801 = arith.muli %add3A_799, %mul3A_800 : i32
      %dma_wait3A_802 = arith.constant 3 : i32
      %dma_wait3A_803 = arith.constant 3 : i32
      %dma_wait3A_804 = arith.constant 0 : i32
      %dma_wait3A_805 = arith.constant 0 : i32
      %dma_wait3A_806 = tpu.memref_slice %arg6[%dma_wait3A_802, %dma_wait3A_804, %dma_wait3A_805] : memref<4x200x32xf32, #tpu.memory_space<vmem>> -> memref<1x200x32xf32, #tpu.memory_space<vmem>>
      %dma_wait3A_807 = tpu.memref_squeeze %dma_wait3A_806 : memref<1x200x32xf32, #tpu.memory_space<vmem>> -> memref<200x32xf32, #tpu.memory_space<vmem>>
      %dma_wait3A_808 = tpu.memref_slice %arg5[%mul3A_801] : memref<25600xi32, #tpu.memory_space<vmem>> -> memref<200xi32, #tpu.memory_space<vmem>>
      %dma_wait3A_809 = arith.constant 0 : i32
      %dma_wait3A_810 = arith.constant 0 : i32
      %dma_wait3A_811 = tpu.memref_slice %arg3[%dma_wait3A_809, %dma_wait3A_810] : memref<1000x32xf32, #tpu.memory_space<hbm>> -> memref<1000x32xf32, #tpu.memory_space<hbm>>
      %dma_wait3A_812 = tpu.memref_slice %arg7[%dma_wait3A_803] : memref<4x!tpu.dma_semaphore, #tpu.memory_space<semaphore_mem>> -> memref<1x!tpu.dma_semaphore, #tpu.memory_space<semaphore_mem>>
      %dma_wait3A_813 = tpu.memref_squeeze %dma_wait3A_812 : memref<1x!tpu.dma_semaphore, #tpu.memory_space<semaphore_mem>> -> memref<!tpu.dma_semaphore, #tpu.memory_space<semaphore_mem>>
      tpu.wait_indirect_dma semaphore(%dma_wait3A_813 : memref<!tpu.dma_semaphore, #tpu.memory_space<semaphore_mem>>) src(%dma_wait3A_811 : memref<1000x32xf32, #tpu.memory_space<hbm>>) dst(%dma_wait3A_807 : memref<200x32xf32, #tpu.memory_space<vmem>>)
      %add3A_814 = arith.addi %mul3A_4, %add3A_799 : i32
      %dma_start3A_815 = arith.constant 3 : i32
      %dma_start3A_816 = arith.constant 3 : i32
      %dma_start3A_817 = arith.constant 0 : i32
      %dma_start3A_818 = arith.constant 0 : i32
      %dma_start3A_819 = tpu.memref_slice %arg6[%dma_start3A_815, %dma_start3A_817, %dma_start3A_818] : memref<4x200x32xf32, #tpu.memory_space<vmem>> -> memref<1x200x32xf32, #tpu.memory_space<vmem>>
      %dma_start3A_820 = tpu.memref_squeeze %dma_start3A_819 : memref<1x200x32xf32, #tpu.memory_space<vmem>> -> memref<200x32xf32, #tpu.memory_space<vmem>>
      %dma_start3A_821 = arith.constant 0 : i32
      %dma_start3A_822 = arith.constant 32 : i32
      %dma_start3A_823 = tpu.memref_slice %arg4[%add3A_814, %dma_start3A_821, %dma_start3A_822] : memref<4096x200x128xf32, #tpu.memory_space<hbm>> -> memref<1x200x32xf32, #tpu.memory_space<hbm>>
      %dma_start3A_824 = tpu.memref_squeeze %dma_start3A_823 : memref<1x200x32xf32, #tpu.memory_space<hbm>> -> memref<200x32xf32, #tpu.memory_space<hbm>>
      %dma_start3A_825 = tpu.memref_slice %arg8[%dma_start3A_816] : memref<4x!tpu.dma_semaphore, #tpu.memory_space<semaphore_mem>> -> memref<1x!tpu.dma_semaphore, #tpu.memory_space<semaphore_mem>>
      %dma_start3A_826 = tpu.memref_squeeze %dma_start3A_825 : memref<1x!tpu.dma_semaphore, #tpu.memory_space<semaphore_mem>> -> memref<!tpu.dma_semaphore, #tpu.memory_space<semaphore_mem>>
      %dma_start3A_827 = arith.constant 0 : i32
      %dma_start3A_828 = arith.constant 32 : i32
      %dma_start3A_829 = tpu.memref_slice %arg4[%add3A_814, %dma_start3A_827, %dma_start3A_828] : memref<4096x200x128xf32, #tpu.memory_space<hbm>> -> memref<1x200x32xf32, #tpu.memory_space<hbm>>
      %dma_start3A_830 = tpu.memref_squeeze %dma_start3A_829 : memref<1x200x32xf32, #tpu.memory_space<hbm>> -> memref<200x32xf32, #tpu.memory_space<hbm>>
      %dma_start3A_831 = arith.constant 0 : i32
      %dma_start3A_832 = arith.constant 0 : i32
      %dma_start3A_833 = tpu.memref_slice %arg6[%dma_start3A_815, %dma_start3A_831, %dma_start3A_832] : memref<4x200x32xf32, #tpu.memory_space<vmem>> -> memref<1x200x32xf32, #tpu.memory_space<vmem>>
      %dma_start3A_834 = tpu.memref_squeeze %dma_start3A_833 : memref<1x200x32xf32, #tpu.memory_space<vmem>> -> memref<200x32xf32, #tpu.memory_space<vmem>>
      tpu.enqueue_dma source(%dma_start3A_834 : memref<200x32xf32, #tpu.memory_space<vmem>>) target(%dma_start3A_830 : memref<200x32xf32, #tpu.memory_space<hbm>>) target_semaphore(%dma_start3A_826 : memref<!tpu.dma_semaphore, #tpu.memory_space<semaphore_mem>>)
      %sub3A_835 = arith.constant 2 : i32
      %sub3A_836 = arith.subi %add3A_799, %sub3A_835 : i32
      %add3A_837 = arith.addi %mul3A_4, %sub3A_836 : i32
      %dma_wait3A_838 = arith.constant 1 : i32
      %dma_wait3A_839 = arith.constant 1 : i32
      %dma_wait3A_840 = arith.constant 0 : i32
      %dma_wait3A_841 = arith.constant 0 : i32
      %dma_wait3A_842 = tpu.memref_slice %arg6[%dma_wait3A_838, %dma_wait3A_840, %dma_wait3A_841] : memref<4x200x32xf32, #tpu.memory_space<vmem>> -> memref<1x200x32xf32, #tpu.memory_space<vmem>>
      %dma_wait3A_843 = tpu.memref_squeeze %dma_wait3A_842 : memref<1x200x32xf32, #tpu.memory_space<vmem>> -> memref<200x32xf32, #tpu.memory_space<vmem>>
      %dma_wait3A_844 = arith.constant 0 : i32
      %dma_wait3A_845 = arith.constant 32 : i32
      %dma_wait3A_846 = tpu.memref_slice %arg4[%add3A_837, %dma_wait3A_844, %dma_wait3A_845] : memref<4096x200x128xf32, #tpu.memory_space<hbm>> -> memref<1x200x32xf32, #tpu.memory_space<hbm>>
      %dma_wait3A_847 = tpu.memref_squeeze %dma_wait3A_846 : memref<1x200x32xf32, #tpu.memory_space<hbm>> -> memref<200x32xf32, #tpu.memory_space<hbm>>
      %dma_wait3A_848 = tpu.memref_slice %arg8[%dma_wait3A_839] : memref<4x!tpu.dma_semaphore, #tpu.memory_space<semaphore_mem>> -> memref<1x!tpu.dma_semaphore, #tpu.memory_space<semaphore_mem>>
      %dma_wait3A_849 = tpu.memref_squeeze %dma_wait3A_848 : memref<1x!tpu.dma_semaphore, #tpu.memory_space<semaphore_mem>> -> memref<!tpu.dma_semaphore, #tpu.memory_space<semaphore_mem>>
      %dma_wait3A_850 = arith.constant 0 : i32
      %dma_wait3A_851 = arith.constant 32 : i32
      %dma_wait3A_852 = tpu.memref_slice %arg4[%add3A_837, %dma_wait3A_850, %dma_wait3A_851] : memref<4096x200x128xf32, #tpu.memory_space<hbm>> -> memref<1x200x32xf32, #tpu.memory_space<hbm>>
      %dma_wait3A_853 = tpu.memref_squeeze %dma_wait3A_852 : memref<1x200x32xf32, #tpu.memory_space<hbm>> -> memref<200x32xf32, #tpu.memory_space<hbm>>
      %dma_wait3A_854 = arith.constant 0 : i32
      %dma_wait3A_855 = arith.constant 0 : i32
      %dma_wait3A_856 = tpu.memref_slice %arg6[%dma_wait3A_838, %dma_wait3A_854, %dma_wait3A_855] : memref<4x200x32xf32, #tpu.memory_space<vmem>> -> memref<1x200x32xf32, #tpu.memory_space<vmem>>
      %dma_wait3A_857 = tpu.memref_squeeze %dma_wait3A_856 : memref<1x200x32xf32, #tpu.memory_space<vmem>> -> memref<200x32xf32, #tpu.memory_space<vmem>>
      tpu.wait_dma2 semaphore(%dma_wait3A_849 : memref<!tpu.dma_semaphore, #tpu.memory_space<semaphore_mem>>) src(%dma_wait3A_857 : memref<200x32xf32, #tpu.memory_space<vmem>>) dst(%dma_wait3A_853 : memref<200x32xf32, #tpu.memory_space<hbm>>)
      %add3A_858 = arith.constant 2 : i32
      %add3A_859 = arith.addi %add3A_799, %add3A_858 : i32
      %mul3A_860 = arith.constant 200 : i32
      %mul3A_861 = arith.muli %add3A_859, %mul3A_860 : i32
      %dma_start3A_862 = arith.constant 1 : i32
      %dma_start3A_863 = arith.constant 1 : i32
      %dma_start3A_864 = arith.constant 0 : i32
      %dma_start3A_865 = arith.constant 0 : i32
      %dma_start3A_866 = tpu.memref_slice %arg6[%dma_start3A_862, %dma_start3A_864, %dma_start3A_865] : memref<4x200x32xf32, #tpu.memory_space<vmem>> -> memref<1x200x32xf32, #tpu.memory_space<vmem>>
      %dma_start3A_867 = tpu.memref_squeeze %dma_start3A_866 : memref<1x200x32xf32, #tpu.memory_space<vmem>> -> memref<200x32xf32, #tpu.memory_space<vmem>>
      %dma_start3A_868 = tpu.memref_slice %arg5[%mul3A_861] : memref<25600xi32, #tpu.memory_space<vmem>> -> memref<200xi32, #tpu.memory_space<vmem>>
      %dma_start3A_869 = arith.constant 0 : i32
      %dma_start3A_870 = arith.constant 0 : i32
      %dma_start3A_871 = tpu.memref_slice %arg3[%dma_start3A_869, %dma_start3A_870] : memref<1000x32xf32, #tpu.memory_space<hbm>> -> memref<1000x32xf32, #tpu.memory_space<hbm>>
      %dma_start3A_872 = tpu.memref_slice %arg7[%dma_start3A_863] : memref<4x!tpu.dma_semaphore, #tpu.memory_space<semaphore_mem>> -> memref<1x!tpu.dma_semaphore, #tpu.memory_space<semaphore_mem>>
      %dma_start3A_873 = tpu.memref_squeeze %dma_start3A_872 : memref<1x!tpu.dma_semaphore, #tpu.memory_space<semaphore_mem>> -> memref<!tpu.dma_semaphore, #tpu.memory_space<semaphore_mem>>
      tpu.enqueue_indirect_dma source(%dma_start3A_871 : memref<1000x32xf32, #tpu.memory_space<hbm>>) target(%dma_start3A_867 : memref<200x32xf32, #tpu.memory_space<vmem>>) offsets(%dma_start3A_868 : memref<200xi32, #tpu.memory_space<vmem>>) semaphore(%dma_start3A_873 : memref<!tpu.dma_semaphore, #tpu.memory_space<semaphore_mem>>)
    }
    %scan3A_269 = arith.constant 30 : i32
    %dma_wait3A_270 = arith.constant 0 : i32
    %dma_wait3A_271 = arith.constant 0 : i32
    %dma_wait3A_272 = arith.constant 0 : i32
    %dma_wait3A_273 = arith.constant 0 : i32
    %dma_wait3A_274 = tpu.memref_slice %arg6[%dma_wait3A_270, %dma_wait3A_272, %dma_wait3A_273] : memref<4x200x32xf32, #tpu.memory_space<vmem>> -> memref<1x200x32xf32, #tpu.memory_space<vmem>>
    %dma_wait3A_275 = tpu.memref_squeeze %dma_wait3A_274 : memref<1x200x32xf32, #tpu.memory_space<vmem>> -> memref<200x32xf32, #tpu.memory_space<vmem>>
    %dma_wait3A_276 = arith.constant 24800 : i32
    %dma_wait3A_277 = tpu.memref_slice %arg5[%dma_wait3A_276] : memref<25600xi32, #tpu.memory_space<vmem>> -> memref<200xi32, #tpu.memory_space<vmem>>
    %dma_wait3A_278 = arith.constant 0 : i32
    %dma_wait3A_279 = arith.constant 0 : i32
    %dma_wait3A_280 = tpu.memref_slice %arg3[%dma_wait3A_278, %dma_wait3A_279] : memref<1000x32xf32, #tpu.memory_space<hbm>> -> memref<1000x32xf32, #tpu.memory_space<hbm>>
    %dma_wait3A_281 = tpu.memref_slice %arg7[%dma_wait3A_271] : memref<4x!tpu.dma_semaphore, #tpu.memory_space<semaphore_mem>> -> memref<1x!tpu.dma_semaphore, #tpu.memory_space<semaphore_mem>>
    %dma_wait3A_282 = tpu.memref_squeeze %dma_wait3A_281 : memref<1x!tpu.dma_semaphore, #tpu.memory_space<semaphore_mem>> -> memref<!tpu.dma_semaphore, #tpu.memory_space<semaphore_mem>>
    tpu.wait_indirect_dma semaphore(%dma_wait3A_282 : memref<!tpu.dma_semaphore, #tpu.memory_space<semaphore_mem>>) src(%dma_wait3A_280 : memref<1000x32xf32, #tpu.memory_space<hbm>>) dst(%dma_wait3A_275 : memref<200x32xf32, #tpu.memory_space<vmem>>)
    %add3A_283 = arith.constant 124 : i32
    %add3A_284 = arith.addi %mul3A_4, %add3A_283 : i32
    %dma_start3A_285 = arith.constant 0 : i32
    %dma_start3A_286 = arith.constant 0 : i32
    %dma_start3A_287 = arith.constant 0 : i32
    %dma_start3A_288 = arith.constant 0 : i32
    %dma_start3A_289 = tpu.memref_slice %arg6[%dma_start3A_285, %dma_start3A_287, %dma_start3A_288] : memref<4x200x32xf32, #tpu.memory_space<vmem>> -> memref<1x200x32xf32, #tpu.memory_space<vmem>>
    %dma_start3A_290 = tpu.memref_squeeze %dma_start3A_289 : memref<1x200x32xf32, #tpu.memory_space<vmem>> -> memref<200x32xf32, #tpu.memory_space<vmem>>
    %dma_start3A_291 = arith.constant 0 : i32
    %dma_start3A_292 = arith.constant 32 : i32
    %dma_start3A_293 = tpu.memref_slice %arg4[%add3A_284, %dma_start3A_291, %dma_start3A_292] : memref<4096x200x128xf32, #tpu.memory_space<hbm>> -> memref<1x200x32xf32, #tpu.memory_space<hbm>>
    %dma_start3A_294 = tpu.memref_squeeze %dma_start3A_293 : memref<1x200x32xf32, #tpu.memory_space<hbm>> -> memref<200x32xf32, #tpu.memory_space<hbm>>
    %dma_start3A_295 = tpu.memref_slice %arg8[%dma_start3A_286] : memref<4x!tpu.dma_semaphore, #tpu.memory_space<semaphore_mem>> -> memref<1x!tpu.dma_semaphore, #tpu.memory_space<semaphore_mem>>
    %dma_start3A_296 = tpu.memref_squeeze %dma_start3A_295 : memref<1x!tpu.dma_semaphore, #tpu.memory_space<semaphore_mem>> -> memref<!tpu.dma_semaphore, #tpu.memory_space<semaphore_mem>>
    %dma_start3A_297 = arith.constant 0 : i32
    %dma_start3A_298 = arith.constant 32 : i32
    %dma_start3A_299 = tpu.memref_slice %arg4[%add3A_284, %dma_start3A_297, %dma_start3A_298] : memref<4096x200x128xf32, #tpu.memory_space<hbm>> -> memref<1x200x32xf32, #tpu.memory_space<hbm>>
    %dma_start3A_300 = tpu.memref_squeeze %dma_start3A_299 : memref<1x200x32xf32, #tpu.memory_space<hbm>> -> memref<200x32xf32, #tpu.memory_space<hbm>>
    %dma_start3A_301 = arith.constant 0 : i32
    %dma_start3A_302 = arith.constant 0 : i32
    %dma_start3A_303 = tpu.memref_slice %arg6[%dma_start3A_285, %dma_start3A_301, %dma_start3A_302] : memref<4x200x32xf32, #tpu.memory_space<vmem>> -> memref<1x200x32xf32, #tpu.memory_space<vmem>>
    %dma_start3A_304 = tpu.memref_squeeze %dma_start3A_303 : memref<1x200x32xf32, #tpu.memory_space<vmem>> -> memref<200x32xf32, #tpu.memory_space<vmem>>
    tpu.enqueue_dma source(%dma_start3A_304 : memref<200x32xf32, #tpu.memory_space<vmem>>) target(%dma_start3A_300 : memref<200x32xf32, #tpu.memory_space<hbm>>) target_semaphore(%dma_start3A_296 : memref<!tpu.dma_semaphore, #tpu.memory_space<semaphore_mem>>)
    %add3A_305 = arith.constant 122 : i32
    %add3A_306 = arith.addi %mul3A_4, %add3A_305 : i32
    %dma_wait3A_307 = arith.constant 2 : i32
    %dma_wait3A_308 = arith.constant 2 : i32
    %dma_wait3A_309 = arith.constant 0 : i32
    %dma_wait3A_310 = arith.constant 0 : i32
    %dma_wait3A_311 = tpu.memref_slice %arg6[%dma_wait3A_307, %dma_wait3A_309, %dma_wait3A_310] : memref<4x200x32xf32, #tpu.memory_space<vmem>> -> memref<1x200x32xf32, #tpu.memory_space<vmem>>
    %dma_wait3A_312 = tpu.memref_squeeze %dma_wait3A_311 : memref<1x200x32xf32, #tpu.memory_space<vmem>> -> memref<200x32xf32, #tpu.memory_space<vmem>>
    %dma_wait3A_313 = arith.constant 0 : i32
    %dma_wait3A_314 = arith.constant 32 : i32
    %dma_wait3A_315 = tpu.memref_slice %arg4[%add3A_306, %dma_wait3A_313, %dma_wait3A_314] : memref<4096x200x128xf32, #tpu.memory_space<hbm>> -> memref<1x200x32xf32, #tpu.memory_space<hbm>>
    %dma_wait3A_316 = tpu.memref_squeeze %dma_wait3A_315 : memref<1x200x32xf32, #tpu.memory_space<hbm>> -> memref<200x32xf32, #tpu.memory_space<hbm>>
    %dma_wait3A_317 = tpu.memref_slice %arg8[%dma_wait3A_308] : memref<4x!tpu.dma_semaphore, #tpu.memory_space<semaphore_mem>> -> memref<1x!tpu.dma_semaphore, #tpu.memory_space<semaphore_mem>>
    %dma_wait3A_318 = tpu.memref_squeeze %dma_wait3A_317 : memref<1x!tpu.dma_semaphore, #tpu.memory_space<semaphore_mem>> -> memref<!tpu.dma_semaphore, #tpu.memory_space<semaphore_mem>>
    %dma_wait3A_319 = arith.constant 0 : i32
    %dma_wait3A_320 = arith.constant 32 : i32
    %dma_wait3A_321 = tpu.memref_slice %arg4[%add3A_306, %dma_wait3A_319, %dma_wait3A_320] : memref<4096x200x128xf32, #tpu.memory_space<hbm>> -> memref<1x200x32xf32, #tpu.memory_space<hbm>>
    %dma_wait3A_322 = tpu.memref_squeeze %dma_wait3A_321 : memref<1x200x32xf32, #tpu.memory_space<hbm>> -> memref<200x32xf32, #tpu.memory_space<hbm>>
    %dma_wait3A_323 = arith.constant 0 : i32
    %dma_wait3A_324 = arith.constant 0 : i32
    %dma_wait3A_325 = tpu.memref_slice %arg6[%dma_wait3A_307, %dma_wait3A_323, %dma_wait3A_324] : memref<4x200x32xf32, #tpu.memory_space<vmem>> -> memref<1x200x32xf32, #tpu.memory_space<vmem>>
    %dma_wait3A_326 = tpu.memref_squeeze %dma_wait3A_325 : memref<1x200x32xf32, #tpu.memory_space<vmem>> -> memref<200x32xf32, #tpu.memory_space<vmem>>
    tpu.wait_dma2 semaphore(%dma_wait3A_318 : memref<!tpu.dma_semaphore, #tpu.memory_space<semaphore_mem>>) src(%dma_wait3A_326 : memref<200x32xf32, #tpu.memory_space<vmem>>) dst(%dma_wait3A_322 : memref<200x32xf32, #tpu.memory_space<hbm>>)
    %dma_start3A_327 = arith.constant 2 : i32
    %dma_start3A_328 = arith.constant 2 : i32
    %dma_start3A_329 = arith.constant 0 : i32
    %dma_start3A_330 = arith.constant 0 : i32
    %dma_start3A_331 = tpu.memref_slice %arg6[%dma_start3A_327, %dma_start3A_329, %dma_start3A_330] : memref<4x200x32xf32, #tpu.memory_space<vmem>> -> memref<1x200x32xf32, #tpu.memory_space<vmem>>
    %dma_start3A_332 = tpu.memref_squeeze %dma_start3A_331 : memref<1x200x32xf32, #tpu.memory_space<vmem>> -> memref<200x32xf32, #tpu.memory_space<vmem>>
    %dma_start3A_333 = arith.constant 25200 : i32
    %dma_start3A_334 = tpu.memref_slice %arg5[%dma_start3A_333] : memref<25600xi32, #tpu.memory_space<vmem>> -> memref<200xi32, #tpu.memory_space<vmem>>
    %dma_start3A_335 = arith.constant 0 : i32
    %dma_start3A_336 = arith.constant 0 : i32
    %dma_start3A_337 = tpu.memref_slice %arg3[%dma_start3A_335, %dma_start3A_336] : memref<1000x32xf32, #tpu.memory_space<hbm>> -> memref<1000x32xf32, #tpu.memory_space<hbm>>
    %dma_start3A_338 = tpu.memref_slice %arg7[%dma_start3A_328] : memref<4x!tpu.dma_semaphore, #tpu.memory_space<semaphore_mem>> -> memref<1x!tpu.dma_semaphore, #tpu.memory_space<semaphore_mem>>
    %dma_start3A_339 = tpu.memref_squeeze %dma_start3A_338 : memref<1x!tpu.dma_semaphore, #tpu.memory_space<semaphore_mem>> -> memref<!tpu.dma_semaphore, #tpu.memory_space<semaphore_mem>>
    tpu.enqueue_indirect_dma source(%dma_start3A_337 : memref<1000x32xf32, #tpu.memory_space<hbm>>) target(%dma_start3A_332 : memref<200x32xf32, #tpu.memory_space<vmem>>) offsets(%dma_start3A_334 : memref<200xi32, #tpu.memory_space<vmem>>) semaphore(%dma_start3A_339 : memref<!tpu.dma_semaphore, #tpu.memory_space<semaphore_mem>>)
    %dma_wait3A_340 = arith.constant 1 : i32
    %dma_wait3A_341 = arith.constant 1 : i32
    %dma_wait3A_342 = arith.constant 0 : i32
    %dma_wait3A_343 = arith.constant 0 : i32
    %dma_wait3A_344 = tpu.memref_slice %arg6[%dma_wait3A_340, %dma_wait3A_342, %dma_wait3A_343] : memref<4x200x32xf32, #tpu.memory_space<vmem>> -> memref<1x200x32xf32, #tpu.memory_space<vmem>>
    %dma_wait3A_345 = tpu.memref_squeeze %dma_wait3A_344 : memref<1x200x32xf32, #tpu.memory_space<vmem>> -> memref<200x32xf32, #tpu.memory_space<vmem>>
    %dma_wait3A_346 = arith.constant 25000 : i32
    %dma_wait3A_347 = tpu.memref_slice %arg5[%dma_wait3A_346] : memref<25600xi32, #tpu.memory_space<vmem>> -> memref<200xi32, #tpu.memory_space<vmem>>
    %dma_wait3A_348 = arith.constant 0 : i32
    %dma_wait3A_349 = arith.constant 0 : i32
    %dma_wait3A_350 = tpu.memref_slice %arg3[%dma_wait3A_348, %dma_wait3A_349] : memref<1000x32xf32, #tpu.memory_space<hbm>> -> memref<1000x32xf32, #tpu.memory_space<hbm>>
    %dma_wait3A_351 = tpu.memref_slice %arg7[%dma_wait3A_341] : memref<4x!tpu.dma_semaphore, #tpu.memory_space<semaphore_mem>> -> memref<1x!tpu.dma_semaphore, #tpu.memory_space<semaphore_mem>>
    %dma_wait3A_352 = tpu.memref_squeeze %dma_wait3A_351 : memref<1x!tpu.dma_semaphore, #tpu.memory_space<semaphore_mem>> -> memref<!tpu.dma_semaphore, #tpu.memory_space<semaphore_mem>>
    tpu.wait_indirect_dma semaphore(%dma_wait3A_352 : memref<!tpu.dma_semaphore, #tpu.memory_space<semaphore_mem>>) src(%dma_wait3A_350 : memref<1000x32xf32, #tpu.memory_space<hbm>>) dst(%dma_wait3A_345 : memref<200x32xf32, #tpu.memory_space<vmem>>)
    %add3A_353 = arith.constant 125 : i32
    %add3A_354 = arith.addi %mul3A_4, %add3A_353 : i32
    %dma_start3A_355 = arith.constant 1 : i32
    %dma_start3A_356 = arith.constant 1 : i32
    %dma_start3A_357 = arith.constant 0 : i32
    %dma_start3A_358 = arith.constant 0 : i32
    %dma_start3A_359 = tpu.memref_slice %arg6[%dma_start3A_355, %dma_start3A_357, %dma_start3A_358] : memref<4x200x32xf32, #tpu.memory_space<vmem>> -> memref<1x200x32xf32, #tpu.memory_space<vmem>>
    %dma_start3A_360 = tpu.memref_squeeze %dma_start3A_359 : memref<1x200x32xf32, #tpu.memory_space<vmem>> -> memref<200x32xf32, #tpu.memory_space<vmem>>
    %dma_start3A_361 = arith.constant 0 : i32
    %dma_start3A_362 = arith.constant 32 : i32
    %dma_start3A_363 = tpu.memref_slice %arg4[%add3A_354, %dma_start3A_361, %dma_start3A_362] : memref<4096x200x128xf32, #tpu.memory_space<hbm>> -> memref<1x200x32xf32, #tpu.memory_space<hbm>>
    %dma_start3A_364 = tpu.memref_squeeze %dma_start3A_363 : memref<1x200x32xf32, #tpu.memory_space<hbm>> -> memref<200x32xf32, #tpu.memory_space<hbm>>
    %dma_start3A_365 = tpu.memref_slice %arg8[%dma_start3A_356] : memref<4x!tpu.dma_semaphore, #tpu.memory_space<semaphore_mem>> -> memref<1x!tpu.dma_semaphore, #tpu.memory_space<semaphore_mem>>
    %dma_start3A_366 = tpu.memref_squeeze %dma_start3A_365 : memref<1x!tpu.dma_semaphore, #tpu.memory_space<semaphore_mem>> -> memref<!tpu.dma_semaphore, #tpu.memory_space<semaphore_mem>>
    %dma_start3A_367 = arith.constant 0 : i32
    %dma_start3A_368 = arith.constant 32 : i32
    %dma_start3A_369 = tpu.memref_slice %arg4[%add3A_354, %dma_start3A_367, %dma_start3A_368] : memref<4096x200x128xf32, #tpu.memory_space<hbm>> -> memref<1x200x32xf32, #tpu.memory_space<hbm>>
    %dma_start3A_370 = tpu.memref_squeeze %dma_start3A_369 : memref<1x200x32xf32, #tpu.memory_space<hbm>> -> memref<200x32xf32, #tpu.memory_space<hbm>>
    %dma_start3A_371 = arith.constant 0 : i32
    %dma_start3A_372 = arith.constant 0 : i32
    %dma_start3A_373 = tpu.memref_slice %arg6[%dma_start3A_355, %dma_start3A_371, %dma_start3A_372] : memref<4x200x32xf32, #tpu.memory_space<vmem>> -> memref<1x200x32xf32, #tpu.memory_space<vmem>>
    %dma_start3A_374 = tpu.memref_squeeze %dma_start3A_373 : memref<1x200x32xf32, #tpu.memory_space<vmem>> -> memref<200x32xf32, #tpu.memory_space<vmem>>
    tpu.enqueue_dma source(%dma_start3A_374 : memref<200x32xf32, #tpu.memory_space<vmem>>) target(%dma_start3A_370 : memref<200x32xf32, #tpu.memory_space<hbm>>) target_semaphore(%dma_start3A_366 : memref<!tpu.dma_semaphore, #tpu.memory_space<semaphore_mem>>)
    %add3A_375 = arith.constant 123 : i32
    %add3A_376 = arith.addi %mul3A_4, %add3A_375 : i32
    %dma_wait3A_377 = arith.constant 3 : i32
    %dma_wait3A_378 = arith.constant 3 : i32
    %dma_wait3A_379 = arith.constant 0 : i32
    %dma_wait3A_380 = arith.constant 0 : i32
    %dma_wait3A_381 = tpu.memref_slice %arg6[%dma_wait3A_377, %dma_wait3A_379, %dma_wait3A_380] : memref<4x200x32xf32, #tpu.memory_space<vmem>> -> memref<1x200x32xf32, #tpu.memory_space<vmem>>
    %dma_wait3A_382 = tpu.memref_squeeze %dma_wait3A_381 : memref<1x200x32xf32, #tpu.memory_space<vmem>> -> memref<200x32xf32, #tpu.memory_space<vmem>>
    %dma_wait3A_383 = arith.constant 0 : i32
    %dma_wait3A_384 = arith.constant 32 : i32
    %dma_wait3A_385 = tpu.memref_slice %arg4[%add3A_376, %dma_wait3A_383, %dma_wait3A_384] : memref<4096x200x128xf32, #tpu.memory_space<hbm>> -> memref<1x200x32xf32, #tpu.memory_space<hbm>>
    %dma_wait3A_386 = tpu.memref_squeeze %dma_wait3A_385 : memref<1x200x32xf32, #tpu.memory_space<hbm>> -> memref<200x32xf32, #tpu.memory_space<hbm>>
    %dma_wait3A_387 = tpu.memref_slice %arg8[%dma_wait3A_378] : memref<4x!tpu.dma_semaphore, #tpu.memory_space<semaphore_mem>> -> memref<1x!tpu.dma_semaphore, #tpu.memory_space<semaphore_mem>>
    %dma_wait3A_388 = tpu.memref_squeeze %dma_wait3A_387 : memref<1x!tpu.dma_semaphore, #tpu.memory_space<semaphore_mem>> -> memref<!tpu.dma_semaphore, #tpu.memory_space<semaphore_mem>>
    %dma_wait3A_389 = arith.constant 0 : i32
    %dma_wait3A_390 = arith.constant 32 : i32
    %dma_wait3A_391 = tpu.memref_slice %arg4[%add3A_376, %dma_wait3A_389, %dma_wait3A_390] : memref<4096x200x128xf32, #tpu.memory_space<hbm>> -> memref<1x200x32xf32, #tpu.memory_space<hbm>>
    %dma_wait3A_392 = tpu.memref_squeeze %dma_wait3A_391 : memref<1x200x32xf32, #tpu.memory_space<hbm>> -> memref<200x32xf32, #tpu.memory_space<hbm>>
    %dma_wait3A_393 = arith.constant 0 : i32
    %dma_wait3A_394 = arith.constant 0 : i32
    %dma_wait3A_395 = tpu.memref_slice %arg6[%dma_wait3A_377, %dma_wait3A_393, %dma_wait3A_394] : memref<4x200x32xf32, #tpu.memory_space<vmem>> -> memref<1x200x32xf32, #tpu.memory_space<vmem>>
    %dma_wait3A_396 = tpu.memref_squeeze %dma_wait3A_395 : memref<1x200x32xf32, #tpu.memory_space<vmem>> -> memref<200x32xf32, #tpu.memory_space<vmem>>
    tpu.wait_dma2 semaphore(%dma_wait3A_388 : memref<!tpu.dma_semaphore, #tpu.memory_space<semaphore_mem>>) src(%dma_wait3A_396 : memref<200x32xf32, #tpu.memory_space<vmem>>) dst(%dma_wait3A_392 : memref<200x32xf32, #tpu.memory_space<hbm>>)
    %dma_start3A_397 = arith.constant 3 : i32
    %dma_start3A_398 = arith.constant 3 : i32
    %dma_start3A_399 = arith.constant 0 : i32
    %dma_start3A_400 = arith.constant 0 : i32
    %dma_start3A_401 = tpu.memref_slice %arg6[%dma_start3A_397, %dma_start3A_399, %dma_start3A_400] : memref<4x200x32xf32, #tpu.memory_space<vmem>> -> memref<1x200x32xf32, #tpu.memory_space<vmem>>
    %dma_start3A_402 = tpu.memref_squeeze %dma_start3A_401 : memref<1x200x32xf32, #tpu.memory_space<vmem>> -> memref<200x32xf32, #tpu.memory_space<vmem>>
    %dma_start3A_403 = arith.constant 25400 : i32
    %dma_start3A_404 = tpu.memref_slice %arg5[%dma_start3A_403] : memref<25600xi32, #tpu.memory_space<vmem>> -> memref<200xi32, #tpu.memory_space<vmem>>
    %dma_start3A_405 = arith.constant 0 : i32
    %dma_start3A_406 = arith.constant 0 : i32
    %dma_start3A_407 = tpu.memref_slice %arg3[%dma_start3A_405, %dma_start3A_406] : memref<1000x32xf32, #tpu.memory_space<hbm>> -> memref<1000x32xf32, #tpu.memory_space<hbm>>
    %dma_start3A_408 = tpu.memref_slice %arg7[%dma_start3A_398] : memref<4x!tpu.dma_semaphore, #tpu.memory_space<semaphore_mem>> -> memref<1x!tpu.dma_semaphore, #tpu.memory_space<semaphore_mem>>
    %dma_start3A_409 = tpu.memref_squeeze %dma_start3A_408 : memref<1x!tpu.dma_semaphore, #tpu.memory_space<semaphore_mem>> -> memref<!tpu.dma_semaphore, #tpu.memory_space<semaphore_mem>>
    tpu.enqueue_indirect_dma source(%dma_start3A_407 : memref<1000x32xf32, #tpu.memory_space<hbm>>) target(%dma_start3A_402 : memref<200x32xf32, #tpu.memory_space<vmem>>) offsets(%dma_start3A_404 : memref<200xi32, #tpu.memory_space<vmem>>) semaphore(%dma_start3A_409 : memref<!tpu.dma_semaphore, #tpu.memory_space<semaphore_mem>>)
    %dma_wait3A_410 = arith.constant 2 : i32
    %dma_wait3A_411 = arith.constant 2 : i32
    %dma_wait3A_412 = arith.constant 0 : i32
    %dma_wait3A_413 = arith.constant 0 : i32
    %dma_wait3A_414 = tpu.memref_slice %arg6[%dma_wait3A_410, %dma_wait3A_412, %dma_wait3A_413] : memref<4x200x32xf32, #tpu.memory_space<vmem>> -> memref<1x200x32xf32, #tpu.memory_space<vmem>>
    %dma_wait3A_415 = tpu.memref_squeeze %dma_wait3A_414 : memref<1x200x32xf32, #tpu.memory_space<vmem>> -> memref<200x32xf32, #tpu.memory_space<vmem>>
    %dma_wait3A_416 = arith.constant 25200 : i32
    %dma_wait3A_417 = tpu.memref_slice %arg5[%dma_wait3A_416] : memref<25600xi32, #tpu.memory_space<vmem>> -> memref<200xi32, #tpu.memory_space<vmem>>
    %dma_wait3A_418 = arith.constant 0 : i32
    %dma_wait3A_419 = arith.constant 0 : i32
    %dma_wait3A_420 = tpu.memref_slice %arg3[%dma_wait3A_418, %dma_wait3A_419] : memref<1000x32xf32, #tpu.memory_space<hbm>> -> memref<1000x32xf32, #tpu.memory_space<hbm>>
    %dma_wait3A_421 = tpu.memref_slice %arg7[%dma_wait3A_411] : memref<4x!tpu.dma_semaphore, #tpu.memory_space<semaphore_mem>> -> memref<1x!tpu.dma_semaphore, #tpu.memory_space<semaphore_mem>>
    %dma_wait3A_422 = tpu.memref_squeeze %dma_wait3A_421 : memref<1x!tpu.dma_semaphore, #tpu.memory_space<semaphore_mem>> -> memref<!tpu.dma_semaphore, #tpu.memory_space<semaphore_mem>>
    tpu.wait_indirect_dma semaphore(%dma_wait3A_422 : memref<!tpu.dma_semaphore, #tpu.memory_space<semaphore_mem>>) src(%dma_wait3A_420 : memref<1000x32xf32, #tpu.memory_space<hbm>>) dst(%dma_wait3A_415 : memref<200x32xf32, #tpu.memory_space<vmem>>)
    %add3A_423 = arith.constant 126 : i32
    %add3A_424 = arith.addi %mul3A_4, %add3A_423 : i32
    %dma_start3A_425 = arith.constant 2 : i32
    %dma_start3A_426 = arith.constant 2 : i32
    %dma_start3A_427 = arith.constant 0 : i32
    %dma_start3A_428 = arith.constant 0 : i32
    %dma_start3A_429 = tpu.memref_slice %arg6[%dma_start3A_425, %dma_start3A_427, %dma_start3A_428] : memref<4x200x32xf32, #tpu.memory_space<vmem>> -> memref<1x200x32xf32, #tpu.memory_space<vmem>>
    %dma_start3A_430 = tpu.memref_squeeze %dma_start3A_429 : memref<1x200x32xf32, #tpu.memory_space<vmem>> -> memref<200x32xf32, #tpu.memory_space<vmem>>
    %dma_start3A_431 = arith.constant 0 : i32
    %dma_start3A_432 = arith.constant 32 : i32
    %dma_start3A_433 = tpu.memref_slice %arg4[%add3A_424, %dma_start3A_431, %dma_start3A_432] : memref<4096x200x128xf32, #tpu.memory_space<hbm>> -> memref<1x200x32xf32, #tpu.memory_space<hbm>>
    %dma_start3A_434 = tpu.memref_squeeze %dma_start3A_433 : memref<1x200x32xf32, #tpu.memory_space<hbm>> -> memref<200x32xf32, #tpu.memory_space<hbm>>
    %dma_start3A_435 = tpu.memref_slice %arg8[%dma_start3A_426] : memref<4x!tpu.dma_semaphore, #tpu.memory_space<semaphore_mem>> -> memref<1x!tpu.dma_semaphore, #tpu.memory_space<semaphore_mem>>
    %dma_start3A_436 = tpu.memref_squeeze %dma_start3A_435 : memref<1x!tpu.dma_semaphore, #tpu.memory_space<semaphore_mem>> -> memref<!tpu.dma_semaphore, #tpu.memory_space<semaphore_mem>>
    %dma_start3A_437 = arith.constant 0 : i32
    %dma_start3A_438 = arith.constant 32 : i32
    %dma_start3A_439 = tpu.memref_slice %arg4[%add3A_424, %dma_start3A_437, %dma_start3A_438] : memref<4096x200x128xf32, #tpu.memory_space<hbm>> -> memref<1x200x32xf32, #tpu.memory_space<hbm>>
    %dma_start3A_440 = tpu.memref_squeeze %dma_start3A_439 : memref<1x200x32xf32, #tpu.memory_space<hbm>> -> memref<200x32xf32, #tpu.memory_space<hbm>>
    %dma_start3A_441 = arith.constant 0 : i32
    %dma_start3A_442 = arith.constant 0 : i32
    %dma_start3A_443 = tpu.memref_slice %arg6[%dma_start3A_425, %dma_start3A_441, %dma_start3A_442] : memref<4x200x32xf32, #tpu.memory_space<vmem>> -> memref<1x200x32xf32, #tpu.memory_space<vmem>>
    %dma_start3A_444 = tpu.memref_squeeze %dma_start3A_443 : memref<1x200x32xf32, #tpu.memory_space<vmem>> -> memref<200x32xf32, #tpu.memory_space<vmem>>
    tpu.enqueue_dma source(%dma_start3A_444 : memref<200x32xf32, #tpu.memory_space<vmem>>) target(%dma_start3A_440 : memref<200x32xf32, #tpu.memory_space<hbm>>) target_semaphore(%dma_start3A_436 : memref<!tpu.dma_semaphore, #tpu.memory_space<semaphore_mem>>)
    %dma_wait3A_445 = arith.constant 3 : i32
    %dma_wait3A_446 = arith.constant 3 : i32
    %dma_wait3A_447 = arith.constant 0 : i32
    %dma_wait3A_448 = arith.constant 0 : i32
    %dma_wait3A_449 = tpu.memref_slice %arg6[%dma_wait3A_445, %dma_wait3A_447, %dma_wait3A_448] : memref<4x200x32xf32, #tpu.memory_space<vmem>> -> memref<1x200x32xf32, #tpu.memory_space<vmem>>
    %dma_wait3A_450 = tpu.memref_squeeze %dma_wait3A_449 : memref<1x200x32xf32, #tpu.memory_space<vmem>> -> memref<200x32xf32, #tpu.memory_space<vmem>>
    %dma_wait3A_451 = arith.constant 25400 : i32
    %dma_wait3A_452 = tpu.memref_slice %arg5[%dma_wait3A_451] : memref<25600xi32, #tpu.memory_space<vmem>> -> memref<200xi32, #tpu.memory_space<vmem>>
    %dma_wait3A_453 = arith.constant 0 : i32
    %dma_wait3A_454 = arith.constant 0 : i32
    %dma_wait3A_455 = tpu.memref_slice %arg3[%dma_wait3A_453, %dma_wait3A_454] : memref<1000x32xf32, #tpu.memory_space<hbm>> -> memref<1000x32xf32, #tpu.memory_space<hbm>>
    %dma_wait3A_456 = tpu.memref_slice %arg7[%dma_wait3A_446] : memref<4x!tpu.dma_semaphore, #tpu.memory_space<semaphore_mem>> -> memref<1x!tpu.dma_semaphore, #tpu.memory_space<semaphore_mem>>
    %dma_wait3A_457 = tpu.memref_squeeze %dma_wait3A_456 : memref<1x!tpu.dma_semaphore, #tpu.memory_space<semaphore_mem>> -> memref<!tpu.dma_semaphore, #tpu.memory_space<semaphore_mem>>
    tpu.wait_indirect_dma semaphore(%dma_wait3A_457 : memref<!tpu.dma_semaphore, #tpu.memory_space<semaphore_mem>>) src(%dma_wait3A_455 : memref<1000x32xf32, #tpu.memory_space<hbm>>) dst(%dma_wait3A_450 : memref<200x32xf32, #tpu.memory_space<vmem>>)
    %add3A_458 = arith.constant 127 : i32
    %add3A_459 = arith.addi %mul3A_4, %add3A_458 : i32
    %dma_start3A_460 = arith.constant 3 : i32
    %dma_start3A_461 = arith.constant 3 : i32
    %dma_start3A_462 = arith.constant 0 : i32
    %dma_start3A_463 = arith.constant 0 : i32
    %dma_start3A_464 = tpu.memref_slice %arg6[%dma_start3A_460, %dma_start3A_462, %dma_start3A_463] : memref<4x200x32xf32, #tpu.memory_space<vmem>> -> memref<1x200x32xf32, #tpu.memory_space<vmem>>
    %dma_start3A_465 = tpu.memref_squeeze %dma_start3A_464 : memref<1x200x32xf32, #tpu.memory_space<vmem>> -> memref<200x32xf32, #tpu.memory_space<vmem>>
    %dma_start3A_466 = arith.constant 0 : i32
    %dma_start3A_467 = arith.constant 32 : i32
    %dma_start3A_468 = tpu.memref_slice %arg4[%add3A_459, %dma_start3A_466, %dma_start3A_467] : memref<4096x200x128xf32, #tpu.memory_space<hbm>> -> memref<1x200x32xf32, #tpu.memory_space<hbm>>
    %dma_start3A_469 = tpu.memref_squeeze %dma_start3A_468 : memref<1x200x32xf32, #tpu.memory_space<hbm>> -> memref<200x32xf32, #tpu.memory_space<hbm>>
    %dma_start3A_470 = tpu.memref_slice %arg8[%dma_start3A_461] : memref<4x!tpu.dma_semaphore, #tpu.memory_space<semaphore_mem>> -> memref<1x!tpu.dma_semaphore, #tpu.memory_space<semaphore_mem>>
    %dma_start3A_471 = tpu.memref_squeeze %dma_start3A_470 : memref<1x!tpu.dma_semaphore, #tpu.memory_space<semaphore_mem>> -> memref<!tpu.dma_semaphore, #tpu.memory_space<semaphore_mem>>
    %dma_start3A_472 = arith.constant 0 : i32
    %dma_start3A_473 = arith.constant 32 : i32
    %dma_start3A_474 = tpu.memref_slice %arg4[%add3A_459, %dma_start3A_472, %dma_start3A_473] : memref<4096x200x128xf32, #tpu.memory_space<hbm>> -> memref<1x200x32xf32, #tpu.memory_space<hbm>>
    %dma_start3A_475 = tpu.memref_squeeze %dma_start3A_474 : memref<1x200x32xf32, #tpu.memory_space<hbm>> -> memref<200x32xf32, #tpu.memory_space<hbm>>
    %dma_start3A_476 = arith.constant 0 : i32
    %dma_start3A_477 = arith.constant 0 : i32
    %dma_start3A_478 = tpu.memref_slice %arg6[%dma_start3A_460, %dma_start3A_476, %dma_start3A_477] : memref<4x200x32xf32, #tpu.memory_space<vmem>> -> memref<1x200x32xf32, #tpu.memory_space<vmem>>
    %dma_start3A_479 = tpu.memref_squeeze %dma_start3A_478 : memref<1x200x32xf32, #tpu.memory_space<vmem>> -> memref<200x32xf32, #tpu.memory_space<vmem>>
    tpu.enqueue_dma source(%dma_start3A_479 : memref<200x32xf32, #tpu.memory_space<vmem>>) target(%dma_start3A_475 : memref<200x32xf32, #tpu.memory_space<hbm>>) target_semaphore(%dma_start3A_471 : memref<!tpu.dma_semaphore, #tpu.memory_space<semaphore_mem>>)
    %add3A_480 = arith.constant 124 : i32
    %add3A_481 = arith.addi %mul3A_4, %add3A_480 : i32
    %dma_wait3A_482 = arith.constant 0 : i32
    %dma_wait3A_483 = arith.constant 0 : i32
    %dma_wait3A_484 = arith.constant 0 : i32
    %dma_wait3A_485 = arith.constant 0 : i32
    %dma_wait3A_486 = tpu.memref_slice %arg6[%dma_wait3A_482, %dma_wait3A_484, %dma_wait3A_485] : memref<4x200x32xf32, #tpu.memory_space<vmem>> -> memref<1x200x32xf32, #tpu.memory_space<vmem>>
    %dma_wait3A_487 = tpu.memref_squeeze %dma_wait3A_486 : memref<1x200x32xf32, #tpu.memory_space<vmem>> -> memref<200x32xf32, #tpu.memory_space<vmem>>
    %dma_wait3A_488 = arith.constant 0 : i32
    %dma_wait3A_489 = arith.constant 32 : i32
    %dma_wait3A_490 = tpu.memref_slice %arg4[%add3A_481, %dma_wait3A_488, %dma_wait3A_489] : memref<4096x200x128xf32, #tpu.memory_space<hbm>> -> memref<1x200x32xf32, #tpu.memory_space<hbm>>
    %dma_wait3A_491 = tpu.memref_squeeze %dma_wait3A_490 : memref<1x200x32xf32, #tpu.memory_space<hbm>> -> memref<200x32xf32, #tpu.memory_space<hbm>>
    %dma_wait3A_492 = tpu.memref_slice %arg8[%dma_wait3A_483] : memref<4x!tpu.dma_semaphore, #tpu.memory_space<semaphore_mem>> -> memref<1x!tpu.dma_semaphore, #tpu.memory_space<semaphore_mem>>
    %dma_wait3A_493 = tpu.memref_squeeze %dma_wait3A_492 : memref<1x!tpu.dma_semaphore, #tpu.memory_space<semaphore_mem>> -> memref<!tpu.dma_semaphore, #tpu.memory_space<semaphore_mem>>
    %dma_wait3A_494 = arith.constant 0 : i32
    %dma_wait3A_495 = arith.constant 32 : i32
    %dma_wait3A_496 = tpu.memref_slice %arg4[%add3A_481, %dma_wait3A_494, %dma_wait3A_495] : memref<4096x200x128xf32, #tpu.memory_space<hbm>> -> memref<1x200x32xf32, #tpu.memory_space<hbm>>
    %dma_wait3A_497 = tpu.memref_squeeze %dma_wait3A_496 : memref<1x200x32xf32, #tpu.memory_space<hbm>> -> memref<200x32xf32, #tpu.memory_space<hbm>>
    %dma_wait3A_498 = arith.constant 0 : i32
    %dma_wait3A_499 = arith.constant 0 : i32
    %dma_wait3A_500 = tpu.memref_slice %arg6[%dma_wait3A_482, %dma_wait3A_498, %dma_wait3A_499] : memref<4x200x32xf32, #tpu.memory_space<vmem>> -> memref<1x200x32xf32, #tpu.memory_space<vmem>>
    %dma_wait3A_501 = tpu.memref_squeeze %dma_wait3A_500 : memref<1x200x32xf32, #tpu.memory_space<vmem>> -> memref<200x32xf32, #tpu.memory_space<vmem>>
    tpu.wait_dma2 semaphore(%dma_wait3A_493 : memref<!tpu.dma_semaphore, #tpu.memory_space<semaphore_mem>>) src(%dma_wait3A_501 : memref<200x32xf32, #tpu.memory_space<vmem>>) dst(%dma_wait3A_497 : memref<200x32xf32, #tpu.memory_space<hbm>>)
    %add3A_502 = arith.constant 125 : i32
    %add3A_503 = arith.addi %mul3A_4, %add3A_502 : i32
    %dma_wait3A_504 = arith.constant 1 : i32
    %dma_wait3A_505 = arith.constant 1 : i32
    %dma_wait3A_506 = arith.constant 0 : i32
    %dma_wait3A_507 = arith.constant 0 : i32
    %dma_wait3A_508 = tpu.memref_slice %arg6[%dma_wait3A_504, %dma_wait3A_506, %dma_wait3A_507] : memref<4x200x32xf32, #tpu.memory_space<vmem>> -> memref<1x200x32xf32, #tpu.memory_space<vmem>>
    %dma_wait3A_509 = tpu.memref_squeeze %dma_wait3A_508 : memref<1x200x32xf32, #tpu.memory_space<vmem>> -> memref<200x32xf32, #tpu.memory_space<vmem>>
    %dma_wait3A_510 = arith.constant 0 : i32
    %dma_wait3A_511 = arith.constant 32 : i32
    %dma_wait3A_512 = tpu.memref_slice %arg4[%add3A_503, %dma_wait3A_510, %dma_wait3A_511] : memref<4096x200x128xf32, #tpu.memory_space<hbm>> -> memref<1x200x32xf32, #tpu.memory_space<hbm>>
    %dma_wait3A_513 = tpu.memref_squeeze %dma_wait3A_512 : memref<1x200x32xf32, #tpu.memory_space<hbm>> -> memref<200x32xf32, #tpu.memory_space<hbm>>
    %dma_wait3A_514 = tpu.memref_slice %arg8[%dma_wait3A_505] : memref<4x!tpu.dma_semaphore, #tpu.memory_space<semaphore_mem>> -> memref<1x!tpu.dma_semaphore, #tpu.memory_space<semaphore_mem>>
    %dma_wait3A_515 = tpu.memref_squeeze %dma_wait3A_514 : memref<1x!tpu.dma_semaphore, #tpu.memory_space<semaphore_mem>> -> memref<!tpu.dma_semaphore, #tpu.memory_space<semaphore_mem>>
    %dma_wait3A_516 = arith.constant 0 : i32
    %dma_wait3A_517 = arith.constant 32 : i32
    %dma_wait3A_518 = tpu.memref_slice %arg4[%add3A_503, %dma_wait3A_516, %dma_wait3A_517] : memref<4096x200x128xf32, #tpu.memory_space<hbm>> -> memref<1x200x32xf32, #tpu.memory_space<hbm>>
    %dma_wait3A_519 = tpu.memref_squeeze %dma_wait3A_518 : memref<1x200x32xf32, #tpu.memory_space<hbm>> -> memref<200x32xf32, #tpu.memory_space<hbm>>
    %dma_wait3A_520 = arith.constant 0 : i32
    %dma_wait3A_521 = arith.constant 0 : i32
    %dma_wait3A_522 = tpu.memref_slice %arg6[%dma_wait3A_504, %dma_wait3A_520, %dma_wait3A_521] : memref<4x200x32xf32, #tpu.memory_space<vmem>> -> memref<1x200x32xf32, #tpu.memory_space<vmem>>
    %dma_wait3A_523 = tpu.memref_squeeze %dma_wait3A_522 : memref<1x200x32xf32, #tpu.memory_space<vmem>> -> memref<200x32xf32, #tpu.memory_space<vmem>>
    tpu.wait_dma2 semaphore(%dma_wait3A_515 : memref<!tpu.dma_semaphore, #tpu.memory_space<semaphore_mem>>) src(%dma_wait3A_523 : memref<200x32xf32, #tpu.memory_space<vmem>>) dst(%dma_wait3A_519 : memref<200x32xf32, #tpu.memory_space<hbm>>)
    %add3A_524 = arith.constant 126 : i32
    %add3A_525 = arith.addi %mul3A_4, %add3A_524 : i32
    %dma_wait3A_526 = arith.constant 2 : i32
    %dma_wait3A_527 = arith.constant 2 : i32
    %dma_wait3A_528 = arith.constant 0 : i32
    %dma_wait3A_529 = arith.constant 0 : i32
    %dma_wait3A_530 = tpu.memref_slice %arg6[%dma_wait3A_526, %dma_wait3A_528, %dma_wait3A_529] : memref<4x200x32xf32, #tpu.memory_space<vmem>> -> memref<1x200x32xf32, #tpu.memory_space<vmem>>
    %dma_wait3A_531 = tpu.memref_squeeze %dma_wait3A_530 : memref<1x200x32xf32, #tpu.memory_space<vmem>> -> memref<200x32xf32, #tpu.memory_space<vmem>>
    %dma_wait3A_532 = arith.constant 0 : i32
    %dma_wait3A_533 = arith.constant 32 : i32
    %dma_wait3A_534 = tpu.memref_slice %arg4[%add3A_525, %dma_wait3A_532, %dma_wait3A_533] : memref<4096x200x128xf32, #tpu.memory_space<hbm>> -> memref<1x200x32xf32, #tpu.memory_space<hbm>>
    %dma_wait3A_535 = tpu.memref_squeeze %dma_wait3A_534 : memref<1x200x32xf32, #tpu.memory_space<hbm>> -> memref<200x32xf32, #tpu.memory_space<hbm>>
    %dma_wait3A_536 = tpu.memref_slice %arg8[%dma_wait3A_527] : memref<4x!tpu.dma_semaphore, #tpu.memory_space<semaphore_mem>> -> memref<1x!tpu.dma_semaphore, #tpu.memory_space<semaphore_mem>>
    %dma_wait3A_537 = tpu.memref_squeeze %dma_wait3A_536 : memref<1x!tpu.dma_semaphore, #tpu.memory_space<semaphore_mem>> -> memref<!tpu.dma_semaphore, #tpu.memory_space<semaphore_mem>>
    %dma_wait3A_538 = arith.constant 0 : i32
    %dma_wait3A_539 = arith.constant 32 : i32
    %dma_wait3A_540 = tpu.memref_slice %arg4[%add3A_525, %dma_wait3A_538, %dma_wait3A_539] : memref<4096x200x128xf32, #tpu.memory_space<hbm>> -> memref<1x200x32xf32, #tpu.memory_space<hbm>>
    %dma_wait3A_541 = tpu.memref_squeeze %dma_wait3A_540 : memref<1x200x32xf32, #tpu.memory_space<hbm>> -> memref<200x32xf32, #tpu.memory_space<hbm>>
    %dma_wait3A_542 = arith.constant 0 : i32
    %dma_wait3A_543 = arith.constant 0 : i32
    %dma_wait3A_544 = tpu.memref_slice %arg6[%dma_wait3A_526, %dma_wait3A_542, %dma_wait3A_543] : memref<4x200x32xf32, #tpu.memory_space<vmem>> -> memref<1x200x32xf32, #tpu.memory_space<vmem>>
    %dma_wait3A_545 = tpu.memref_squeeze %dma_wait3A_544 : memref<1x200x32xf32, #tpu.memory_space<vmem>> -> memref<200x32xf32, #tpu.memory_space<vmem>>
    tpu.wait_dma2 semaphore(%dma_wait3A_537 : memref<!tpu.dma_semaphore, #tpu.memory_space<semaphore_mem>>) src(%dma_wait3A_545 : memref<200x32xf32, #tpu.memory_space<vmem>>) dst(%dma_wait3A_541 : memref<200x32xf32, #tpu.memory_space<hbm>>)
    %add3A_546 = arith.constant 127 : i32
    %add3A_547 = arith.addi %mul3A_4, %add3A_546 : i32
    %dma_wait3A_548 = arith.constant 3 : i32
    %dma_wait3A_549 = arith.constant 3 : i32
    %dma_wait3A_550 = arith.constant 0 : i32
    %dma_wait3A_551 = arith.constant 0 : i32
    %dma_wait3A_552 = tpu.memref_slice %arg6[%dma_wait3A_548, %dma_wait3A_550, %dma_wait3A_551] : memref<4x200x32xf32, #tpu.memory_space<vmem>> -> memref<1x200x32xf32, #tpu.memory_space<vmem>>
    %dma_wait3A_553 = tpu.memref_squeeze %dma_wait3A_552 : memref<1x200x32xf32, #tpu.memory_space<vmem>> -> memref<200x32xf32, #tpu.memory_space<vmem>>
    %dma_wait3A_554 = arith.constant 0 : i32
    %dma_wait3A_555 = arith.constant 32 : i32
    %dma_wait3A_556 = tpu.memref_slice %arg4[%add3A_547, %dma_wait3A_554, %dma_wait3A_555] : memref<4096x200x128xf32, #tpu.memory_space<hbm>> -> memref<1x200x32xf32, #tpu.memory_space<hbm>>
    %dma_wait3A_557 = tpu.memref_squeeze %dma_wait3A_556 : memref<1x200x32xf32, #tpu.memory_space<hbm>> -> memref<200x32xf32, #tpu.memory_space<hbm>>
    %dma_wait3A_558 = tpu.memref_slice %arg8[%dma_wait3A_549] : memref<4x!tpu.dma_semaphore, #tpu.memory_space<semaphore_mem>> -> memref<1x!tpu.dma_semaphore, #tpu.memory_space<semaphore_mem>>
    %dma_wait3A_559 = tpu.memref_squeeze %dma_wait3A_558 : memref<1x!tpu.dma_semaphore, #tpu.memory_space<semaphore_mem>> -> memref<!tpu.dma_semaphore, #tpu.memory_space<semaphore_mem>>
    %dma_wait3A_560 = arith.constant 0 : i32
    %dma_wait3A_561 = arith.constant 32 : i32
    %dma_wait3A_562 = tpu.memref_slice %arg4[%add3A_547, %dma_wait3A_560, %dma_wait3A_561] : memref<4096x200x128xf32, #tpu.memory_space<hbm>> -> memref<1x200x32xf32, #tpu.memory_space<hbm>>
    %dma_wait3A_563 = tpu.memref_squeeze %dma_wait3A_562 : memref<1x200x32xf32, #tpu.memory_space<hbm>> -> memref<200x32xf32, #tpu.memory_space<hbm>>
    %dma_wait3A_564 = arith.constant 0 : i32
    %dma_wait3A_565 = arith.constant 0 : i32
    %dma_wait3A_566 = tpu.memref_slice %arg6[%dma_wait3A_548, %dma_wait3A_564, %dma_wait3A_565] : memref<4x200x32xf32, #tpu.memory_space<vmem>> -> memref<1x200x32xf32, #tpu.memory_space<vmem>>
    %dma_wait3A_567 = tpu.memref_squeeze %dma_wait3A_566 : memref<1x200x32xf32, #tpu.memory_space<vmem>> -> memref<200x32xf32, #tpu.memory_space<vmem>>
    tpu.wait_dma2 semaphore(%dma_wait3A_559 : memref<!tpu.dma_semaphore, #tpu.memory_space<semaphore_mem>>) src(%dma_wait3A_567 : memref<200x32xf32, #tpu.memory_space<vmem>>) dst(%dma_wait3A_563 : memref<200x32xf32, #tpu.memory_space<hbm>>)
    return
  }
}

#map = affine_map<(d0, d1) -> (0)>
#map1 = affine_map<(d0, d1) -> (0, 0)>
#map2 = affine_map<(d0, d1) -> (0, 0, 0)>
module attributes {stable_mosaic.version = 14 : i64} {
  func.func @new_body(%arg0: i32, %arg1: i32, %arg2: memref<819200xi32, #tpu.memory_space<hbm>>, %arg3: memref<4000000x32xf32, #tpu.memory_space<hbm>>, %arg4: memref<4096x200x128xf32, #tpu.memory_space<hbm>>, %arg5: memref<4096x200x128xf32, #tpu.memory_space<hbm>>, %arg6: memref<25600xi32, #tpu.memory_space<vmem>>, %arg7: memref<4x200x32xf32, #tpu.memory_space<vmem>>, %arg8: memref<4x!tpu.dma_semaphore, #tpu.memory_space<semaphore_mem>>, %arg9: memref<4x!tpu.dma_semaphore, #tpu.memory_space<semaphore_mem>>) attributes {dimension_semantics = [#tpu.dimension_semantics<core_parallel>, #tpu.dimension_semantics<subcore_parallel>], iteration_bounds = array<i64: 2, 16>, scalar_prefetch = 0 : i64, scratch_operands = 4 : i64, tpu.core_type = #tpu.core_type<sc_vector_subcore>, window_params = [{transform_indices = #map}, {transform_indices = #map1}, {transform_indices = #map2}, {transform_indices = #map2}]} {
    %mul3A = arith.constant 2 : i32
    %mul3A_0 = arith.muli %arg1, %mul3A : i32
    %add3A = arith.addi %mul3A_0, %arg0 : i32
    %mul3A_1 = arith.constant 25600 : i32
    %mul3A_2 = arith.muli %add3A, %mul3A_1 : i32
    "tpu.region"() ({
      %run_scoped3A = tpu.sem_alloc : memref<!tpu.dma_semaphore, #tpu.memory_space<semaphore_mem>>
      %dma_start3A_574 = tpu.memref_slice %arg2[%mul3A_2] : memref<819200xi32, #tpu.memory_space<hbm>> -> memref<25600xi32, #tpu.memory_space<hbm>>
      %dma_start3A_575 = tpu.memref_slice %arg2[%mul3A_2] : memref<819200xi32, #tpu.memory_space<hbm>> -> memref<25600xi32, #tpu.memory_space<hbm>>
      tpu.enqueue_dma source(%dma_start3A_575 : memref<25600xi32, #tpu.memory_space<hbm>>) target(%arg6 : memref<25600xi32, #tpu.memory_space<vmem>>) target_semaphore(%run_scoped3A : memref<!tpu.dma_semaphore, #tpu.memory_space<semaphore_mem>>)
      %dma_wait3A_576 = tpu.memref_slice %arg2[%mul3A_2] : memref<819200xi32, #tpu.memory_space<hbm>> -> memref<25600xi32, #tpu.memory_space<hbm>>
      %dma_wait3A_577 = tpu.memref_slice %arg2[%mul3A_2] : memref<819200xi32, #tpu.memory_space<hbm>> -> memref<25600xi32, #tpu.memory_space<hbm>>
      tpu.wait_dma2 semaphore(%run_scoped3A : memref<!tpu.dma_semaphore, #tpu.memory_space<semaphore_mem>>) src(%dma_wait3A_577 : memref<25600xi32, #tpu.memory_space<hbm>>) dst(%arg6 : memref<25600xi32, #tpu.memory_space<vmem>>)
      tpu.yield
    }) : () -> ()
    %mul3A_3 = arith.constant 128 : i32
    %mul3A_4 = arith.muli %add3A, %mul3A_3 : i32
    %scan3A = arith.constant 0 : i32
    %scan3A_5 = arith.constant 0 : i32
    %scan3A_6 = arith.constant 1600 : i32
    %scan3A_7 = arith.addi %scan3A_5, %scan3A_6 : i32
    %scan3A_8 = arith.constant 1 : i32
    scf.for %scan3A_574 = %scan3A_5 to %scan3A_7 step %scan3A_8  : i32 {
      %mul3A_575 = arith.constant 16 : i32
      %mul3A_576 = arith.muli %scan3A_574, %mul3A_575 : i32
      %get3A = arith.index_cast %mul3A_576 : i32 to index
      %get3A_577 = tpu.vector_load %arg6[%get3A] {strides = array<i32>} : memref<25600xi32, #tpu.memory_space<vmem>>, vector<16xi32>,
      %get3A_578 = vector.shape_cast %get3A_577 : vector<16xi32> to vector<16xi32>
      %mul3A_579 = arith.constant 4 : i32
      %mul3A_580 = vector.broadcast %mul3A_579 : i32 to vector<16xi32>
      %mul3A_581 = arith.muli %get3A_578, %mul3A_580 : vector<16xi32>
      %swap3A = arith.index_cast %mul3A_576 : i32 to index
      %swap3A_582 = tpu.vector_load %arg6[%swap3A] {strides = array<i32>} : memref<25600xi32, #tpu.memory_space<vmem>>, vector<16xi32>,
      %swap3A_583 = vector.shape_cast %swap3A_582 : vector<16xi32> to vector<16xi32>
      %swap3A_584 = vector.shape_cast %mul3A_581 : vector<16xi32> to vector<16xi32>
      tpu.vector_store %arg6[%swap3A], %swap3A_584 {strides = array<i32>} : memref<25600xi32, #tpu.memory_space<vmem>>, vector<16xi32>,
    }
    %scan3A_9 = arith.constant 1600 : i32
    %dma_start3A = arith.constant 0 : i32
    %dma_start3A_10 = arith.constant 0 : i32
    %dma_start3A_11 = arith.constant 0 : i32
    %dma_start3A_12 = arith.constant 0 : i32
    %dma_start3A_13 = tpu.memref_slice %arg7[%dma_start3A, %dma_start3A_11, %dma_start3A_12] : memref<4x200x32xf32, #tpu.memory_space<vmem>> -> memref<1x200x32xf32, #tpu.memory_space<vmem>>
    %dma_start3A_14 = tpu.memref_squeeze %dma_start3A_13 : memref<1x200x32xf32, #tpu.memory_space<vmem>> -> memref<200x32xf32, #tpu.memory_space<vmem>>
    %dma_start3A_15 = arith.constant 0 : i32
    %dma_start3A_16 = tpu.memref_slice %arg6[%dma_start3A_15] : memref<25600xi32, #tpu.memory_space<vmem>> -> memref<200xi32, #tpu.memory_space<vmem>>
    %dma_start3A_17 = arith.constant 0 : i32
    %dma_start3A_18 = arith.constant 0 : i32
    %dma_start3A_19 = tpu.memref_slice %arg3[%dma_start3A_17, %dma_start3A_18] : memref<4000000x32xf32, #tpu.memory_space<hbm>> -> memref<4000000x32xf32, #tpu.memory_space<hbm>>
    %dma_start3A_20 = tpu.memref_slice %arg8[%dma_start3A_10] : memref<4x!tpu.dma_semaphore, #tpu.memory_space<semaphore_mem>> -> memref<1x!tpu.dma_semaphore, #tpu.memory_space<semaphore_mem>>
    %dma_start3A_21 = tpu.memref_squeeze %dma_start3A_20 : memref<1x!tpu.dma_semaphore, #tpu.memory_space<semaphore_mem>> -> memref<!tpu.dma_semaphore, #tpu.memory_space<semaphore_mem>>
    tpu.enqueue_indirect_dma source(%dma_start3A_19 : memref<4000000x32xf32, #tpu.memory_space<hbm>>) target(%dma_start3A_14 : memref<200x32xf32, #tpu.memory_space<vmem>>) offsets(%dma_start3A_16 : memref<200xi32, #tpu.memory_space<vmem>>) semaphore(%dma_start3A_21 : memref<!tpu.dma_semaphore, #tpu.memory_space<semaphore_mem>>)
    %dma_start3A_22 = arith.constant 1 : i32
    %dma_start3A_23 = arith.constant 1 : i32
    %dma_start3A_24 = arith.constant 0 : i32
    %dma_start3A_25 = arith.constant 0 : i32
    %dma_start3A_26 = tpu.memref_slice %arg7[%dma_start3A_22, %dma_start3A_24, %dma_start3A_25] : memref<4x200x32xf32, #tpu.memory_space<vmem>> -> memref<1x200x32xf32, #tpu.memory_space<vmem>>
    %dma_start3A_27 = tpu.memref_squeeze %dma_start3A_26 : memref<1x200x32xf32, #tpu.memory_space<vmem>> -> memref<200x32xf32, #tpu.memory_space<vmem>>
    %dma_start3A_28 = arith.constant 200 : i32
    %dma_start3A_29 = tpu.memref_slice %arg6[%dma_start3A_28] : memref<25600xi32, #tpu.memory_space<vmem>> -> memref<200xi32, #tpu.memory_space<vmem>>
    %dma_start3A_30 = arith.constant 0 : i32
    %dma_start3A_31 = arith.constant 0 : i32
    %dma_start3A_32 = tpu.memref_slice %arg3[%dma_start3A_30, %dma_start3A_31] : memref<4000000x32xf32, #tpu.memory_space<hbm>> -> memref<4000000x32xf32, #tpu.memory_space<hbm>>
    %dma_start3A_33 = tpu.memref_slice %arg8[%dma_start3A_23] : memref<4x!tpu.dma_semaphore, #tpu.memory_space<semaphore_mem>> -> memref<1x!tpu.dma_semaphore, #tpu.memory_space<semaphore_mem>>
    %dma_start3A_34 = tpu.memref_squeeze %dma_start3A_33 : memref<1x!tpu.dma_semaphore, #tpu.memory_space<semaphore_mem>> -> memref<!tpu.dma_semaphore, #tpu.memory_space<semaphore_mem>>
    tpu.enqueue_indirect_dma source(%dma_start3A_32 : memref<4000000x32xf32, #tpu.memory_space<hbm>>) target(%dma_start3A_27 : memref<200x32xf32, #tpu.memory_space<vmem>>) offsets(%dma_start3A_29 : memref<200xi32, #tpu.memory_space<vmem>>) semaphore(%dma_start3A_34 : memref<!tpu.dma_semaphore, #tpu.memory_space<semaphore_mem>>)
    %dma_wait3A = arith.constant 0 : i32
    %dma_wait3A_35 = arith.constant 0 : i32
    %dma_wait3A_36 = arith.constant 0 : i32
    %dma_wait3A_37 = arith.constant 0 : i32
    %dma_wait3A_38 = tpu.memref_slice %arg7[%dma_wait3A, %dma_wait3A_36, %dma_wait3A_37] : memref<4x200x32xf32, #tpu.memory_space<vmem>> -> memref<1x200x32xf32, #tpu.memory_space<vmem>>
    %dma_wait3A_39 = tpu.memref_squeeze %dma_wait3A_38 : memref<1x200x32xf32, #tpu.memory_space<vmem>> -> memref<200x32xf32, #tpu.memory_space<vmem>>
    %dma_wait3A_40 = arith.constant 0 : i32
    %dma_wait3A_41 = tpu.memref_slice %arg6[%dma_wait3A_40] : memref<25600xi32, #tpu.memory_space<vmem>> -> memref<200xi32, #tpu.memory_space<vmem>>
    %dma_wait3A_42 = arith.constant 0 : i32
    %dma_wait3A_43 = arith.constant 0 : i32
    %dma_wait3A_44 = tpu.memref_slice %arg3[%dma_wait3A_42, %dma_wait3A_43] : memref<4000000x32xf32, #tpu.memory_space<hbm>> -> memref<4000000x32xf32, #tpu.memory_space<hbm>>
    %dma_wait3A_45 = tpu.memref_slice %arg8[%dma_wait3A_35] : memref<4x!tpu.dma_semaphore, #tpu.memory_space<semaphore_mem>> -> memref<1x!tpu.dma_semaphore, #tpu.memory_space<semaphore_mem>>
    %dma_wait3A_46 = tpu.memref_squeeze %dma_wait3A_45 : memref<1x!tpu.dma_semaphore, #tpu.memory_space<semaphore_mem>> -> memref<!tpu.dma_semaphore, #tpu.memory_space<semaphore_mem>>
    tpu.wait_indirect_dma semaphore(%dma_wait3A_46 : memref<!tpu.dma_semaphore, #tpu.memory_space<semaphore_mem>>) src(%dma_wait3A_44 : memref<4000000x32xf32, #tpu.memory_space<hbm>>) dst(%dma_wait3A_39 : memref<200x32xf32, #tpu.memory_space<vmem>>)
    %add3A_47 = arith.constant 0 : i32
    %add3A_48 = arith.addi %mul3A_4, %add3A_47 : i32
    %dma_start3A_49 = arith.constant 0 : i32
    %dma_start3A_50 = arith.constant 0 : i32
    %dma_start3A_51 = arith.constant 0 : i32
    %dma_start3A_52 = arith.constant 0 : i32
    %dma_start3A_53 = tpu.memref_slice %arg7[%dma_start3A_49, %dma_start3A_51, %dma_start3A_52] : memref<4x200x32xf32, #tpu.memory_space<vmem>> -> memref<1x200x32xf32, #tpu.memory_space<vmem>>
    %dma_start3A_54 = tpu.memref_squeeze %dma_start3A_53 : memref<1x200x32xf32, #tpu.memory_space<vmem>> -> memref<200x32xf32, #tpu.memory_space<vmem>>
    %dma_start3A_55 = arith.constant 0 : i32
    %dma_start3A_56 = arith.constant 0 : i32
    %dma_start3A_57 = tpu.memref_slice %arg4[%add3A_48, %dma_start3A_55, %dma_start3A_56] : memref<4096x200x128xf32, #tpu.memory_space<hbm>> -> memref<1x200x32xf32, #tpu.memory_space<hbm>>
    %dma_start3A_58 = tpu.memref_squeeze %dma_start3A_57 : memref<1x200x32xf32, #tpu.memory_space<hbm>> -> memref<200x32xf32, #tpu.memory_space<hbm>>
    %dma_start3A_59 = tpu.memref_slice %arg9[%dma_start3A_50] : memref<4x!tpu.dma_semaphore, #tpu.memory_space<semaphore_mem>> -> memref<1x!tpu.dma_semaphore, #tpu.memory_space<semaphore_mem>>
    %dma_start3A_60 = tpu.memref_squeeze %dma_start3A_59 : memref<1x!tpu.dma_semaphore, #tpu.memory_space<semaphore_mem>> -> memref<!tpu.dma_semaphore, #tpu.memory_space<semaphore_mem>>
    %dma_start3A_61 = arith.constant 0 : i32
    %dma_start3A_62 = arith.constant 0 : i32
    %dma_start3A_63 = tpu.memref_slice %arg4[%add3A_48, %dma_start3A_61, %dma_start3A_62] : memref<4096x200x128xf32, #tpu.memory_space<hbm>> -> memref<1x200x32xf32, #tpu.memory_space<hbm>>
    %dma_start3A_64 = tpu.memref_squeeze %dma_start3A_63 : memref<1x200x32xf32, #tpu.memory_space<hbm>> -> memref<200x32xf32, #tpu.memory_space<hbm>>
    %dma_start3A_65 = arith.constant 0 : i32
    %dma_start3A_66 = arith.constant 0 : i32
    %dma_start3A_67 = tpu.memref_slice %arg7[%dma_start3A_49, %dma_start3A_65, %dma_start3A_66] : memref<4x200x32xf32, #tpu.memory_space<vmem>> -> memref<1x200x32xf32, #tpu.memory_space<vmem>>
    %dma_start3A_68 = tpu.memref_squeeze %dma_start3A_67 : memref<1x200x32xf32, #tpu.memory_space<vmem>> -> memref<200x32xf32, #tpu.memory_space<vmem>>
    tpu.enqueue_dma source(%dma_start3A_68 : memref<200x32xf32, #tpu.memory_space<vmem>>) target(%dma_start3A_64 : memref<200x32xf32, #tpu.memory_space<hbm>>) target_semaphore(%dma_start3A_60 : memref<!tpu.dma_semaphore, #tpu.memory_space<semaphore_mem>>)
    %dma_start3A_69 = arith.constant 2 : i32
    %dma_start3A_70 = arith.constant 2 : i32
    %dma_start3A_71 = arith.constant 0 : i32
    %dma_start3A_72 = arith.constant 0 : i32
    %dma_start3A_73 = tpu.memref_slice %arg7[%dma_start3A_69, %dma_start3A_71, %dma_start3A_72] : memref<4x200x32xf32, #tpu.memory_space<vmem>> -> memref<1x200x32xf32, #tpu.memory_space<vmem>>
    %dma_start3A_74 = tpu.memref_squeeze %dma_start3A_73 : memref<1x200x32xf32, #tpu.memory_space<vmem>> -> memref<200x32xf32, #tpu.memory_space<vmem>>
    %dma_start3A_75 = arith.constant 400 : i32
    %dma_start3A_76 = tpu.memref_slice %arg6[%dma_start3A_75] : memref<25600xi32, #tpu.memory_space<vmem>> -> memref<200xi32, #tpu.memory_space<vmem>>
    %dma_start3A_77 = arith.constant 0 : i32
    %dma_start3A_78 = arith.constant 0 : i32
    %dma_start3A_79 = tpu.memref_slice %arg3[%dma_start3A_77, %dma_start3A_78] : memref<4000000x32xf32, #tpu.memory_space<hbm>> -> memref<4000000x32xf32, #tpu.memory_space<hbm>>
    %dma_start3A_80 = tpu.memref_slice %arg8[%dma_start3A_70] : memref<4x!tpu.dma_semaphore, #tpu.memory_space<semaphore_mem>> -> memref<1x!tpu.dma_semaphore, #tpu.memory_space<semaphore_mem>>
    %dma_start3A_81 = tpu.memref_squeeze %dma_start3A_80 : memref<1x!tpu.dma_semaphore, #tpu.memory_space<semaphore_mem>> -> memref<!tpu.dma_semaphore, #tpu.memory_space<semaphore_mem>>
    tpu.enqueue_indirect_dma source(%dma_start3A_79 : memref<4000000x32xf32, #tpu.memory_space<hbm>>) target(%dma_start3A_74 : memref<200x32xf32, #tpu.memory_space<vmem>>) offsets(%dma_start3A_76 : memref<200xi32, #tpu.memory_space<vmem>>) semaphore(%dma_start3A_81 : memref<!tpu.dma_semaphore, #tpu.memory_space<semaphore_mem>>)
    %dma_wait3A_82 = arith.constant 1 : i32
    %dma_wait3A_83 = arith.constant 1 : i32
    %dma_wait3A_84 = arith.constant 0 : i32
    %dma_wait3A_85 = arith.constant 0 : i32
    %dma_wait3A_86 = tpu.memref_slice %arg7[%dma_wait3A_82, %dma_wait3A_84, %dma_wait3A_85] : memref<4x200x32xf32, #tpu.memory_space<vmem>> -> memref<1x200x32xf32, #tpu.memory_space<vmem>>
    %dma_wait3A_87 = tpu.memref_squeeze %dma_wait3A_86 : memref<1x200x32xf32, #tpu.memory_space<vmem>> -> memref<200x32xf32, #tpu.memory_space<vmem>>
    %dma_wait3A_88 = arith.constant 200 : i32
    %dma_wait3A_89 = tpu.memref_slice %arg6[%dma_wait3A_88] : memref<25600xi32, #tpu.memory_space<vmem>> -> memref<200xi32, #tpu.memory_space<vmem>>
    %dma_wait3A_90 = arith.constant 0 : i32
    %dma_wait3A_91 = arith.constant 0 : i32
    %dma_wait3A_92 = tpu.memref_slice %arg3[%dma_wait3A_90, %dma_wait3A_91] : memref<4000000x32xf32, #tpu.memory_space<hbm>> -> memref<4000000x32xf32, #tpu.memory_space<hbm>>
    %dma_wait3A_93 = tpu.memref_slice %arg8[%dma_wait3A_83] : memref<4x!tpu.dma_semaphore, #tpu.memory_space<semaphore_mem>> -> memref<1x!tpu.dma_semaphore, #tpu.memory_space<semaphore_mem>>
    %dma_wait3A_94 = tpu.memref_squeeze %dma_wait3A_93 : memref<1x!tpu.dma_semaphore, #tpu.memory_space<semaphore_mem>> -> memref<!tpu.dma_semaphore, #tpu.memory_space<semaphore_mem>>
    tpu.wait_indirect_dma semaphore(%dma_wait3A_94 : memref<!tpu.dma_semaphore, #tpu.memory_space<semaphore_mem>>) src(%dma_wait3A_92 : memref<4000000x32xf32, #tpu.memory_space<hbm>>) dst(%dma_wait3A_87 : memref<200x32xf32, #tpu.memory_space<vmem>>)
    %add3A_95 = arith.constant 1 : i32
    %add3A_96 = arith.addi %mul3A_4, %add3A_95 : i32
    %dma_start3A_97 = arith.constant 1 : i32
    %dma_start3A_98 = arith.constant 1 : i32
    %dma_start3A_99 = arith.constant 0 : i32
    %dma_start3A_100 = arith.constant 0 : i32
    %dma_start3A_101 = tpu.memref_slice %arg7[%dma_start3A_97, %dma_start3A_99, %dma_start3A_100] : memref<4x200x32xf32, #tpu.memory_space<vmem>> -> memref<1x200x32xf32, #tpu.memory_space<vmem>>
    %dma_start3A_102 = tpu.memref_squeeze %dma_start3A_101 : memref<1x200x32xf32, #tpu.memory_space<vmem>> -> memref<200x32xf32, #tpu.memory_space<vmem>>
    %dma_start3A_103 = arith.constant 0 : i32
    %dma_start3A_104 = arith.constant 0 : i32
    %dma_start3A_105 = tpu.memref_slice %arg4[%add3A_96, %dma_start3A_103, %dma_start3A_104] : memref<4096x200x128xf32, #tpu.memory_space<hbm>> -> memref<1x200x32xf32, #tpu.memory_space<hbm>>
    %dma_start3A_106 = tpu.memref_squeeze %dma_start3A_105 : memref<1x200x32xf32, #tpu.memory_space<hbm>> -> memref<200x32xf32, #tpu.memory_space<hbm>>
    %dma_start3A_107 = tpu.memref_slice %arg9[%dma_start3A_98] : memref<4x!tpu.dma_semaphore, #tpu.memory_space<semaphore_mem>> -> memref<1x!tpu.dma_semaphore, #tpu.memory_space<semaphore_mem>>
    %dma_start3A_108 = tpu.memref_squeeze %dma_start3A_107 : memref<1x!tpu.dma_semaphore, #tpu.memory_space<semaphore_mem>> -> memref<!tpu.dma_semaphore, #tpu.memory_space<semaphore_mem>>
    %dma_start3A_109 = arith.constant 0 : i32
    %dma_start3A_110 = arith.constant 0 : i32
    %dma_start3A_111 = tpu.memref_slice %arg4[%add3A_96, %dma_start3A_109, %dma_start3A_110] : memref<4096x200x128xf32, #tpu.memory_space<hbm>> -> memref<1x200x32xf32, #tpu.memory_space<hbm>>
    %dma_start3A_112 = tpu.memref_squeeze %dma_start3A_111 : memref<1x200x32xf32, #tpu.memory_space<hbm>> -> memref<200x32xf32, #tpu.memory_space<hbm>>
    %dma_start3A_113 = arith.constant 0 : i32
    %dma_start3A_114 = arith.constant 0 : i32
    %dma_start3A_115 = tpu.memref_slice %arg7[%dma_start3A_97, %dma_start3A_113, %dma_start3A_114] : memref<4x200x32xf32, #tpu.memory_space<vmem>> -> memref<1x200x32xf32, #tpu.memory_space<vmem>>
    %dma_start3A_116 = tpu.memref_squeeze %dma_start3A_115 : memref<1x200x32xf32, #tpu.memory_space<vmem>> -> memref<200x32xf32, #tpu.memory_space<vmem>>
    tpu.enqueue_dma source(%dma_start3A_116 : memref<200x32xf32, #tpu.memory_space<vmem>>) target(%dma_start3A_112 : memref<200x32xf32, #tpu.memory_space<hbm>>) target_semaphore(%dma_start3A_108 : memref<!tpu.dma_semaphore, #tpu.memory_space<semaphore_mem>>)
    %dma_start3A_117 = arith.constant 3 : i32
    %dma_start3A_118 = arith.constant 3 : i32
    %dma_start3A_119 = arith.constant 0 : i32
    %dma_start3A_120 = arith.constant 0 : i32
    %dma_start3A_121 = tpu.memref_slice %arg7[%dma_start3A_117, %dma_start3A_119, %dma_start3A_120] : memref<4x200x32xf32, #tpu.memory_space<vmem>> -> memref<1x200x32xf32, #tpu.memory_space<vmem>>
    %dma_start3A_122 = tpu.memref_squeeze %dma_start3A_121 : memref<1x200x32xf32, #tpu.memory_space<vmem>> -> memref<200x32xf32, #tpu.memory_space<vmem>>
    %dma_start3A_123 = arith.constant 600 : i32
    %dma_start3A_124 = tpu.memref_slice %arg6[%dma_start3A_123] : memref<25600xi32, #tpu.memory_space<vmem>> -> memref<200xi32, #tpu.memory_space<vmem>>
    %dma_start3A_125 = arith.constant 0 : i32
    %dma_start3A_126 = arith.constant 0 : i32
    %dma_start3A_127 = tpu.memref_slice %arg3[%dma_start3A_125, %dma_start3A_126] : memref<4000000x32xf32, #tpu.memory_space<hbm>> -> memref<4000000x32xf32, #tpu.memory_space<hbm>>
    %dma_start3A_128 = tpu.memref_slice %arg8[%dma_start3A_118] : memref<4x!tpu.dma_semaphore, #tpu.memory_space<semaphore_mem>> -> memref<1x!tpu.dma_semaphore, #tpu.memory_space<semaphore_mem>>
    %dma_start3A_129 = tpu.memref_squeeze %dma_start3A_128 : memref<1x!tpu.dma_semaphore, #tpu.memory_space<semaphore_mem>> -> memref<!tpu.dma_semaphore, #tpu.memory_space<semaphore_mem>>
    tpu.enqueue_indirect_dma source(%dma_start3A_127 : memref<4000000x32xf32, #tpu.memory_space<hbm>>) target(%dma_start3A_122 : memref<200x32xf32, #tpu.memory_space<vmem>>) offsets(%dma_start3A_124 : memref<200xi32, #tpu.memory_space<vmem>>) semaphore(%dma_start3A_129 : memref<!tpu.dma_semaphore, #tpu.memory_space<semaphore_mem>>)
    %dma_wait3A_130 = arith.constant 2 : i32
    %dma_wait3A_131 = arith.constant 2 : i32
    %dma_wait3A_132 = arith.constant 0 : i32
    %dma_wait3A_133 = arith.constant 0 : i32
    %dma_wait3A_134 = tpu.memref_slice %arg7[%dma_wait3A_130, %dma_wait3A_132, %dma_wait3A_133] : memref<4x200x32xf32, #tpu.memory_space<vmem>> -> memref<1x200x32xf32, #tpu.memory_space<vmem>>
    %dma_wait3A_135 = tpu.memref_squeeze %dma_wait3A_134 : memref<1x200x32xf32, #tpu.memory_space<vmem>> -> memref<200x32xf32, #tpu.memory_space<vmem>>
    %dma_wait3A_136 = arith.constant 400 : i32
    %dma_wait3A_137 = tpu.memref_slice %arg6[%dma_wait3A_136] : memref<25600xi32, #tpu.memory_space<vmem>> -> memref<200xi32, #tpu.memory_space<vmem>>
    %dma_wait3A_138 = arith.constant 0 : i32
    %dma_wait3A_139 = arith.constant 0 : i32
    %dma_wait3A_140 = tpu.memref_slice %arg3[%dma_wait3A_138, %dma_wait3A_139] : memref<4000000x32xf32, #tpu.memory_space<hbm>> -> memref<4000000x32xf32, #tpu.memory_space<hbm>>
    %dma_wait3A_141 = tpu.memref_slice %arg8[%dma_wait3A_131] : memref<4x!tpu.dma_semaphore, #tpu.memory_space<semaphore_mem>> -> memref<1x!tpu.dma_semaphore, #tpu.memory_space<semaphore_mem>>
    %dma_wait3A_142 = tpu.memref_squeeze %dma_wait3A_141 : memref<1x!tpu.dma_semaphore, #tpu.memory_space<semaphore_mem>> -> memref<!tpu.dma_semaphore, #tpu.memory_space<semaphore_mem>>
    tpu.wait_indirect_dma semaphore(%dma_wait3A_142 : memref<!tpu.dma_semaphore, #tpu.memory_space<semaphore_mem>>) src(%dma_wait3A_140 : memref<4000000x32xf32, #tpu.memory_space<hbm>>) dst(%dma_wait3A_135 : memref<200x32xf32, #tpu.memory_space<vmem>>)
    %add3A_143 = arith.constant 2 : i32
    %add3A_144 = arith.addi %mul3A_4, %add3A_143 : i32
    %dma_start3A_145 = arith.constant 2 : i32
    %dma_start3A_146 = arith.constant 2 : i32
    %dma_start3A_147 = arith.constant 0 : i32
    %dma_start3A_148 = arith.constant 0 : i32
    %dma_start3A_149 = tpu.memref_slice %arg7[%dma_start3A_145, %dma_start3A_147, %dma_start3A_148] : memref<4x200x32xf32, #tpu.memory_space<vmem>> -> memref<1x200x32xf32, #tpu.memory_space<vmem>>
    %dma_start3A_150 = tpu.memref_squeeze %dma_start3A_149 : memref<1x200x32xf32, #tpu.memory_space<vmem>> -> memref<200x32xf32, #tpu.memory_space<vmem>>
    %dma_start3A_151 = arith.constant 0 : i32
    %dma_start3A_152 = arith.constant 0 : i32
    %dma_start3A_153 = tpu.memref_slice %arg4[%add3A_144, %dma_start3A_151, %dma_start3A_152] : memref<4096x200x128xf32, #tpu.memory_space<hbm>> -> memref<1x200x32xf32, #tpu.memory_space<hbm>>
    %dma_start3A_154 = tpu.memref_squeeze %dma_start3A_153 : memref<1x200x32xf32, #tpu.memory_space<hbm>> -> memref<200x32xf32, #tpu.memory_space<hbm>>
    %dma_start3A_155 = tpu.memref_slice %arg9[%dma_start3A_146] : memref<4x!tpu.dma_semaphore, #tpu.memory_space<semaphore_mem>> -> memref<1x!tpu.dma_semaphore, #tpu.memory_space<semaphore_mem>>
    %dma_start3A_156 = tpu.memref_squeeze %dma_start3A_155 : memref<1x!tpu.dma_semaphore, #tpu.memory_space<semaphore_mem>> -> memref<!tpu.dma_semaphore, #tpu.memory_space<semaphore_mem>>
    %dma_start3A_157 = arith.constant 0 : i32
    %dma_start3A_158 = arith.constant 0 : i32
    %dma_start3A_159 = tpu.memref_slice %arg4[%add3A_144, %dma_start3A_157, %dma_start3A_158] : memref<4096x200x128xf32, #tpu.memory_space<hbm>> -> memref<1x200x32xf32, #tpu.memory_space<hbm>>
    %dma_start3A_160 = tpu.memref_squeeze %dma_start3A_159 : memref<1x200x32xf32, #tpu.memory_space<hbm>> -> memref<200x32xf32, #tpu.memory_space<hbm>>
    %dma_start3A_161 = arith.constant 0 : i32
    %dma_start3A_162 = arith.constant 0 : i32
    %dma_start3A_163 = tpu.memref_slice %arg7[%dma_start3A_145, %dma_start3A_161, %dma_start3A_162] : memref<4x200x32xf32, #tpu.memory_space<vmem>> -> memref<1x200x32xf32, #tpu.memory_space<vmem>>
    %dma_start3A_164 = tpu.memref_squeeze %dma_start3A_163 : memref<1x200x32xf32, #tpu.memory_space<vmem>> -> memref<200x32xf32, #tpu.memory_space<vmem>>
    tpu.enqueue_dma source(%dma_start3A_164 : memref<200x32xf32, #tpu.memory_space<vmem>>) target(%dma_start3A_160 : memref<200x32xf32, #tpu.memory_space<hbm>>) target_semaphore(%dma_start3A_156 : memref<!tpu.dma_semaphore, #tpu.memory_space<semaphore_mem>>)
    %add3A_165 = arith.constant 0 : i32
    %add3A_166 = arith.addi %mul3A_4, %add3A_165 : i32
    %dma_wait3A_167 = arith.constant 0 : i32
    %dma_wait3A_168 = arith.constant 0 : i32
    %dma_wait3A_169 = arith.constant 0 : i32
    %dma_wait3A_170 = arith.constant 0 : i32
    %dma_wait3A_171 = tpu.memref_slice %arg7[%dma_wait3A_167, %dma_wait3A_169, %dma_wait3A_170] : memref<4x200x32xf32, #tpu.memory_space<vmem>> -> memref<1x200x32xf32, #tpu.memory_space<vmem>>
    %dma_wait3A_172 = tpu.memref_squeeze %dma_wait3A_171 : memref<1x200x32xf32, #tpu.memory_space<vmem>> -> memref<200x32xf32, #tpu.memory_space<vmem>>
    %dma_wait3A_173 = arith.constant 0 : i32
    %dma_wait3A_174 = arith.constant 0 : i32
    %dma_wait3A_175 = tpu.memref_slice %arg4[%add3A_166, %dma_wait3A_173, %dma_wait3A_174] : memref<4096x200x128xf32, #tpu.memory_space<hbm>> -> memref<1x200x32xf32, #tpu.memory_space<hbm>>
    %dma_wait3A_176 = tpu.memref_squeeze %dma_wait3A_175 : memref<1x200x32xf32, #tpu.memory_space<hbm>> -> memref<200x32xf32, #tpu.memory_space<hbm>>
    %dma_wait3A_177 = tpu.memref_slice %arg9[%dma_wait3A_168] : memref<4x!tpu.dma_semaphore, #tpu.memory_space<semaphore_mem>> -> memref<1x!tpu.dma_semaphore, #tpu.memory_space<semaphore_mem>>
    %dma_wait3A_178 = tpu.memref_squeeze %dma_wait3A_177 : memref<1x!tpu.dma_semaphore, #tpu.memory_space<semaphore_mem>> -> memref<!tpu.dma_semaphore, #tpu.memory_space<semaphore_mem>>
    %dma_wait3A_179 = arith.constant 0 : i32
    %dma_wait3A_180 = arith.constant 0 : i32
    %dma_wait3A_181 = tpu.memref_slice %arg4[%add3A_166, %dma_wait3A_179, %dma_wait3A_180] : memref<4096x200x128xf32, #tpu.memory_space<hbm>> -> memref<1x200x32xf32, #tpu.memory_space<hbm>>
    %dma_wait3A_182 = tpu.memref_squeeze %dma_wait3A_181 : memref<1x200x32xf32, #tpu.memory_space<hbm>> -> memref<200x32xf32, #tpu.memory_space<hbm>>
    %dma_wait3A_183 = arith.constant 0 : i32
    %dma_wait3A_184 = arith.constant 0 : i32
    %dma_wait3A_185 = tpu.memref_slice %arg7[%dma_wait3A_167, %dma_wait3A_183, %dma_wait3A_184] : memref<4x200x32xf32, #tpu.memory_space<vmem>> -> memref<1x200x32xf32, #tpu.memory_space<vmem>>
    %dma_wait3A_186 = tpu.memref_squeeze %dma_wait3A_185 : memref<1x200x32xf32, #tpu.memory_space<vmem>> -> memref<200x32xf32, #tpu.memory_space<vmem>>
    tpu.wait_dma2 semaphore(%dma_wait3A_178 : memref<!tpu.dma_semaphore, #tpu.memory_space<semaphore_mem>>) src(%dma_wait3A_186 : memref<200x32xf32, #tpu.memory_space<vmem>>) dst(%dma_wait3A_182 : memref<200x32xf32, #tpu.memory_space<hbm>>)
    %dma_start3A_187 = arith.constant 0 : i32
    %dma_start3A_188 = arith.constant 0 : i32
    %dma_start3A_189 = arith.constant 0 : i32
    %dma_start3A_190 = arith.constant 0 : i32
    %dma_start3A_191 = tpu.memref_slice %arg7[%dma_start3A_187, %dma_start3A_189, %dma_start3A_190] : memref<4x200x32xf32, #tpu.memory_space<vmem>> -> memref<1x200x32xf32, #tpu.memory_space<vmem>>
    %dma_start3A_192 = tpu.memref_squeeze %dma_start3A_191 : memref<1x200x32xf32, #tpu.memory_space<vmem>> -> memref<200x32xf32, #tpu.memory_space<vmem>>
    %dma_start3A_193 = arith.constant 800 : i32
    %dma_start3A_194 = tpu.memref_slice %arg6[%dma_start3A_193] : memref<25600xi32, #tpu.memory_space<vmem>> -> memref<200xi32, #tpu.memory_space<vmem>>
    %dma_start3A_195 = arith.constant 0 : i32
    %dma_start3A_196 = arith.constant 0 : i32
    %dma_start3A_197 = tpu.memref_slice %arg3[%dma_start3A_195, %dma_start3A_196] : memref<4000000x32xf32, #tpu.memory_space<hbm>> -> memref<4000000x32xf32, #tpu.memory_space<hbm>>
    %dma_start3A_198 = tpu.memref_slice %arg8[%dma_start3A_188] : memref<4x!tpu.dma_semaphore, #tpu.memory_space<semaphore_mem>> -> memref<1x!tpu.dma_semaphore, #tpu.memory_space<semaphore_mem>>
    %dma_start3A_199 = tpu.memref_squeeze %dma_start3A_198 : memref<1x!tpu.dma_semaphore, #tpu.memory_space<semaphore_mem>> -> memref<!tpu.dma_semaphore, #tpu.memory_space<semaphore_mem>>
    tpu.enqueue_indirect_dma source(%dma_start3A_197 : memref<4000000x32xf32, #tpu.memory_space<hbm>>) target(%dma_start3A_192 : memref<200x32xf32, #tpu.memory_space<vmem>>) offsets(%dma_start3A_194 : memref<200xi32, #tpu.memory_space<vmem>>) semaphore(%dma_start3A_199 : memref<!tpu.dma_semaphore, #tpu.memory_space<semaphore_mem>>)
    %dma_wait3A_200 = arith.constant 3 : i32
    %dma_wait3A_201 = arith.constant 3 : i32
    %dma_wait3A_202 = arith.constant 0 : i32
    %dma_wait3A_203 = arith.constant 0 : i32
    %dma_wait3A_204 = tpu.memref_slice %arg7[%dma_wait3A_200, %dma_wait3A_202, %dma_wait3A_203] : memref<4x200x32xf32, #tpu.memory_space<vmem>> -> memref<1x200x32xf32, #tpu.memory_space<vmem>>
    %dma_wait3A_205 = tpu.memref_squeeze %dma_wait3A_204 : memref<1x200x32xf32, #tpu.memory_space<vmem>> -> memref<200x32xf32, #tpu.memory_space<vmem>>
    %dma_wait3A_206 = arith.constant 600 : i32
    %dma_wait3A_207 = tpu.memref_slice %arg6[%dma_wait3A_206] : memref<25600xi32, #tpu.memory_space<vmem>> -> memref<200xi32, #tpu.memory_space<vmem>>
    %dma_wait3A_208 = arith.constant 0 : i32
    %dma_wait3A_209 = arith.constant 0 : i32
    %dma_wait3A_210 = tpu.memref_slice %arg3[%dma_wait3A_208, %dma_wait3A_209] : memref<4000000x32xf32, #tpu.memory_space<hbm>> -> memref<4000000x32xf32, #tpu.memory_space<hbm>>
    %dma_wait3A_211 = tpu.memref_slice %arg8[%dma_wait3A_201] : memref<4x!tpu.dma_semaphore, #tpu.memory_space<semaphore_mem>> -> memref<1x!tpu.dma_semaphore, #tpu.memory_space<semaphore_mem>>
    %dma_wait3A_212 = tpu.memref_squeeze %dma_wait3A_211 : memref<1x!tpu.dma_semaphore, #tpu.memory_space<semaphore_mem>> -> memref<!tpu.dma_semaphore, #tpu.memory_space<semaphore_mem>>
    tpu.wait_indirect_dma semaphore(%dma_wait3A_212 : memref<!tpu.dma_semaphore, #tpu.memory_space<semaphore_mem>>) src(%dma_wait3A_210 : memref<4000000x32xf32, #tpu.memory_space<hbm>>) dst(%dma_wait3A_205 : memref<200x32xf32, #tpu.memory_space<vmem>>)
    %add3A_213 = arith.constant 3 : i32
    %add3A_214 = arith.addi %mul3A_4, %add3A_213 : i32
    %dma_start3A_215 = arith.constant 3 : i32
    %dma_start3A_216 = arith.constant 3 : i32
    %dma_start3A_217 = arith.constant 0 : i32
    %dma_start3A_218 = arith.constant 0 : i32
    %dma_start3A_219 = tpu.memref_slice %arg7[%dma_start3A_215, %dma_start3A_217, %dma_start3A_218] : memref<4x200x32xf32, #tpu.memory_space<vmem>> -> memref<1x200x32xf32, #tpu.memory_space<vmem>>
    %dma_start3A_220 = tpu.memref_squeeze %dma_start3A_219 : memref<1x200x32xf32, #tpu.memory_space<vmem>> -> memref<200x32xf32, #tpu.memory_space<vmem>>
    %dma_start3A_221 = arith.constant 0 : i32
    %dma_start3A_222 = arith.constant 0 : i32
    %dma_start3A_223 = tpu.memref_slice %arg4[%add3A_214, %dma_start3A_221, %dma_start3A_222] : memref<4096x200x128xf32, #tpu.memory_space<hbm>> -> memref<1x200x32xf32, #tpu.memory_space<hbm>>
    %dma_start3A_224 = tpu.memref_squeeze %dma_start3A_223 : memref<1x200x32xf32, #tpu.memory_space<hbm>> -> memref<200x32xf32, #tpu.memory_space<hbm>>
    %dma_start3A_225 = tpu.memref_slice %arg9[%dma_start3A_216] : memref<4x!tpu.dma_semaphore, #tpu.memory_space<semaphore_mem>> -> memref<1x!tpu.dma_semaphore, #tpu.memory_space<semaphore_mem>>
    %dma_start3A_226 = tpu.memref_squeeze %dma_start3A_225 : memref<1x!tpu.dma_semaphore, #tpu.memory_space<semaphore_mem>> -> memref<!tpu.dma_semaphore, #tpu.memory_space<semaphore_mem>>
    %dma_start3A_227 = arith.constant 0 : i32
    %dma_start3A_228 = arith.constant 0 : i32
    %dma_start3A_229 = tpu.memref_slice %arg4[%add3A_214, %dma_start3A_227, %dma_start3A_228] : memref<4096x200x128xf32, #tpu.memory_space<hbm>> -> memref<1x200x32xf32, #tpu.memory_space<hbm>>
    %dma_start3A_230 = tpu.memref_squeeze %dma_start3A_229 : memref<1x200x32xf32, #tpu.memory_space<hbm>> -> memref<200x32xf32, #tpu.memory_space<hbm>>
    %dma_start3A_231 = arith.constant 0 : i32
    %dma_start3A_232 = arith.constant 0 : i32
    %dma_start3A_233 = tpu.memref_slice %arg7[%dma_start3A_215, %dma_start3A_231, %dma_start3A_232] : memref<4x200x32xf32, #tpu.memory_space<vmem>> -> memref<1x200x32xf32, #tpu.memory_space<vmem>>
    %dma_start3A_234 = tpu.memref_squeeze %dma_start3A_233 : memref<1x200x32xf32, #tpu.memory_space<vmem>> -> memref<200x32xf32, #tpu.memory_space<vmem>>
    tpu.enqueue_dma source(%dma_start3A_234 : memref<200x32xf32, #tpu.memory_space<vmem>>) target(%dma_start3A_230 : memref<200x32xf32, #tpu.memory_space<hbm>>) target_semaphore(%dma_start3A_226 : memref<!tpu.dma_semaphore, #tpu.memory_space<semaphore_mem>>)
    %add3A_235 = arith.constant 1 : i32
    %add3A_236 = arith.addi %mul3A_4, %add3A_235 : i32
    %dma_wait3A_237 = arith.constant 1 : i32
    %dma_wait3A_238 = arith.constant 1 : i32
    %dma_wait3A_239 = arith.constant 0 : i32
    %dma_wait3A_240 = arith.constant 0 : i32
    %dma_wait3A_241 = tpu.memref_slice %arg7[%dma_wait3A_237, %dma_wait3A_239, %dma_wait3A_240] : memref<4x200x32xf32, #tpu.memory_space<vmem>> -> memref<1x200x32xf32, #tpu.memory_space<vmem>>
    %dma_wait3A_242 = tpu.memref_squeeze %dma_wait3A_241 : memref<1x200x32xf32, #tpu.memory_space<vmem>> -> memref<200x32xf32, #tpu.memory_space<vmem>>
    %dma_wait3A_243 = arith.constant 0 : i32
    %dma_wait3A_244 = arith.constant 0 : i32
    %dma_wait3A_245 = tpu.memref_slice %arg4[%add3A_236, %dma_wait3A_243, %dma_wait3A_244] : memref<4096x200x128xf32, #tpu.memory_space<hbm>> -> memref<1x200x32xf32, #tpu.memory_space<hbm>>
    %dma_wait3A_246 = tpu.memref_squeeze %dma_wait3A_245 : memref<1x200x32xf32, #tpu.memory_space<hbm>> -> memref<200x32xf32, #tpu.memory_space<hbm>>
    %dma_wait3A_247 = tpu.memref_slice %arg9[%dma_wait3A_238] : memref<4x!tpu.dma_semaphore, #tpu.memory_space<semaphore_mem>> -> memref<1x!tpu.dma_semaphore, #tpu.memory_space<semaphore_mem>>
    %dma_wait3A_248 = tpu.memref_squeeze %dma_wait3A_247 : memref<1x!tpu.dma_semaphore, #tpu.memory_space<semaphore_mem>> -> memref<!tpu.dma_semaphore, #tpu.memory_space<semaphore_mem>>
    %dma_wait3A_249 = arith.constant 0 : i32
    %dma_wait3A_250 = arith.constant 0 : i32
    %dma_wait3A_251 = tpu.memref_slice %arg4[%add3A_236, %dma_wait3A_249, %dma_wait3A_250] : memref<4096x200x128xf32, #tpu.memory_space<hbm>> -> memref<1x200x32xf32, #tpu.memory_space<hbm>>
    %dma_wait3A_252 = tpu.memref_squeeze %dma_wait3A_251 : memref<1x200x32xf32, #tpu.memory_space<hbm>> -> memref<200x32xf32, #tpu.memory_space<hbm>>
    %dma_wait3A_253 = arith.constant 0 : i32
    %dma_wait3A_254 = arith.constant 0 : i32
    %dma_wait3A_255 = tpu.memref_slice %arg7[%dma_wait3A_237, %dma_wait3A_253, %dma_wait3A_254] : memref<4x200x32xf32, #tpu.memory_space<vmem>> -> memref<1x200x32xf32, #tpu.memory_space<vmem>>
    %dma_wait3A_256 = tpu.memref_squeeze %dma_wait3A_255 : memref<1x200x32xf32, #tpu.memory_space<vmem>> -> memref<200x32xf32, #tpu.memory_space<vmem>>
    tpu.wait_dma2 semaphore(%dma_wait3A_248 : memref<!tpu.dma_semaphore, #tpu.memory_space<semaphore_mem>>) src(%dma_wait3A_256 : memref<200x32xf32, #tpu.memory_space<vmem>>) dst(%dma_wait3A_252 : memref<200x32xf32, #tpu.memory_space<hbm>>)
    %dma_start3A_257 = arith.constant 1 : i32
    %dma_start3A_258 = arith.constant 1 : i32
    %dma_start3A_259 = arith.constant 0 : i32
    %dma_start3A_260 = arith.constant 0 : i32
    %dma_start3A_261 = tpu.memref_slice %arg7[%dma_start3A_257, %dma_start3A_259, %dma_start3A_260] : memref<4x200x32xf32, #tpu.memory_space<vmem>> -> memref<1x200x32xf32, #tpu.memory_space<vmem>>
    %dma_start3A_262 = tpu.memref_squeeze %dma_start3A_261 : memref<1x200x32xf32, #tpu.memory_space<vmem>> -> memref<200x32xf32, #tpu.memory_space<vmem>>
    %dma_start3A_263 = arith.constant 1000 : i32
    %dma_start3A_264 = tpu.memref_slice %arg6[%dma_start3A_263] : memref<25600xi32, #tpu.memory_space<vmem>> -> memref<200xi32, #tpu.memory_space<vmem>>
    %dma_start3A_265 = arith.constant 0 : i32
    %dma_start3A_266 = arith.constant 0 : i32
    %dma_start3A_267 = tpu.memref_slice %arg3[%dma_start3A_265, %dma_start3A_266] : memref<4000000x32xf32, #tpu.memory_space<hbm>> -> memref<4000000x32xf32, #tpu.memory_space<hbm>>
    %dma_start3A_268 = tpu.memref_slice %arg8[%dma_start3A_258] : memref<4x!tpu.dma_semaphore, #tpu.memory_space<semaphore_mem>> -> memref<1x!tpu.dma_semaphore, #tpu.memory_space<semaphore_mem>>
    %dma_start3A_269 = tpu.memref_squeeze %dma_start3A_268 : memref<1x!tpu.dma_semaphore, #tpu.memory_space<semaphore_mem>> -> memref<!tpu.dma_semaphore, #tpu.memory_space<semaphore_mem>>
    tpu.enqueue_indirect_dma source(%dma_start3A_267 : memref<4000000x32xf32, #tpu.memory_space<hbm>>) target(%dma_start3A_262 : memref<200x32xf32, #tpu.memory_space<vmem>>) offsets(%dma_start3A_264 : memref<200xi32, #tpu.memory_space<vmem>>) semaphore(%dma_start3A_269 : memref<!tpu.dma_semaphore, #tpu.memory_space<semaphore_mem>>)
    %scan3A_270 = arith.constant 0 : i32
    %scan3A_271 = arith.constant 1 : i32
    %scan3A_272 = arith.constant 30 : i32
    %scan3A_273 = arith.addi %scan3A_271, %scan3A_272 : i32
    %scan3A_274 = arith.constant 1 : i32
    scf.for %scan3A_574 = %scan3A_271 to %scan3A_273 step %scan3A_274  : i32 {
      %mul3A_575 = arith.constant 4 : i32
      %mul3A_576 = arith.muli %scan3A_574, %mul3A_575 : i32
      %add3A_577 = arith.constant 0 : i32
      %add3A_578 = arith.addi %mul3A_576, %add3A_577 : i32
      %mul3A_579 = arith.constant 200 : i32
      %mul3A_580 = arith.muli %add3A_578, %mul3A_579 : i32
      %dma_wait3A_581 = arith.constant 0 : i32
      %dma_wait3A_582 = arith.constant 0 : i32
      %dma_wait3A_583 = arith.constant 0 : i32
      %dma_wait3A_584 = arith.constant 0 : i32
      %dma_wait3A_585 = tpu.memref_slice %arg7[%dma_wait3A_581, %dma_wait3A_583, %dma_wait3A_584] : memref<4x200x32xf32, #tpu.memory_space<vmem>> -> memref<1x200x32xf32, #tpu.memory_space<vmem>>
      %dma_wait3A_586 = tpu.memref_squeeze %dma_wait3A_585 : memref<1x200x32xf32, #tpu.memory_space<vmem>> -> memref<200x32xf32, #tpu.memory_space<vmem>>
      %dma_wait3A_587 = tpu.memref_slice %arg6[%mul3A_580] : memref<25600xi32, #tpu.memory_space<vmem>> -> memref<200xi32, #tpu.memory_space<vmem>>
      %dma_wait3A_588 = arith.constant 0 : i32
      %dma_wait3A_589 = arith.constant 0 : i32
      %dma_wait3A_590 = tpu.memref_slice %arg3[%dma_wait3A_588, %dma_wait3A_589] : memref<4000000x32xf32, #tpu.memory_space<hbm>> -> memref<4000000x32xf32, #tpu.memory_space<hbm>>
      %dma_wait3A_591 = tpu.memref_slice %arg8[%dma_wait3A_582] : memref<4x!tpu.dma_semaphore, #tpu.memory_space<semaphore_mem>> -> memref<1x!tpu.dma_semaphore, #tpu.memory_space<semaphore_mem>>
      %dma_wait3A_592 = tpu.memref_squeeze %dma_wait3A_591 : memref<1x!tpu.dma_semaphore, #tpu.memory_space<semaphore_mem>> -> memref<!tpu.dma_semaphore, #tpu.memory_space<semaphore_mem>>
      tpu.wait_indirect_dma semaphore(%dma_wait3A_592 : memref<!tpu.dma_semaphore, #tpu.memory_space<semaphore_mem>>) src(%dma_wait3A_590 : memref<4000000x32xf32, #tpu.memory_space<hbm>>) dst(%dma_wait3A_586 : memref<200x32xf32, #tpu.memory_space<vmem>>)
      %add3A_593 = arith.addi %mul3A_4, %add3A_578 : i32
      %dma_start3A_594 = arith.constant 0 : i32
      %dma_start3A_595 = arith.constant 0 : i32
      %dma_start3A_596 = arith.constant 0 : i32
      %dma_start3A_597 = arith.constant 0 : i32
      %dma_start3A_598 = tpu.memref_slice %arg7[%dma_start3A_594, %dma_start3A_596, %dma_start3A_597] : memref<4x200x32xf32, #tpu.memory_space<vmem>> -> memref<1x200x32xf32, #tpu.memory_space<vmem>>
      %dma_start3A_599 = tpu.memref_squeeze %dma_start3A_598 : memref<1x200x32xf32, #tpu.memory_space<vmem>> -> memref<200x32xf32, #tpu.memory_space<vmem>>
      %dma_start3A_600 = arith.constant 0 : i32
      %dma_start3A_601 = arith.constant 0 : i32
      %dma_start3A_602 = tpu.memref_slice %arg4[%add3A_593, %dma_start3A_600, %dma_start3A_601] : memref<4096x200x128xf32, #tpu.memory_space<hbm>> -> memref<1x200x32xf32, #tpu.memory_space<hbm>>
      %dma_start3A_603 = tpu.memref_squeeze %dma_start3A_602 : memref<1x200x32xf32, #tpu.memory_space<hbm>> -> memref<200x32xf32, #tpu.memory_space<hbm>>
      %dma_start3A_604 = tpu.memref_slice %arg9[%dma_start3A_595] : memref<4x!tpu.dma_semaphore, #tpu.memory_space<semaphore_mem>> -> memref<1x!tpu.dma_semaphore, #tpu.memory_space<semaphore_mem>>
      %dma_start3A_605 = tpu.memref_squeeze %dma_start3A_604 : memref<1x!tpu.dma_semaphore, #tpu.memory_space<semaphore_mem>> -> memref<!tpu.dma_semaphore, #tpu.memory_space<semaphore_mem>>
      %dma_start3A_606 = arith.constant 0 : i32
      %dma_start3A_607 = arith.constant 0 : i32
      %dma_start3A_608 = tpu.memref_slice %arg4[%add3A_593, %dma_start3A_606, %dma_start3A_607] : memref<4096x200x128xf32, #tpu.memory_space<hbm>> -> memref<1x200x32xf32, #tpu.memory_space<hbm>>
      %dma_start3A_609 = tpu.memref_squeeze %dma_start3A_608 : memref<1x200x32xf32, #tpu.memory_space<hbm>> -> memref<200x32xf32, #tpu.memory_space<hbm>>
      %dma_start3A_610 = arith.constant 0 : i32
      %dma_start3A_611 = arith.constant 0 : i32
      %dma_start3A_612 = tpu.memref_slice %arg7[%dma_start3A_594, %dma_start3A_610, %dma_start3A_611] : memref<4x200x32xf32, #tpu.memory_space<vmem>> -> memref<1x200x32xf32, #tpu.memory_space<vmem>>
      %dma_start3A_613 = tpu.memref_squeeze %dma_start3A_612 : memref<1x200x32xf32, #tpu.memory_space<vmem>> -> memref<200x32xf32, #tpu.memory_space<vmem>>
      tpu.enqueue_dma source(%dma_start3A_613 : memref<200x32xf32, #tpu.memory_space<vmem>>) target(%dma_start3A_609 : memref<200x32xf32, #tpu.memory_space<hbm>>) target_semaphore(%dma_start3A_605 : memref<!tpu.dma_semaphore, #tpu.memory_space<semaphore_mem>>)
      %sub3A = arith.constant 2 : i32
      %sub3A_614 = arith.subi %add3A_578, %sub3A : i32
      %add3A_615 = arith.addi %mul3A_4, %sub3A_614 : i32
      %dma_wait3A_616 = arith.constant 2 : i32
      %dma_wait3A_617 = arith.constant 2 : i32
      %dma_wait3A_618 = arith.constant 0 : i32
      %dma_wait3A_619 = arith.constant 0 : i32
      %dma_wait3A_620 = tpu.memref_slice %arg7[%dma_wait3A_616, %dma_wait3A_618, %dma_wait3A_619] : memref<4x200x32xf32, #tpu.memory_space<vmem>> -> memref<1x200x32xf32, #tpu.memory_space<vmem>>
      %dma_wait3A_621 = tpu.memref_squeeze %dma_wait3A_620 : memref<1x200x32xf32, #tpu.memory_space<vmem>> -> memref<200x32xf32, #tpu.memory_space<vmem>>
      %dma_wait3A_622 = arith.constant 0 : i32
      %dma_wait3A_623 = arith.constant 0 : i32
      %dma_wait3A_624 = tpu.memref_slice %arg4[%add3A_615, %dma_wait3A_622, %dma_wait3A_623] : memref<4096x200x128xf32, #tpu.memory_space<hbm>> -> memref<1x200x32xf32, #tpu.memory_space<hbm>>
      %dma_wait3A_625 = tpu.memref_squeeze %dma_wait3A_624 : memref<1x200x32xf32, #tpu.memory_space<hbm>> -> memref<200x32xf32, #tpu.memory_space<hbm>>
      %dma_wait3A_626 = tpu.memref_slice %arg9[%dma_wait3A_617] : memref<4x!tpu.dma_semaphore, #tpu.memory_space<semaphore_mem>> -> memref<1x!tpu.dma_semaphore, #tpu.memory_space<semaphore_mem>>
      %dma_wait3A_627 = tpu.memref_squeeze %dma_wait3A_626 : memref<1x!tpu.dma_semaphore, #tpu.memory_space<semaphore_mem>> -> memref<!tpu.dma_semaphore, #tpu.memory_space<semaphore_mem>>
      %dma_wait3A_628 = arith.constant 0 : i32
      %dma_wait3A_629 = arith.constant 0 : i32
      %dma_wait3A_630 = tpu.memref_slice %arg4[%add3A_615, %dma_wait3A_628, %dma_wait3A_629] : memref<4096x200x128xf32, #tpu.memory_space<hbm>> -> memref<1x200x32xf32, #tpu.memory_space<hbm>>
      %dma_wait3A_631 = tpu.memref_squeeze %dma_wait3A_630 : memref<1x200x32xf32, #tpu.memory_space<hbm>> -> memref<200x32xf32, #tpu.memory_space<hbm>>
      %dma_wait3A_632 = arith.constant 0 : i32
      %dma_wait3A_633 = arith.constant 0 : i32
      %dma_wait3A_634 = tpu.memref_slice %arg7[%dma_wait3A_616, %dma_wait3A_632, %dma_wait3A_633] : memref<4x200x32xf32, #tpu.memory_space<vmem>> -> memref<1x200x32xf32, #tpu.memory_space<vmem>>
      %dma_wait3A_635 = tpu.memref_squeeze %dma_wait3A_634 : memref<1x200x32xf32, #tpu.memory_space<vmem>> -> memref<200x32xf32, #tpu.memory_space<vmem>>
      tpu.wait_dma2 semaphore(%dma_wait3A_627 : memref<!tpu.dma_semaphore, #tpu.memory_space<semaphore_mem>>) src(%dma_wait3A_635 : memref<200x32xf32, #tpu.memory_space<vmem>>) dst(%dma_wait3A_631 : memref<200x32xf32, #tpu.memory_space<hbm>>)
      %add3A_636 = arith.constant 2 : i32
      %add3A_637 = arith.addi %add3A_578, %add3A_636 : i32
      %mul3A_638 = arith.constant 200 : i32
      %mul3A_639 = arith.muli %add3A_637, %mul3A_638 : i32
      %dma_start3A_640 = arith.constant 2 : i32
      %dma_start3A_641 = arith.constant 2 : i32
      %dma_start3A_642 = arith.constant 0 : i32
      %dma_start3A_643 = arith.constant 0 : i32
      %dma_start3A_644 = tpu.memref_slice %arg7[%dma_start3A_640, %dma_start3A_642, %dma_start3A_643] : memref<4x200x32xf32, #tpu.memory_space<vmem>> -> memref<1x200x32xf32, #tpu.memory_space<vmem>>
      %dma_start3A_645 = tpu.memref_squeeze %dma_start3A_644 : memref<1x200x32xf32, #tpu.memory_space<vmem>> -> memref<200x32xf32, #tpu.memory_space<vmem>>
      %dma_start3A_646 = tpu.memref_slice %arg6[%mul3A_639] : memref<25600xi32, #tpu.memory_space<vmem>> -> memref<200xi32, #tpu.memory_space<vmem>>
      %dma_start3A_647 = arith.constant 0 : i32
      %dma_start3A_648 = arith.constant 0 : i32
      %dma_start3A_649 = tpu.memref_slice %arg3[%dma_start3A_647, %dma_start3A_648] : memref<4000000x32xf32, #tpu.memory_space<hbm>> -> memref<4000000x32xf32, #tpu.memory_space<hbm>>
      %dma_start3A_650 = tpu.memref_slice %arg8[%dma_start3A_641] : memref<4x!tpu.dma_semaphore, #tpu.memory_space<semaphore_mem>> -> memref<1x!tpu.dma_semaphore, #tpu.memory_space<semaphore_mem>>
      %dma_start3A_651 = tpu.memref_squeeze %dma_start3A_650 : memref<1x!tpu.dma_semaphore, #tpu.memory_space<semaphore_mem>> -> memref<!tpu.dma_semaphore, #tpu.memory_space<semaphore_mem>>
      tpu.enqueue_indirect_dma source(%dma_start3A_649 : memref<4000000x32xf32, #tpu.memory_space<hbm>>) target(%dma_start3A_645 : memref<200x32xf32, #tpu.memory_space<vmem>>) offsets(%dma_start3A_646 : memref<200xi32, #tpu.memory_space<vmem>>) semaphore(%dma_start3A_651 : memref<!tpu.dma_semaphore, #tpu.memory_space<semaphore_mem>>)
      %add3A_652 = arith.constant 1 : i32
      %add3A_653 = arith.addi %mul3A_576, %add3A_652 : i32
      %mul3A_654 = arith.constant 200 : i32
      %mul3A_655 = arith.muli %add3A_653, %mul3A_654 : i32
      %dma_wait3A_656 = arith.constant 1 : i32
      %dma_wait3A_657 = arith.constant 1 : i32
      %dma_wait3A_658 = arith.constant 0 : i32
      %dma_wait3A_659 = arith.constant 0 : i32
      %dma_wait3A_660 = tpu.memref_slice %arg7[%dma_wait3A_656, %dma_wait3A_658, %dma_wait3A_659] : memref<4x200x32xf32, #tpu.memory_space<vmem>> -> memref<1x200x32xf32, #tpu.memory_space<vmem>>
      %dma_wait3A_661 = tpu.memref_squeeze %dma_wait3A_660 : memref<1x200x32xf32, #tpu.memory_space<vmem>> -> memref<200x32xf32, #tpu.memory_space<vmem>>
      %dma_wait3A_662 = tpu.memref_slice %arg6[%mul3A_655] : memref<25600xi32, #tpu.memory_space<vmem>> -> memref<200xi32, #tpu.memory_space<vmem>>
      %dma_wait3A_663 = arith.constant 0 : i32
      %dma_wait3A_664 = arith.constant 0 : i32
      %dma_wait3A_665 = tpu.memref_slice %arg3[%dma_wait3A_663, %dma_wait3A_664] : memref<4000000x32xf32, #tpu.memory_space<hbm>> -> memref<4000000x32xf32, #tpu.memory_space<hbm>>
      %dma_wait3A_666 = tpu.memref_slice %arg8[%dma_wait3A_657] : memref<4x!tpu.dma_semaphore, #tpu.memory_space<semaphore_mem>> -> memref<1x!tpu.dma_semaphore, #tpu.memory_space<semaphore_mem>>
      %dma_wait3A_667 = tpu.memref_squeeze %dma_wait3A_666 : memref<1x!tpu.dma_semaphore, #tpu.memory_space<semaphore_mem>> -> memref<!tpu.dma_semaphore, #tpu.memory_space<semaphore_mem>>
      tpu.wait_indirect_dma semaphore(%dma_wait3A_667 : memref<!tpu.dma_semaphore, #tpu.memory_space<semaphore_mem>>) src(%dma_wait3A_665 : memref<4000000x32xf32, #tpu.memory_space<hbm>>) dst(%dma_wait3A_661 : memref<200x32xf32, #tpu.memory_space<vmem>>)
      %add3A_668 = arith.addi %mul3A_4, %add3A_653 : i32
      %dma_start3A_669 = arith.constant 1 : i32
      %dma_start3A_670 = arith.constant 1 : i32
      %dma_start3A_671 = arith.constant 0 : i32
      %dma_start3A_672 = arith.constant 0 : i32
      %dma_start3A_673 = tpu.memref_slice %arg7[%dma_start3A_669, %dma_start3A_671, %dma_start3A_672] : memref<4x200x32xf32, #tpu.memory_space<vmem>> -> memref<1x200x32xf32, #tpu.memory_space<vmem>>
      %dma_start3A_674 = tpu.memref_squeeze %dma_start3A_673 : memref<1x200x32xf32, #tpu.memory_space<vmem>> -> memref<200x32xf32, #tpu.memory_space<vmem>>
      %dma_start3A_675 = arith.constant 0 : i32
      %dma_start3A_676 = arith.constant 0 : i32
      %dma_start3A_677 = tpu.memref_slice %arg4[%add3A_668, %dma_start3A_675, %dma_start3A_676] : memref<4096x200x128xf32, #tpu.memory_space<hbm>> -> memref<1x200x32xf32, #tpu.memory_space<hbm>>
      %dma_start3A_678 = tpu.memref_squeeze %dma_start3A_677 : memref<1x200x32xf32, #tpu.memory_space<hbm>> -> memref<200x32xf32, #tpu.memory_space<hbm>>
      %dma_start3A_679 = tpu.memref_slice %arg9[%dma_start3A_670] : memref<4x!tpu.dma_semaphore, #tpu.memory_space<semaphore_mem>> -> memref<1x!tpu.dma_semaphore, #tpu.memory_space<semaphore_mem>>
      %dma_start3A_680 = tpu.memref_squeeze %dma_start3A_679 : memref<1x!tpu.dma_semaphore, #tpu.memory_space<semaphore_mem>> -> memref<!tpu.dma_semaphore, #tpu.memory_space<semaphore_mem>>
      %dma_start3A_681 = arith.constant 0 : i32
      %dma_start3A_682 = arith.constant 0 : i32
      %dma_start3A_683 = tpu.memref_slice %arg4[%add3A_668, %dma_start3A_681, %dma_start3A_682] : memref<4096x200x128xf32, #tpu.memory_space<hbm>> -> memref<1x200x32xf32, #tpu.memory_space<hbm>>
      %dma_start3A_684 = tpu.memref_squeeze %dma_start3A_683 : memref<1x200x32xf32, #tpu.memory_space<hbm>> -> memref<200x32xf32, #tpu.memory_space<hbm>>
      %dma_start3A_685 = arith.constant 0 : i32
      %dma_start3A_686 = arith.constant 0 : i32
      %dma_start3A_687 = tpu.memref_slice %arg7[%dma_start3A_669, %dma_start3A_685, %dma_start3A_686] : memref<4x200x32xf32, #tpu.memory_space<vmem>> -> memref<1x200x32xf32, #tpu.memory_space<vmem>>
      %dma_start3A_688 = tpu.memref_squeeze %dma_start3A_687 : memref<1x200x32xf32, #tpu.memory_space<vmem>> -> memref<200x32xf32, #tpu.memory_space<vmem>>
      tpu.enqueue_dma source(%dma_start3A_688 : memref<200x32xf32, #tpu.memory_space<vmem>>) target(%dma_start3A_684 : memref<200x32xf32, #tpu.memory_space<hbm>>) target_semaphore(%dma_start3A_680 : memref<!tpu.dma_semaphore, #tpu.memory_space<semaphore_mem>>)
      %sub3A_689 = arith.constant 2 : i32
      %sub3A_690 = arith.subi %add3A_653, %sub3A_689 : i32
      %add3A_691 = arith.addi %mul3A_4, %sub3A_690 : i32
      %dma_wait3A_692 = arith.constant 3 : i32
      %dma_wait3A_693 = arith.constant 3 : i32
      %dma_wait3A_694 = arith.constant 0 : i32
      %dma_wait3A_695 = arith.constant 0 : i32
      %dma_wait3A_696 = tpu.memref_slice %arg7[%dma_wait3A_692, %dma_wait3A_694, %dma_wait3A_695] : memref<4x200x32xf32, #tpu.memory_space<vmem>> -> memref<1x200x32xf32, #tpu.memory_space<vmem>>
      %dma_wait3A_697 = tpu.memref_squeeze %dma_wait3A_696 : memref<1x200x32xf32, #tpu.memory_space<vmem>> -> memref<200x32xf32, #tpu.memory_space<vmem>>
      %dma_wait3A_698 = arith.constant 0 : i32
      %dma_wait3A_699 = arith.constant 0 : i32
      %dma_wait3A_700 = tpu.memref_slice %arg4[%add3A_691, %dma_wait3A_698, %dma_wait3A_699] : memref<4096x200x128xf32, #tpu.memory_space<hbm>> -> memref<1x200x32xf32, #tpu.memory_space<hbm>>
      %dma_wait3A_701 = tpu.memref_squeeze %dma_wait3A_700 : memref<1x200x32xf32, #tpu.memory_space<hbm>> -> memref<200x32xf32, #tpu.memory_space<hbm>>
      %dma_wait3A_702 = tpu.memref_slice %arg9[%dma_wait3A_693] : memref<4x!tpu.dma_semaphore, #tpu.memory_space<semaphore_mem>> -> memref<1x!tpu.dma_semaphore, #tpu.memory_space<semaphore_mem>>
      %dma_wait3A_703 = tpu.memref_squeeze %dma_wait3A_702 : memref<1x!tpu.dma_semaphore, #tpu.memory_space<semaphore_mem>> -> memref<!tpu.dma_semaphore, #tpu.memory_space<semaphore_mem>>
      %dma_wait3A_704 = arith.constant 0 : i32
      %dma_wait3A_705 = arith.constant 0 : i32
      %dma_wait3A_706 = tpu.memref_slice %arg4[%add3A_691, %dma_wait3A_704, %dma_wait3A_705] : memref<4096x200x128xf32, #tpu.memory_space<hbm>> -> memref<1x200x32xf32, #tpu.memory_space<hbm>>
      %dma_wait3A_707 = tpu.memref_squeeze %dma_wait3A_706 : memref<1x200x32xf32, #tpu.memory_space<hbm>> -> memref<200x32xf32, #tpu.memory_space<hbm>>
      %dma_wait3A_708 = arith.constant 0 : i32
      %dma_wait3A_709 = arith.constant 0 : i32
      %dma_wait3A_710 = tpu.memref_slice %arg7[%dma_wait3A_692, %dma_wait3A_708, %dma_wait3A_709] : memref<4x200x32xf32, #tpu.memory_space<vmem>> -> memref<1x200x32xf32, #tpu.memory_space<vmem>>
      %dma_wait3A_711 = tpu.memref_squeeze %dma_wait3A_710 : memref<1x200x32xf32, #tpu.memory_space<vmem>> -> memref<200x32xf32, #tpu.memory_space<vmem>>
      tpu.wait_dma2 semaphore(%dma_wait3A_703 : memref<!tpu.dma_semaphore, #tpu.memory_space<semaphore_mem>>) src(%dma_wait3A_711 : memref<200x32xf32, #tpu.memory_space<vmem>>) dst(%dma_wait3A_707 : memref<200x32xf32, #tpu.memory_space<hbm>>)
      %add3A_712 = arith.constant 2 : i32
      %add3A_713 = arith.addi %add3A_653, %add3A_712 : i32
      %mul3A_714 = arith.constant 200 : i32
      %mul3A_715 = arith.muli %add3A_713, %mul3A_714 : i32
      %dma_start3A_716 = arith.constant 3 : i32
      %dma_start3A_717 = arith.constant 3 : i32
      %dma_start3A_718 = arith.constant 0 : i32
      %dma_start3A_719 = arith.constant 0 : i32
      %dma_start3A_720 = tpu.memref_slice %arg7[%dma_start3A_716, %dma_start3A_718, %dma_start3A_719] : memref<4x200x32xf32, #tpu.memory_space<vmem>> -> memref<1x200x32xf32, #tpu.memory_space<vmem>>
      %dma_start3A_721 = tpu.memref_squeeze %dma_start3A_720 : memref<1x200x32xf32, #tpu.memory_space<vmem>> -> memref<200x32xf32, #tpu.memory_space<vmem>>
      %dma_start3A_722 = tpu.memref_slice %arg6[%mul3A_715] : memref<25600xi32, #tpu.memory_space<vmem>> -> memref<200xi32, #tpu.memory_space<vmem>>
      %dma_start3A_723 = arith.constant 0 : i32
      %dma_start3A_724 = arith.constant 0 : i32
      %dma_start3A_725 = tpu.memref_slice %arg3[%dma_start3A_723, %dma_start3A_724] : memref<4000000x32xf32, #tpu.memory_space<hbm>> -> memref<4000000x32xf32, #tpu.memory_space<hbm>>
      %dma_start3A_726 = tpu.memref_slice %arg8[%dma_start3A_717] : memref<4x!tpu.dma_semaphore, #tpu.memory_space<semaphore_mem>> -> memref<1x!tpu.dma_semaphore, #tpu.memory_space<semaphore_mem>>
      %dma_start3A_727 = tpu.memref_squeeze %dma_start3A_726 : memref<1x!tpu.dma_semaphore, #tpu.memory_space<semaphore_mem>> -> memref<!tpu.dma_semaphore, #tpu.memory_space<semaphore_mem>>
      tpu.enqueue_indirect_dma source(%dma_start3A_725 : memref<4000000x32xf32, #tpu.memory_space<hbm>>) target(%dma_start3A_721 : memref<200x32xf32, #tpu.memory_space<vmem>>) offsets(%dma_start3A_722 : memref<200xi32, #tpu.memory_space<vmem>>) semaphore(%dma_start3A_727 : memref<!tpu.dma_semaphore, #tpu.memory_space<semaphore_mem>>)
      %add3A_728 = arith.constant 2 : i32
      %add3A_729 = arith.addi %mul3A_576, %add3A_728 : i32
      %mul3A_730 = arith.constant 200 : i32
      %mul3A_731 = arith.muli %add3A_729, %mul3A_730 : i32
      %dma_wait3A_732 = arith.constant 2 : i32
      %dma_wait3A_733 = arith.constant 2 : i32
      %dma_wait3A_734 = arith.constant 0 : i32
      %dma_wait3A_735 = arith.constant 0 : i32
      %dma_wait3A_736 = tpu.memref_slice %arg7[%dma_wait3A_732, %dma_wait3A_734, %dma_wait3A_735] : memref<4x200x32xf32, #tpu.memory_space<vmem>> -> memref<1x200x32xf32, #tpu.memory_space<vmem>>
      %dma_wait3A_737 = tpu.memref_squeeze %dma_wait3A_736 : memref<1x200x32xf32, #tpu.memory_space<vmem>> -> memref<200x32xf32, #tpu.memory_space<vmem>>
      %dma_wait3A_738 = tpu.memref_slice %arg6[%mul3A_731] : memref<25600xi32, #tpu.memory_space<vmem>> -> memref<200xi32, #tpu.memory_space<vmem>>
      %dma_wait3A_739 = arith.constant 0 : i32
      %dma_wait3A_740 = arith.constant 0 : i32
      %dma_wait3A_741 = tpu.memref_slice %arg3[%dma_wait3A_739, %dma_wait3A_740] : memref<4000000x32xf32, #tpu.memory_space<hbm>> -> memref<4000000x32xf32, #tpu.memory_space<hbm>>
      %dma_wait3A_742 = tpu.memref_slice %arg8[%dma_wait3A_733] : memref<4x!tpu.dma_semaphore, #tpu.memory_space<semaphore_mem>> -> memref<1x!tpu.dma_semaphore, #tpu.memory_space<semaphore_mem>>
      %dma_wait3A_743 = tpu.memref_squeeze %dma_wait3A_742 : memref<1x!tpu.dma_semaphore, #tpu.memory_space<semaphore_mem>> -> memref<!tpu.dma_semaphore, #tpu.memory_space<semaphore_mem>>
      tpu.wait_indirect_dma semaphore(%dma_wait3A_743 : memref<!tpu.dma_semaphore, #tpu.memory_space<semaphore_mem>>) src(%dma_wait3A_741 : memref<4000000x32xf32, #tpu.memory_space<hbm>>) dst(%dma_wait3A_737 : memref<200x32xf32, #tpu.memory_space<vmem>>)
      %add3A_744 = arith.addi %mul3A_4, %add3A_729 : i32
      %dma_start3A_745 = arith.constant 2 : i32
      %dma_start3A_746 = arith.constant 2 : i32
      %dma_start3A_747 = arith.constant 0 : i32
      %dma_start3A_748 = arith.constant 0 : i32
      %dma_start3A_749 = tpu.memref_slice %arg7[%dma_start3A_745, %dma_start3A_747, %dma_start3A_748] : memref<4x200x32xf32, #tpu.memory_space<vmem>> -> memref<1x200x32xf32, #tpu.memory_space<vmem>>
      %dma_start3A_750 = tpu.memref_squeeze %dma_start3A_749 : memref<1x200x32xf32, #tpu.memory_space<vmem>> -> memref<200x32xf32, #tpu.memory_space<vmem>>
      %dma_start3A_751 = arith.constant 0 : i32
      %dma_start3A_752 = arith.constant 0 : i32
      %dma_start3A_753 = tpu.memref_slice %arg4[%add3A_744, %dma_start3A_751, %dma_start3A_752] : memref<4096x200x128xf32, #tpu.memory_space<hbm>> -> memref<1x200x32xf32, #tpu.memory_space<hbm>>
      %dma_start3A_754 = tpu.memref_squeeze %dma_start3A_753 : memref<1x200x32xf32, #tpu.memory_space<hbm>> -> memref<200x32xf32, #tpu.memory_space<hbm>>
      %dma_start3A_755 = tpu.memref_slice %arg9[%dma_start3A_746] : memref<4x!tpu.dma_semaphore, #tpu.memory_space<semaphore_mem>> -> memref<1x!tpu.dma_semaphore, #tpu.memory_space<semaphore_mem>>
      %dma_start3A_756 = tpu.memref_squeeze %dma_start3A_755 : memref<1x!tpu.dma_semaphore, #tpu.memory_space<semaphore_mem>> -> memref<!tpu.dma_semaphore, #tpu.memory_space<semaphore_mem>>
      %dma_start3A_757 = arith.constant 0 : i32
      %dma_start3A_758 = arith.constant 0 : i32
      %dma_start3A_759 = tpu.memref_slice %arg4[%add3A_744, %dma_start3A_757, %dma_start3A_758] : memref<4096x200x128xf32, #tpu.memory_space<hbm>> -> memref<1x200x32xf32, #tpu.memory_space<hbm>>
      %dma_start3A_760 = tpu.memref_squeeze %dma_start3A_759 : memref<1x200x32xf32, #tpu.memory_space<hbm>> -> memref<200x32xf32, #tpu.memory_space<hbm>>
      %dma_start3A_761 = arith.constant 0 : i32
      %dma_start3A_762 = arith.constant 0 : i32
      %dma_start3A_763 = tpu.memref_slice %arg7[%dma_start3A_745, %dma_start3A_761, %dma_start3A_762] : memref<4x200x32xf32, #tpu.memory_space<vmem>> -> memref<1x200x32xf32, #tpu.memory_space<vmem>>
      %dma_start3A_764 = tpu.memref_squeeze %dma_start3A_763 : memref<1x200x32xf32, #tpu.memory_space<vmem>> -> memref<200x32xf32, #tpu.memory_space<vmem>>
      tpu.enqueue_dma source(%dma_start3A_764 : memref<200x32xf32, #tpu.memory_space<vmem>>) target(%dma_start3A_760 : memref<200x32xf32, #tpu.memory_space<hbm>>) target_semaphore(%dma_start3A_756 : memref<!tpu.dma_semaphore, #tpu.memory_space<semaphore_mem>>)
      %sub3A_765 = arith.constant 2 : i32
      %sub3A_766 = arith.subi %add3A_729, %sub3A_765 : i32
      %add3A_767 = arith.addi %mul3A_4, %sub3A_766 : i32
      %dma_wait3A_768 = arith.constant 0 : i32
      %dma_wait3A_769 = arith.constant 0 : i32
      %dma_wait3A_770 = arith.constant 0 : i32
      %dma_wait3A_771 = arith.constant 0 : i32
      %dma_wait3A_772 = tpu.memref_slice %arg7[%dma_wait3A_768, %dma_wait3A_770, %dma_wait3A_771] : memref<4x200x32xf32, #tpu.memory_space<vmem>> -> memref<1x200x32xf32, #tpu.memory_space<vmem>>
      %dma_wait3A_773 = tpu.memref_squeeze %dma_wait3A_772 : memref<1x200x32xf32, #tpu.memory_space<vmem>> -> memref<200x32xf32, #tpu.memory_space<vmem>>
      %dma_wait3A_774 = arith.constant 0 : i32
      %dma_wait3A_775 = arith.constant 0 : i32
      %dma_wait3A_776 = tpu.memref_slice %arg4[%add3A_767, %dma_wait3A_774, %dma_wait3A_775] : memref<4096x200x128xf32, #tpu.memory_space<hbm>> -> memref<1x200x32xf32, #tpu.memory_space<hbm>>
      %dma_wait3A_777 = tpu.memref_squeeze %dma_wait3A_776 : memref<1x200x32xf32, #tpu.memory_space<hbm>> -> memref<200x32xf32, #tpu.memory_space<hbm>>
      %dma_wait3A_778 = tpu.memref_slice %arg9[%dma_wait3A_769] : memref<4x!tpu.dma_semaphore, #tpu.memory_space<semaphore_mem>> -> memref<1x!tpu.dma_semaphore, #tpu.memory_space<semaphore_mem>>
      %dma_wait3A_779 = tpu.memref_squeeze %dma_wait3A_778 : memref<1x!tpu.dma_semaphore, #tpu.memory_space<semaphore_mem>> -> memref<!tpu.dma_semaphore, #tpu.memory_space<semaphore_mem>>
      %dma_wait3A_780 = arith.constant 0 : i32
      %dma_wait3A_781 = arith.constant 0 : i32
      %dma_wait3A_782 = tpu.memref_slice %arg4[%add3A_767, %dma_wait3A_780, %dma_wait3A_781] : memref<4096x200x128xf32, #tpu.memory_space<hbm>> -> memref<1x200x32xf32, #tpu.memory_space<hbm>>
      %dma_wait3A_783 = tpu.memref_squeeze %dma_wait3A_782 : memref<1x200x32xf32, #tpu.memory_space<hbm>> -> memref<200x32xf32, #tpu.memory_space<hbm>>
      %dma_wait3A_784 = arith.constant 0 : i32
      %dma_wait3A_785 = arith.constant 0 : i32
      %dma_wait3A_786 = tpu.memref_slice %arg7[%dma_wait3A_768, %dma_wait3A_784, %dma_wait3A_785] : memref<4x200x32xf32, #tpu.memory_space<vmem>> -> memref<1x200x32xf32, #tpu.memory_space<vmem>>
      %dma_wait3A_787 = tpu.memref_squeeze %dma_wait3A_786 : memref<1x200x32xf32, #tpu.memory_space<vmem>> -> memref<200x32xf32, #tpu.memory_space<vmem>>
      tpu.wait_dma2 semaphore(%dma_wait3A_779 : memref<!tpu.dma_semaphore, #tpu.memory_space<semaphore_mem>>) src(%dma_wait3A_787 : memref<200x32xf32, #tpu.memory_space<vmem>>) dst(%dma_wait3A_783 : memref<200x32xf32, #tpu.memory_space<hbm>>)
      %add3A_788 = arith.constant 2 : i32
      %add3A_789 = arith.addi %add3A_729, %add3A_788 : i32
      %mul3A_790 = arith.constant 200 : i32
      %mul3A_791 = arith.muli %add3A_789, %mul3A_790 : i32
      %dma_start3A_792 = arith.constant 0 : i32
      %dma_start3A_793 = arith.constant 0 : i32
      %dma_start3A_794 = arith.constant 0 : i32
      %dma_start3A_795 = arith.constant 0 : i32
      %dma_start3A_796 = tpu.memref_slice %arg7[%dma_start3A_792, %dma_start3A_794, %dma_start3A_795] : memref<4x200x32xf32, #tpu.memory_space<vmem>> -> memref<1x200x32xf32, #tpu.memory_space<vmem>>
      %dma_start3A_797 = tpu.memref_squeeze %dma_start3A_796 : memref<1x200x32xf32, #tpu.memory_space<vmem>> -> memref<200x32xf32, #tpu.memory_space<vmem>>
      %dma_start3A_798 = tpu.memref_slice %arg6[%mul3A_791] : memref<25600xi32, #tpu.memory_space<vmem>> -> memref<200xi32, #tpu.memory_space<vmem>>
      %dma_start3A_799 = arith.constant 0 : i32
      %dma_start3A_800 = arith.constant 0 : i32
      %dma_start3A_801 = tpu.memref_slice %arg3[%dma_start3A_799, %dma_start3A_800] : memref<4000000x32xf32, #tpu.memory_space<hbm>> -> memref<4000000x32xf32, #tpu.memory_space<hbm>>
      %dma_start3A_802 = tpu.memref_slice %arg8[%dma_start3A_793] : memref<4x!tpu.dma_semaphore, #tpu.memory_space<semaphore_mem>> -> memref<1x!tpu.dma_semaphore, #tpu.memory_space<semaphore_mem>>
      %dma_start3A_803 = tpu.memref_squeeze %dma_start3A_802 : memref<1x!tpu.dma_semaphore, #tpu.memory_space<semaphore_mem>> -> memref<!tpu.dma_semaphore, #tpu.memory_space<semaphore_mem>>
      tpu.enqueue_indirect_dma source(%dma_start3A_801 : memref<4000000x32xf32, #tpu.memory_space<hbm>>) target(%dma_start3A_797 : memref<200x32xf32, #tpu.memory_space<vmem>>) offsets(%dma_start3A_798 : memref<200xi32, #tpu.memory_space<vmem>>) semaphore(%dma_start3A_803 : memref<!tpu.dma_semaphore, #tpu.memory_space<semaphore_mem>>)
      %add3A_804 = arith.constant 3 : i32
      %add3A_805 = arith.addi %mul3A_576, %add3A_804 : i32
      %mul3A_806 = arith.constant 200 : i32
      %mul3A_807 = arith.muli %add3A_805, %mul3A_806 : i32
      %dma_wait3A_808 = arith.constant 3 : i32
      %dma_wait3A_809 = arith.constant 3 : i32
      %dma_wait3A_810 = arith.constant 0 : i32
      %dma_wait3A_811 = arith.constant 0 : i32
      %dma_wait3A_812 = tpu.memref_slice %arg7[%dma_wait3A_808, %dma_wait3A_810, %dma_wait3A_811] : memref<4x200x32xf32, #tpu.memory_space<vmem>> -> memref<1x200x32xf32, #tpu.memory_space<vmem>>
      %dma_wait3A_813 = tpu.memref_squeeze %dma_wait3A_812 : memref<1x200x32xf32, #tpu.memory_space<vmem>> -> memref<200x32xf32, #tpu.memory_space<vmem>>
      %dma_wait3A_814 = tpu.memref_slice %arg6[%mul3A_807] : memref<25600xi32, #tpu.memory_space<vmem>> -> memref<200xi32, #tpu.memory_space<vmem>>
      %dma_wait3A_815 = arith.constant 0 : i32
      %dma_wait3A_816 = arith.constant 0 : i32
      %dma_wait3A_817 = tpu.memref_slice %arg3[%dma_wait3A_815, %dma_wait3A_816] : memref<4000000x32xf32, #tpu.memory_space<hbm>> -> memref<4000000x32xf32, #tpu.memory_space<hbm>>
      %dma_wait3A_818 = tpu.memref_slice %arg8[%dma_wait3A_809] : memref<4x!tpu.dma_semaphore, #tpu.memory_space<semaphore_mem>> -> memref<1x!tpu.dma_semaphore, #tpu.memory_space<semaphore_mem>>
      %dma_wait3A_819 = tpu.memref_squeeze %dma_wait3A_818 : memref<1x!tpu.dma_semaphore, #tpu.memory_space<semaphore_mem>> -> memref<!tpu.dma_semaphore, #tpu.memory_space<semaphore_mem>>
      tpu.wait_indirect_dma semaphore(%dma_wait3A_819 : memref<!tpu.dma_semaphore, #tpu.memory_space<semaphore_mem>>) src(%dma_wait3A_817 : memref<4000000x32xf32, #tpu.memory_space<hbm>>) dst(%dma_wait3A_813 : memref<200x32xf32, #tpu.memory_space<vmem>>)
      %add3A_820 = arith.addi %mul3A_4, %add3A_805 : i32
      %dma_start3A_821 = arith.constant 3 : i32
      %dma_start3A_822 = arith.constant 3 : i32
      %dma_start3A_823 = arith.constant 0 : i32
      %dma_start3A_824 = arith.constant 0 : i32
      %dma_start3A_825 = tpu.memref_slice %arg7[%dma_start3A_821, %dma_start3A_823, %dma_start3A_824] : memref<4x200x32xf32, #tpu.memory_space<vmem>> -> memref<1x200x32xf32, #tpu.memory_space<vmem>>
      %dma_start3A_826 = tpu.memref_squeeze %dma_start3A_825 : memref<1x200x32xf32, #tpu.memory_space<vmem>> -> memref<200x32xf32, #tpu.memory_space<vmem>>
      %dma_start3A_827 = arith.constant 0 : i32
      %dma_start3A_828 = arith.constant 0 : i32
      %dma_start3A_829 = tpu.memref_slice %arg4[%add3A_820, %dma_start3A_827, %dma_start3A_828] : memref<4096x200x128xf32, #tpu.memory_space<hbm>> -> memref<1x200x32xf32, #tpu.memory_space<hbm>>
      %dma_start3A_830 = tpu.memref_squeeze %dma_start3A_829 : memref<1x200x32xf32, #tpu.memory_space<hbm>> -> memref<200x32xf32, #tpu.memory_space<hbm>>
      %dma_start3A_831 = tpu.memref_slice %arg9[%dma_start3A_822] : memref<4x!tpu.dma_semaphore, #tpu.memory_space<semaphore_mem>> -> memref<1x!tpu.dma_semaphore, #tpu.memory_space<semaphore_mem>>
      %dma_start3A_832 = tpu.memref_squeeze %dma_start3A_831 : memref<1x!tpu.dma_semaphore, #tpu.memory_space<semaphore_mem>> -> memref<!tpu.dma_semaphore, #tpu.memory_space<semaphore_mem>>
      %dma_start3A_833 = arith.constant 0 : i32
      %dma_start3A_834 = arith.constant 0 : i32
      %dma_start3A_835 = tpu.memref_slice %arg4[%add3A_820, %dma_start3A_833, %dma_start3A_834] : memref<4096x200x128xf32, #tpu.memory_space<hbm>> -> memref<1x200x32xf32, #tpu.memory_space<hbm>>
      %dma_start3A_836 = tpu.memref_squeeze %dma_start3A_835 : memref<1x200x32xf32, #tpu.memory_space<hbm>> -> memref<200x32xf32, #tpu.memory_space<hbm>>
      %dma_start3A_837 = arith.constant 0 : i32
      %dma_start3A_838 = arith.constant 0 : i32
      %dma_start3A_839 = tpu.memref_slice %arg7[%dma_start3A_821, %dma_start3A_837, %dma_start3A_838] : memref<4x200x32xf32, #tpu.memory_space<vmem>> -> memref<1x200x32xf32, #tpu.memory_space<vmem>>
      %dma_start3A_840 = tpu.memref_squeeze %dma_start3A_839 : memref<1x200x32xf32, #tpu.memory_space<vmem>> -> memref<200x32xf32, #tpu.memory_space<vmem>>
      tpu.enqueue_dma source(%dma_start3A_840 : memref<200x32xf32, #tpu.memory_space<vmem>>) target(%dma_start3A_836 : memref<200x32xf32, #tpu.memory_space<hbm>>) target_semaphore(%dma_start3A_832 : memref<!tpu.dma_semaphore, #tpu.memory_space<semaphore_mem>>)
      %sub3A_841 = arith.constant 2 : i32
      %sub3A_842 = arith.subi %add3A_805, %sub3A_841 : i32
      %add3A_843 = arith.addi %mul3A_4, %sub3A_842 : i32
      %dma_wait3A_844 = arith.constant 1 : i32
      %dma_wait3A_845 = arith.constant 1 : i32
      %dma_wait3A_846 = arith.constant 0 : i32
      %dma_wait3A_847 = arith.constant 0 : i32
      %dma_wait3A_848 = tpu.memref_slice %arg7[%dma_wait3A_844, %dma_wait3A_846, %dma_wait3A_847] : memref<4x200x32xf32, #tpu.memory_space<vmem>> -> memref<1x200x32xf32, #tpu.memory_space<vmem>>
      %dma_wait3A_849 = tpu.memref_squeeze %dma_wait3A_848 : memref<1x200x32xf32, #tpu.memory_space<vmem>> -> memref<200x32xf32, #tpu.memory_space<vmem>>
      %dma_wait3A_850 = arith.constant 0 : i32
      %dma_wait3A_851 = arith.constant 0 : i32
      %dma_wait3A_852 = tpu.memref_slice %arg4[%add3A_843, %dma_wait3A_850, %dma_wait3A_851] : memref<4096x200x128xf32, #tpu.memory_space<hbm>> -> memref<1x200x32xf32, #tpu.memory_space<hbm>>
      %dma_wait3A_853 = tpu.memref_squeeze %dma_wait3A_852 : memref<1x200x32xf32, #tpu.memory_space<hbm>> -> memref<200x32xf32, #tpu.memory_space<hbm>>
      %dma_wait3A_854 = tpu.memref_slice %arg9[%dma_wait3A_845] : memref<4x!tpu.dma_semaphore, #tpu.memory_space<semaphore_mem>> -> memref<1x!tpu.dma_semaphore, #tpu.memory_space<semaphore_mem>>
      %dma_wait3A_855 = tpu.memref_squeeze %dma_wait3A_854 : memref<1x!tpu.dma_semaphore, #tpu.memory_space<semaphore_mem>> -> memref<!tpu.dma_semaphore, #tpu.memory_space<semaphore_mem>>
      %dma_wait3A_856 = arith.constant 0 : i32
      %dma_wait3A_857 = arith.constant 0 : i32
      %dma_wait3A_858 = tpu.memref_slice %arg4[%add3A_843, %dma_wait3A_856, %dma_wait3A_857] : memref<4096x200x128xf32, #tpu.memory_space<hbm>> -> memref<1x200x32xf32, #tpu.memory_space<hbm>>
      %dma_wait3A_859 = tpu.memref_squeeze %dma_wait3A_858 : memref<1x200x32xf32, #tpu.memory_space<hbm>> -> memref<200x32xf32, #tpu.memory_space<hbm>>
      %dma_wait3A_860 = arith.constant 0 : i32
      %dma_wait3A_861 = arith.constant 0 : i32
      %dma_wait3A_862 = tpu.memref_slice %arg7[%dma_wait3A_844, %dma_wait3A_860, %dma_wait3A_861] : memref<4x200x32xf32, #tpu.memory_space<vmem>> -> memref<1x200x32xf32, #tpu.memory_space<vmem>>
      %dma_wait3A_863 = tpu.memref_squeeze %dma_wait3A_862 : memref<1x200x32xf32, #tpu.memory_space<vmem>> -> memref<200x32xf32, #tpu.memory_space<vmem>>
      tpu.wait_dma2 semaphore(%dma_wait3A_855 : memref<!tpu.dma_semaphore, #tpu.memory_space<semaphore_mem>>) src(%dma_wait3A_863 : memref<200x32xf32, #tpu.memory_space<vmem>>) dst(%dma_wait3A_859 : memref<200x32xf32, #tpu.memory_space<hbm>>)
      %add3A_864 = arith.constant 2 : i32
      %add3A_865 = arith.addi %add3A_805, %add3A_864 : i32
      %mul3A_866 = arith.constant 200 : i32
      %mul3A_867 = arith.muli %add3A_865, %mul3A_866 : i32
      %dma_start3A_868 = arith.constant 1 : i32
      %dma_start3A_869 = arith.constant 1 : i32
      %dma_start3A_870 = arith.constant 0 : i32
      %dma_start3A_871 = arith.constant 0 : i32
      %dma_start3A_872 = tpu.memref_slice %arg7[%dma_start3A_868, %dma_start3A_870, %dma_start3A_871] : memref<4x200x32xf32, #tpu.memory_space<vmem>> -> memref<1x200x32xf32, #tpu.memory_space<vmem>>
      %dma_start3A_873 = tpu.memref_squeeze %dma_start3A_872 : memref<1x200x32xf32, #tpu.memory_space<vmem>> -> memref<200x32xf32, #tpu.memory_space<vmem>>
      %dma_start3A_874 = tpu.memref_slice %arg6[%mul3A_867] : memref<25600xi32, #tpu.memory_space<vmem>> -> memref<200xi32, #tpu.memory_space<vmem>>
      %dma_start3A_875 = arith.constant 0 : i32
      %dma_start3A_876 = arith.constant 0 : i32
      %dma_start3A_877 = tpu.memref_slice %arg3[%dma_start3A_875, %dma_start3A_876] : memref<4000000x32xf32, #tpu.memory_space<hbm>> -> memref<4000000x32xf32, #tpu.memory_space<hbm>>
      %dma_start3A_878 = tpu.memref_slice %arg8[%dma_start3A_869] : memref<4x!tpu.dma_semaphore, #tpu.memory_space<semaphore_mem>> -> memref<1x!tpu.dma_semaphore, #tpu.memory_space<semaphore_mem>>
      %dma_start3A_879 = tpu.memref_squeeze %dma_start3A_878 : memref<1x!tpu.dma_semaphore, #tpu.memory_space<semaphore_mem>> -> memref<!tpu.dma_semaphore, #tpu.memory_space<semaphore_mem>>
      tpu.enqueue_indirect_dma source(%dma_start3A_877 : memref<4000000x32xf32, #tpu.memory_space<hbm>>) target(%dma_start3A_873 : memref<200x32xf32, #tpu.memory_space<vmem>>) offsets(%dma_start3A_874 : memref<200xi32, #tpu.memory_space<vmem>>) semaphore(%dma_start3A_879 : memref<!tpu.dma_semaphore, #tpu.memory_space<semaphore_mem>>)
    }
    %scan3A_275 = arith.constant 30 : i32
    %dma_wait3A_276 = arith.constant 0 : i32
    %dma_wait3A_277 = arith.constant 0 : i32
    %dma_wait3A_278 = arith.constant 0 : i32
    %dma_wait3A_279 = arith.constant 0 : i32
    %dma_wait3A_280 = tpu.memref_slice %arg7[%dma_wait3A_276, %dma_wait3A_278, %dma_wait3A_279] : memref<4x200x32xf32, #tpu.memory_space<vmem>> -> memref<1x200x32xf32, #tpu.memory_space<vmem>>
    %dma_wait3A_281 = tpu.memref_squeeze %dma_wait3A_280 : memref<1x200x32xf32, #tpu.memory_space<vmem>> -> memref<200x32xf32, #tpu.memory_space<vmem>>
    %dma_wait3A_282 = arith.constant 24800 : i32
    %dma_wait3A_283 = tpu.memref_slice %arg6[%dma_wait3A_282] : memref<25600xi32, #tpu.memory_space<vmem>> -> memref<200xi32, #tpu.memory_space<vmem>>
    %dma_wait3A_284 = arith.constant 0 : i32
    %dma_wait3A_285 = arith.constant 0 : i32
    %dma_wait3A_286 = tpu.memref_slice %arg3[%dma_wait3A_284, %dma_wait3A_285] : memref<4000000x32xf32, #tpu.memory_space<hbm>> -> memref<4000000x32xf32, #tpu.memory_space<hbm>>
    %dma_wait3A_287 = tpu.memref_slice %arg8[%dma_wait3A_277] : memref<4x!tpu.dma_semaphore, #tpu.memory_space<semaphore_mem>> -> memref<1x!tpu.dma_semaphore, #tpu.memory_space<semaphore_mem>>
    %dma_wait3A_288 = tpu.memref_squeeze %dma_wait3A_287 : memref<1x!tpu.dma_semaphore, #tpu.memory_space<semaphore_mem>> -> memref<!tpu.dma_semaphore, #tpu.memory_space<semaphore_mem>>
    tpu.wait_indirect_dma semaphore(%dma_wait3A_288 : memref<!tpu.dma_semaphore, #tpu.memory_space<semaphore_mem>>) src(%dma_wait3A_286 : memref<4000000x32xf32, #tpu.memory_space<hbm>>) dst(%dma_wait3A_281 : memref<200x32xf32, #tpu.memory_space<vmem>>)
    %add3A_289 = arith.constant 124 : i32
    %add3A_290 = arith.addi %mul3A_4, %add3A_289 : i32
    %dma_start3A_291 = arith.constant 0 : i32
    %dma_start3A_292 = arith.constant 0 : i32
    %dma_start3A_293 = arith.constant 0 : i32
    %dma_start3A_294 = arith.constant 0 : i32
    %dma_start3A_295 = tpu.memref_slice %arg7[%dma_start3A_291, %dma_start3A_293, %dma_start3A_294] : memref<4x200x32xf32, #tpu.memory_space<vmem>> -> memref<1x200x32xf32, #tpu.memory_space<vmem>>
    %dma_start3A_296 = tpu.memref_squeeze %dma_start3A_295 : memref<1x200x32xf32, #tpu.memory_space<vmem>> -> memref<200x32xf32, #tpu.memory_space<vmem>>
    %dma_start3A_297 = arith.constant 0 : i32
    %dma_start3A_298 = arith.constant 0 : i32
    %dma_start3A_299 = tpu.memref_slice %arg4[%add3A_290, %dma_start3A_297, %dma_start3A_298] : memref<4096x200x128xf32, #tpu.memory_space<hbm>> -> memref<1x200x32xf32, #tpu.memory_space<hbm>>
    %dma_start3A_300 = tpu.memref_squeeze %dma_start3A_299 : memref<1x200x32xf32, #tpu.memory_space<hbm>> -> memref<200x32xf32, #tpu.memory_space<hbm>>
    %dma_start3A_301 = tpu.memref_slice %arg9[%dma_start3A_292] : memref<4x!tpu.dma_semaphore, #tpu.memory_space<semaphore_mem>> -> memref<1x!tpu.dma_semaphore, #tpu.memory_space<semaphore_mem>>
    %dma_start3A_302 = tpu.memref_squeeze %dma_start3A_301 : memref<1x!tpu.dma_semaphore, #tpu.memory_space<semaphore_mem>> -> memref<!tpu.dma_semaphore, #tpu.memory_space<semaphore_mem>>
    %dma_start3A_303 = arith.constant 0 : i32
    %dma_start3A_304 = arith.constant 0 : i32
    %dma_start3A_305 = tpu.memref_slice %arg4[%add3A_290, %dma_start3A_303, %dma_start3A_304] : memref<4096x200x128xf32, #tpu.memory_space<hbm>> -> memref<1x200x32xf32, #tpu.memory_space<hbm>>
    %dma_start3A_306 = tpu.memref_squeeze %dma_start3A_305 : memref<1x200x32xf32, #tpu.memory_space<hbm>> -> memref<200x32xf32, #tpu.memory_space<hbm>>
    %dma_start3A_307 = arith.constant 0 : i32
    %dma_start3A_308 = arith.constant 0 : i32
    %dma_start3A_309 = tpu.memref_slice %arg7[%dma_start3A_291, %dma_start3A_307, %dma_start3A_308] : memref<4x200x32xf32, #tpu.memory_space<vmem>> -> memref<1x200x32xf32, #tpu.memory_space<vmem>>
    %dma_start3A_310 = tpu.memref_squeeze %dma_start3A_309 : memref<1x200x32xf32, #tpu.memory_space<vmem>> -> memref<200x32xf32, #tpu.memory_space<vmem>>
    tpu.enqueue_dma source(%dma_start3A_310 : memref<200x32xf32, #tpu.memory_space<vmem>>) target(%dma_start3A_306 : memref<200x32xf32, #tpu.memory_space<hbm>>) target_semaphore(%dma_start3A_302 : memref<!tpu.dma_semaphore, #tpu.memory_space<semaphore_mem>>)
    %add3A_311 = arith.constant 122 : i32
    %add3A_312 = arith.addi %mul3A_4, %add3A_311 : i32
    %dma_wait3A_313 = arith.constant 2 : i32
    %dma_wait3A_314 = arith.constant 2 : i32
    %dma_wait3A_315 = arith.constant 0 : i32
    %dma_wait3A_316 = arith.constant 0 : i32
    %dma_wait3A_317 = tpu.memref_slice %arg7[%dma_wait3A_313, %dma_wait3A_315, %dma_wait3A_316] : memref<4x200x32xf32, #tpu.memory_space<vmem>> -> memref<1x200x32xf32, #tpu.memory_space<vmem>>
    %dma_wait3A_318 = tpu.memref_squeeze %dma_wait3A_317 : memref<1x200x32xf32, #tpu.memory_space<vmem>> -> memref<200x32xf32, #tpu.memory_space<vmem>>
    %dma_wait3A_319 = arith.constant 0 : i32
    %dma_wait3A_320 = arith.constant 0 : i32
    %dma_wait3A_321 = tpu.memref_slice %arg4[%add3A_312, %dma_wait3A_319, %dma_wait3A_320] : memref<4096x200x128xf32, #tpu.memory_space<hbm>> -> memref<1x200x32xf32, #tpu.memory_space<hbm>>
    %dma_wait3A_322 = tpu.memref_squeeze %dma_wait3A_321 : memref<1x200x32xf32, #tpu.memory_space<hbm>> -> memref<200x32xf32, #tpu.memory_space<hbm>>
    %dma_wait3A_323 = tpu.memref_slice %arg9[%dma_wait3A_314] : memref<4x!tpu.dma_semaphore, #tpu.memory_space<semaphore_mem>> -> memref<1x!tpu.dma_semaphore, #tpu.memory_space<semaphore_mem>>
    %dma_wait3A_324 = tpu.memref_squeeze %dma_wait3A_323 : memref<1x!tpu.dma_semaphore, #tpu.memory_space<semaphore_mem>> -> memref<!tpu.dma_semaphore, #tpu.memory_space<semaphore_mem>>
    %dma_wait3A_325 = arith.constant 0 : i32
    %dma_wait3A_326 = arith.constant 0 : i32
    %dma_wait3A_327 = tpu.memref_slice %arg4[%add3A_312, %dma_wait3A_325, %dma_wait3A_326] : memref<4096x200x128xf32, #tpu.memory_space<hbm>> -> memref<1x200x32xf32, #tpu.memory_space<hbm>>
    %dma_wait3A_328 = tpu.memref_squeeze %dma_wait3A_327 : memref<1x200x32xf32, #tpu.memory_space<hbm>> -> memref<200x32xf32, #tpu.memory_space<hbm>>
    %dma_wait3A_329 = arith.constant 0 : i32
    %dma_wait3A_330 = arith.constant 0 : i32
    %dma_wait3A_331 = tpu.memref_slice %arg7[%dma_wait3A_313, %dma_wait3A_329, %dma_wait3A_330] : memref<4x200x32xf32, #tpu.memory_space<vmem>> -> memref<1x200x32xf32, #tpu.memory_space<vmem>>
    %dma_wait3A_332 = tpu.memref_squeeze %dma_wait3A_331 : memref<1x200x32xf32, #tpu.memory_space<vmem>> -> memref<200x32xf32, #tpu.memory_space<vmem>>
    tpu.wait_dma2 semaphore(%dma_wait3A_324 : memref<!tpu.dma_semaphore, #tpu.memory_space<semaphore_mem>>) src(%dma_wait3A_332 : memref<200x32xf32, #tpu.memory_space<vmem>>) dst(%dma_wait3A_328 : memref<200x32xf32, #tpu.memory_space<hbm>>)
    %dma_start3A_333 = arith.constant 2 : i32
    %dma_start3A_334 = arith.constant 2 : i32
    %dma_start3A_335 = arith.constant 0 : i32
    %dma_start3A_336 = arith.constant 0 : i32
    %dma_start3A_337 = tpu.memref_slice %arg7[%dma_start3A_333, %dma_start3A_335, %dma_start3A_336] : memref<4x200x32xf32, #tpu.memory_space<vmem>> -> memref<1x200x32xf32, #tpu.memory_space<vmem>>
    %dma_start3A_338 = tpu.memref_squeeze %dma_start3A_337 : memref<1x200x32xf32, #tpu.memory_space<vmem>> -> memref<200x32xf32, #tpu.memory_space<vmem>>
    %dma_start3A_339 = arith.constant 25200 : i32
    %dma_start3A_340 = tpu.memref_slice %arg6[%dma_start3A_339] : memref<25600xi32, #tpu.memory_space<vmem>> -> memref<200xi32, #tpu.memory_space<vmem>>
    %dma_start3A_341 = arith.constant 0 : i32
    %dma_start3A_342 = arith.constant 0 : i32
    %dma_start3A_343 = tpu.memref_slice %arg3[%dma_start3A_341, %dma_start3A_342] : memref<4000000x32xf32, #tpu.memory_space<hbm>> -> memref<4000000x32xf32, #tpu.memory_space<hbm>>
    %dma_start3A_344 = tpu.memref_slice %arg8[%dma_start3A_334] : memref<4x!tpu.dma_semaphore, #tpu.memory_space<semaphore_mem>> -> memref<1x!tpu.dma_semaphore, #tpu.memory_space<semaphore_mem>>
    %dma_start3A_345 = tpu.memref_squeeze %dma_start3A_344 : memref<1x!tpu.dma_semaphore, #tpu.memory_space<semaphore_mem>> -> memref<!tpu.dma_semaphore, #tpu.memory_space<semaphore_mem>>
    tpu.enqueue_indirect_dma source(%dma_start3A_343 : memref<4000000x32xf32, #tpu.memory_space<hbm>>) target(%dma_start3A_338 : memref<200x32xf32, #tpu.memory_space<vmem>>) offsets(%dma_start3A_340 : memref<200xi32, #tpu.memory_space<vmem>>) semaphore(%dma_start3A_345 : memref<!tpu.dma_semaphore, #tpu.memory_space<semaphore_mem>>)
    %dma_wait3A_346 = arith.constant 1 : i32
    %dma_wait3A_347 = arith.constant 1 : i32
    %dma_wait3A_348 = arith.constant 0 : i32
    %dma_wait3A_349 = arith.constant 0 : i32
    %dma_wait3A_350 = tpu.memref_slice %arg7[%dma_wait3A_346, %dma_wait3A_348, %dma_wait3A_349] : memref<4x200x32xf32, #tpu.memory_space<vmem>> -> memref<1x200x32xf32, #tpu.memory_space<vmem>>
    %dma_wait3A_351 = tpu.memref_squeeze %dma_wait3A_350 : memref<1x200x32xf32, #tpu.memory_space<vmem>> -> memref<200x32xf32, #tpu.memory_space<vmem>>
    %dma_wait3A_352 = arith.constant 25000 : i32
    %dma_wait3A_353 = tpu.memref_slice %arg6[%dma_wait3A_352] : memref<25600xi32, #tpu.memory_space<vmem>> -> memref<200xi32, #tpu.memory_space<vmem>>
    %dma_wait3A_354 = arith.constant 0 : i32
    %dma_wait3A_355 = arith.constant 0 : i32
    %dma_wait3A_356 = tpu.memref_slice %arg3[%dma_wait3A_354, %dma_wait3A_355] : memref<4000000x32xf32, #tpu.memory_space<hbm>> -> memref<4000000x32xf32, #tpu.memory_space<hbm>>
    %dma_wait3A_357 = tpu.memref_slice %arg8[%dma_wait3A_347] : memref<4x!tpu.dma_semaphore, #tpu.memory_space<semaphore_mem>> -> memref<1x!tpu.dma_semaphore, #tpu.memory_space<semaphore_mem>>
    %dma_wait3A_358 = tpu.memref_squeeze %dma_wait3A_357 : memref<1x!tpu.dma_semaphore, #tpu.memory_space<semaphore_mem>> -> memref<!tpu.dma_semaphore, #tpu.memory_space<semaphore_mem>>
    tpu.wait_indirect_dma semaphore(%dma_wait3A_358 : memref<!tpu.dma_semaphore, #tpu.memory_space<semaphore_mem>>) src(%dma_wait3A_356 : memref<4000000x32xf32, #tpu.memory_space<hbm>>) dst(%dma_wait3A_351 : memref<200x32xf32, #tpu.memory_space<vmem>>)
    %add3A_359 = arith.constant 125 : i32
    %add3A_360 = arith.addi %mul3A_4, %add3A_359 : i32
    %dma_start3A_361 = arith.constant 1 : i32
    %dma_start3A_362 = arith.constant 1 : i32
    %dma_start3A_363 = arith.constant 0 : i32
    %dma_start3A_364 = arith.constant 0 : i32
    %dma_start3A_365 = tpu.memref_slice %arg7[%dma_start3A_361, %dma_start3A_363, %dma_start3A_364] : memref<4x200x32xf32, #tpu.memory_space<vmem>> -> memref<1x200x32xf32, #tpu.memory_space<vmem>>
    %dma_start3A_366 = tpu.memref_squeeze %dma_start3A_365 : memref<1x200x32xf32, #tpu.memory_space<vmem>> -> memref<200x32xf32, #tpu.memory_space<vmem>>
    %dma_start3A_367 = arith.constant 0 : i32
    %dma_start3A_368 = arith.constant 0 : i32
    %dma_start3A_369 = tpu.memref_slice %arg4[%add3A_360, %dma_start3A_367, %dma_start3A_368] : memref<4096x200x128xf32, #tpu.memory_space<hbm>> -> memref<1x200x32xf32, #tpu.memory_space<hbm>>
    %dma_start3A_370 = tpu.memref_squeeze %dma_start3A_369 : memref<1x200x32xf32, #tpu.memory_space<hbm>> -> memref<200x32xf32, #tpu.memory_space<hbm>>
    %dma_start3A_371 = tpu.memref_slice %arg9[%dma_start3A_362] : memref<4x!tpu.dma_semaphore, #tpu.memory_space<semaphore_mem>> -> memref<1x!tpu.dma_semaphore, #tpu.memory_space<semaphore_mem>>
    %dma_start3A_372 = tpu.memref_squeeze %dma_start3A_371 : memref<1x!tpu.dma_semaphore, #tpu.memory_space<semaphore_mem>> -> memref<!tpu.dma_semaphore, #tpu.memory_space<semaphore_mem>>
    %dma_start3A_373 = arith.constant 0 : i32
    %dma_start3A_374 = arith.constant 0 : i32
    %dma_start3A_375 = tpu.memref_slice %arg4[%add3A_360, %dma_start3A_373, %dma_start3A_374] : memref<4096x200x128xf32, #tpu.memory_space<hbm>> -> memref<1x200x32xf32, #tpu.memory_space<hbm>>
    %dma_start3A_376 = tpu.memref_squeeze %dma_start3A_375 : memref<1x200x32xf32, #tpu.memory_space<hbm>> -> memref<200x32xf32, #tpu.memory_space<hbm>>
    %dma_start3A_377 = arith.constant 0 : i32
    %dma_start3A_378 = arith.constant 0 : i32
    %dma_start3A_379 = tpu.memref_slice %arg7[%dma_start3A_361, %dma_start3A_377, %dma_start3A_378] : memref<4x200x32xf32, #tpu.memory_space<vmem>> -> memref<1x200x32xf32, #tpu.memory_space<vmem>>
    %dma_start3A_380 = tpu.memref_squeeze %dma_start3A_379 : memref<1x200x32xf32, #tpu.memory_space<vmem>> -> memref<200x32xf32, #tpu.memory_space<vmem>>
    tpu.enqueue_dma source(%dma_start3A_380 : memref<200x32xf32, #tpu.memory_space<vmem>>) target(%dma_start3A_376 : memref<200x32xf32, #tpu.memory_space<hbm>>) target_semaphore(%dma_start3A_372 : memref<!tpu.dma_semaphore, #tpu.memory_space<semaphore_mem>>)
    %add3A_381 = arith.constant 123 : i32
    %add3A_382 = arith.addi %mul3A_4, %add3A_381 : i32
    %dma_wait3A_383 = arith.constant 3 : i32
    %dma_wait3A_384 = arith.constant 3 : i32
    %dma_wait3A_385 = arith.constant 0 : i32
    %dma_wait3A_386 = arith.constant 0 : i32
    %dma_wait3A_387 = tpu.memref_slice %arg7[%dma_wait3A_383, %dma_wait3A_385, %dma_wait3A_386] : memref<4x200x32xf32, #tpu.memory_space<vmem>> -> memref<1x200x32xf32, #tpu.memory_space<vmem>>
    %dma_wait3A_388 = tpu.memref_squeeze %dma_wait3A_387 : memref<1x200x32xf32, #tpu.memory_space<vmem>> -> memref<200x32xf32, #tpu.memory_space<vmem>>
    %dma_wait3A_389 = arith.constant 0 : i32
    %dma_wait3A_390 = arith.constant 0 : i32
    %dma_wait3A_391 = tpu.memref_slice %arg4[%add3A_382, %dma_wait3A_389, %dma_wait3A_390] : memref<4096x200x128xf32, #tpu.memory_space<hbm>> -> memref<1x200x32xf32, #tpu.memory_space<hbm>>
    %dma_wait3A_392 = tpu.memref_squeeze %dma_wait3A_391 : memref<1x200x32xf32, #tpu.memory_space<hbm>> -> memref<200x32xf32, #tpu.memory_space<hbm>>
    %dma_wait3A_393 = tpu.memref_slice %arg9[%dma_wait3A_384] : memref<4x!tpu.dma_semaphore, #tpu.memory_space<semaphore_mem>> -> memref<1x!tpu.dma_semaphore, #tpu.memory_space<semaphore_mem>>
    %dma_wait3A_394 = tpu.memref_squeeze %dma_wait3A_393 : memref<1x!tpu.dma_semaphore, #tpu.memory_space<semaphore_mem>> -> memref<!tpu.dma_semaphore, #tpu.memory_space<semaphore_mem>>
    %dma_wait3A_395 = arith.constant 0 : i32
    %dma_wait3A_396 = arith.constant 0 : i32
    %dma_wait3A_397 = tpu.memref_slice %arg4[%add3A_382, %dma_wait3A_395, %dma_wait3A_396] : memref<4096x200x128xf32, #tpu.memory_space<hbm>> -> memref<1x200x32xf32, #tpu.memory_space<hbm>>
    %dma_wait3A_398 = tpu.memref_squeeze %dma_wait3A_397 : memref<1x200x32xf32, #tpu.memory_space<hbm>> -> memref<200x32xf32, #tpu.memory_space<hbm>>
    %dma_wait3A_399 = arith.constant 0 : i32
    %dma_wait3A_400 = arith.constant 0 : i32
    %dma_wait3A_401 = tpu.memref_slice %arg7[%dma_wait3A_383, %dma_wait3A_399, %dma_wait3A_400] : memref<4x200x32xf32, #tpu.memory_space<vmem>> -> memref<1x200x32xf32, #tpu.memory_space<vmem>>
    %dma_wait3A_402 = tpu.memref_squeeze %dma_wait3A_401 : memref<1x200x32xf32, #tpu.memory_space<vmem>> -> memref<200x32xf32, #tpu.memory_space<vmem>>
    tpu.wait_dma2 semaphore(%dma_wait3A_394 : memref<!tpu.dma_semaphore, #tpu.memory_space<semaphore_mem>>) src(%dma_wait3A_402 : memref<200x32xf32, #tpu.memory_space<vmem>>) dst(%dma_wait3A_398 : memref<200x32xf32, #tpu.memory_space<hbm>>)
    %dma_start3A_403 = arith.constant 3 : i32
    %dma_start3A_404 = arith.constant 3 : i32
    %dma_start3A_405 = arith.constant 0 : i32
    %dma_start3A_406 = arith.constant 0 : i32
    %dma_start3A_407 = tpu.memref_slice %arg7[%dma_start3A_403, %dma_start3A_405, %dma_start3A_406] : memref<4x200x32xf32, #tpu.memory_space<vmem>> -> memref<1x200x32xf32, #tpu.memory_space<vmem>>
    %dma_start3A_408 = tpu.memref_squeeze %dma_start3A_407 : memref<1x200x32xf32, #tpu.memory_space<vmem>> -> memref<200x32xf32, #tpu.memory_space<vmem>>
    %dma_start3A_409 = arith.constant 25400 : i32
    %dma_start3A_410 = tpu.memref_slice %arg6[%dma_start3A_409] : memref<25600xi32, #tpu.memory_space<vmem>> -> memref<200xi32, #tpu.memory_space<vmem>>
    %dma_start3A_411 = arith.constant 0 : i32
    %dma_start3A_412 = arith.constant 0 : i32
    %dma_start3A_413 = tpu.memref_slice %arg3[%dma_start3A_411, %dma_start3A_412] : memref<4000000x32xf32, #tpu.memory_space<hbm>> -> memref<4000000x32xf32, #tpu.memory_space<hbm>>
    %dma_start3A_414 = tpu.memref_slice %arg8[%dma_start3A_404] : memref<4x!tpu.dma_semaphore, #tpu.memory_space<semaphore_mem>> -> memref<1x!tpu.dma_semaphore, #tpu.memory_space<semaphore_mem>>
    %dma_start3A_415 = tpu.memref_squeeze %dma_start3A_414 : memref<1x!tpu.dma_semaphore, #tpu.memory_space<semaphore_mem>> -> memref<!tpu.dma_semaphore, #tpu.memory_space<semaphore_mem>>
    tpu.enqueue_indirect_dma source(%dma_start3A_413 : memref<4000000x32xf32, #tpu.memory_space<hbm>>) target(%dma_start3A_408 : memref<200x32xf32, #tpu.memory_space<vmem>>) offsets(%dma_start3A_410 : memref<200xi32, #tpu.memory_space<vmem>>) semaphore(%dma_start3A_415 : memref<!tpu.dma_semaphore, #tpu.memory_space<semaphore_mem>>)
    %dma_wait3A_416 = arith.constant 2 : i32
    %dma_wait3A_417 = arith.constant 2 : i32
    %dma_wait3A_418 = arith.constant 0 : i32
    %dma_wait3A_419 = arith.constant 0 : i32
    %dma_wait3A_420 = tpu.memref_slice %arg7[%dma_wait3A_416, %dma_wait3A_418, %dma_wait3A_419] : memref<4x200x32xf32, #tpu.memory_space<vmem>> -> memref<1x200x32xf32, #tpu.memory_space<vmem>>
    %dma_wait3A_421 = tpu.memref_squeeze %dma_wait3A_420 : memref<1x200x32xf32, #tpu.memory_space<vmem>> -> memref<200x32xf32, #tpu.memory_space<vmem>>
    %dma_wait3A_422 = arith.constant 25200 : i32
    %dma_wait3A_423 = tpu.memref_slice %arg6[%dma_wait3A_422] : memref<25600xi32, #tpu.memory_space<vmem>> -> memref<200xi32, #tpu.memory_space<vmem>>
    %dma_wait3A_424 = arith.constant 0 : i32
    %dma_wait3A_425 = arith.constant 0 : i32
    %dma_wait3A_426 = tpu.memref_slice %arg3[%dma_wait3A_424, %dma_wait3A_425] : memref<4000000x32xf32, #tpu.memory_space<hbm>> -> memref<4000000x32xf32, #tpu.memory_space<hbm>>
    %dma_wait3A_427 = tpu.memref_slice %arg8[%dma_wait3A_417] : memref<4x!tpu.dma_semaphore, #tpu.memory_space<semaphore_mem>> -> memref<1x!tpu.dma_semaphore, #tpu.memory_space<semaphore_mem>>
    %dma_wait3A_428 = tpu.memref_squeeze %dma_wait3A_427 : memref<1x!tpu.dma_semaphore, #tpu.memory_space<semaphore_mem>> -> memref<!tpu.dma_semaphore, #tpu.memory_space<semaphore_mem>>
    tpu.wait_indirect_dma semaphore(%dma_wait3A_428 : memref<!tpu.dma_semaphore, #tpu.memory_space<semaphore_mem>>) src(%dma_wait3A_426 : memref<4000000x32xf32, #tpu.memory_space<hbm>>) dst(%dma_wait3A_421 : memref<200x32xf32, #tpu.memory_space<vmem>>)
    %add3A_429 = arith.constant 126 : i32
    %add3A_430 = arith.addi %mul3A_4, %add3A_429 : i32
    %dma_start3A_431 = arith.constant 2 : i32
    %dma_start3A_432 = arith.constant 2 : i32
    %dma_start3A_433 = arith.constant 0 : i32
    %dma_start3A_434 = arith.constant 0 : i32
    %dma_start3A_435 = tpu.memref_slice %arg7[%dma_start3A_431, %dma_start3A_433, %dma_start3A_434] : memref<4x200x32xf32, #tpu.memory_space<vmem>> -> memref<1x200x32xf32, #tpu.memory_space<vmem>>
    %dma_start3A_436 = tpu.memref_squeeze %dma_start3A_435 : memref<1x200x32xf32, #tpu.memory_space<vmem>> -> memref<200x32xf32, #tpu.memory_space<vmem>>
    %dma_start3A_437 = arith.constant 0 : i32
    %dma_start3A_438 = arith.constant 0 : i32
    %dma_start3A_439 = tpu.memref_slice %arg4[%add3A_430, %dma_start3A_437, %dma_start3A_438] : memref<4096x200x128xf32, #tpu.memory_space<hbm>> -> memref<1x200x32xf32, #tpu.memory_space<hbm>>
    %dma_start3A_440 = tpu.memref_squeeze %dma_start3A_439 : memref<1x200x32xf32, #tpu.memory_space<hbm>> -> memref<200x32xf32, #tpu.memory_space<hbm>>
    %dma_start3A_441 = tpu.memref_slice %arg9[%dma_start3A_432] : memref<4x!tpu.dma_semaphore, #tpu.memory_space<semaphore_mem>> -> memref<1x!tpu.dma_semaphore, #tpu.memory_space<semaphore_mem>>
    %dma_start3A_442 = tpu.memref_squeeze %dma_start3A_441 : memref<1x!tpu.dma_semaphore, #tpu.memory_space<semaphore_mem>> -> memref<!tpu.dma_semaphore, #tpu.memory_space<semaphore_mem>>
    %dma_start3A_443 = arith.constant 0 : i32
    %dma_start3A_444 = arith.constant 0 : i32
    %dma_start3A_445 = tpu.memref_slice %arg4[%add3A_430, %dma_start3A_443, %dma_start3A_444] : memref<4096x200x128xf32, #tpu.memory_space<hbm>> -> memref<1x200x32xf32, #tpu.memory_space<hbm>>
    %dma_start3A_446 = tpu.memref_squeeze %dma_start3A_445 : memref<1x200x32xf32, #tpu.memory_space<hbm>> -> memref<200x32xf32, #tpu.memory_space<hbm>>
    %dma_start3A_447 = arith.constant 0 : i32
    %dma_start3A_448 = arith.constant 0 : i32
    %dma_start3A_449 = tpu.memref_slice %arg7[%dma_start3A_431, %dma_start3A_447, %dma_start3A_448] : memref<4x200x32xf32, #tpu.memory_space<vmem>> -> memref<1x200x32xf32, #tpu.memory_space<vmem>>
    %dma_start3A_450 = tpu.memref_squeeze %dma_start3A_449 : memref<1x200x32xf32, #tpu.memory_space<vmem>> -> memref<200x32xf32, #tpu.memory_space<vmem>>
    tpu.enqueue_dma source(%dma_start3A_450 : memref<200x32xf32, #tpu.memory_space<vmem>>) target(%dma_start3A_446 : memref<200x32xf32, #tpu.memory_space<hbm>>) target_semaphore(%dma_start3A_442 : memref<!tpu.dma_semaphore, #tpu.memory_space<semaphore_mem>>)
    %dma_wait3A_451 = arith.constant 3 : i32
    %dma_wait3A_452 = arith.constant 3 : i32
    %dma_wait3A_453 = arith.constant 0 : i32
    %dma_wait3A_454 = arith.constant 0 : i32
    %dma_wait3A_455 = tpu.memref_slice %arg7[%dma_wait3A_451, %dma_wait3A_453, %dma_wait3A_454] : memref<4x200x32xf32, #tpu.memory_space<vmem>> -> memref<1x200x32xf32, #tpu.memory_space<vmem>>
    %dma_wait3A_456 = tpu.memref_squeeze %dma_wait3A_455 : memref<1x200x32xf32, #tpu.memory_space<vmem>> -> memref<200x32xf32, #tpu.memory_space<vmem>>
    %dma_wait3A_457 = arith.constant 25400 : i32
    %dma_wait3A_458 = tpu.memref_slice %arg6[%dma_wait3A_457] : memref<25600xi32, #tpu.memory_space<vmem>> -> memref<200xi32, #tpu.memory_space<vmem>>
    %dma_wait3A_459 = arith.constant 0 : i32
    %dma_wait3A_460 = arith.constant 0 : i32
    %dma_wait3A_461 = tpu.memref_slice %arg3[%dma_wait3A_459, %dma_wait3A_460] : memref<4000000x32xf32, #tpu.memory_space<hbm>> -> memref<4000000x32xf32, #tpu.memory_space<hbm>>
    %dma_wait3A_462 = tpu.memref_slice %arg8[%dma_wait3A_452] : memref<4x!tpu.dma_semaphore, #tpu.memory_space<semaphore_mem>> -> memref<1x!tpu.dma_semaphore, #tpu.memory_space<semaphore_mem>>
    %dma_wait3A_463 = tpu.memref_squeeze %dma_wait3A_462 : memref<1x!tpu.dma_semaphore, #tpu.memory_space<semaphore_mem>> -> memref<!tpu.dma_semaphore, #tpu.memory_space<semaphore_mem>>
    tpu.wait_indirect_dma semaphore(%dma_wait3A_463 : memref<!tpu.dma_semaphore, #tpu.memory_space<semaphore_mem>>) src(%dma_wait3A_461 : memref<4000000x32xf32, #tpu.memory_space<hbm>>) dst(%dma_wait3A_456 : memref<200x32xf32, #tpu.memory_space<vmem>>)
    %add3A_464 = arith.constant 127 : i32
    %add3A_465 = arith.addi %mul3A_4, %add3A_464 : i32
    %dma_start3A_466 = arith.constant 3 : i32
    %dma_start3A_467 = arith.constant 3 : i32
    %dma_start3A_468 = arith.constant 0 : i32
    %dma_start3A_469 = arith.constant 0 : i32
    %dma_start3A_470 = tpu.memref_slice %arg7[%dma_start3A_466, %dma_start3A_468, %dma_start3A_469] : memref<4x200x32xf32, #tpu.memory_space<vmem>> -> memref<1x200x32xf32, #tpu.memory_space<vmem>>
    %dma_start3A_471 = tpu.memref_squeeze %dma_start3A_470 : memref<1x200x32xf32, #tpu.memory_space<vmem>> -> memref<200x32xf32, #tpu.memory_space<vmem>>
    %dma_start3A_472 = arith.constant 0 : i32
    %dma_start3A_473 = arith.constant 0 : i32
    %dma_start3A_474 = tpu.memref_slice %arg4[%add3A_465, %dma_start3A_472, %dma_start3A_473] : memref<4096x200x128xf32, #tpu.memory_space<hbm>> -> memref<1x200x32xf32, #tpu.memory_space<hbm>>
    %dma_start3A_475 = tpu.memref_squeeze %dma_start3A_474 : memref<1x200x32xf32, #tpu.memory_space<hbm>> -> memref<200x32xf32, #tpu.memory_space<hbm>>
    %dma_start3A_476 = tpu.memref_slice %arg9[%dma_start3A_467] : memref<4x!tpu.dma_semaphore, #tpu.memory_space<semaphore_mem>> -> memref<1x!tpu.dma_semaphore, #tpu.memory_space<semaphore_mem>>
    %dma_start3A_477 = tpu.memref_squeeze %dma_start3A_476 : memref<1x!tpu.dma_semaphore, #tpu.memory_space<semaphore_mem>> -> memref<!tpu.dma_semaphore, #tpu.memory_space<semaphore_mem>>
    %dma_start3A_478 = arith.constant 0 : i32
    %dma_start3A_479 = arith.constant 0 : i32
    %dma_start3A_480 = tpu.memref_slice %arg4[%add3A_465, %dma_start3A_478, %dma_start3A_479] : memref<4096x200x128xf32, #tpu.memory_space<hbm>> -> memref<1x200x32xf32, #tpu.memory_space<hbm>>
    %dma_start3A_481 = tpu.memref_squeeze %dma_start3A_480 : memref<1x200x32xf32, #tpu.memory_space<hbm>> -> memref<200x32xf32, #tpu.memory_space<hbm>>
    %dma_start3A_482 = arith.constant 0 : i32
    %dma_start3A_483 = arith.constant 0 : i32
    %dma_start3A_484 = tpu.memref_slice %arg7[%dma_start3A_466, %dma_start3A_482, %dma_start3A_483] : memref<4x200x32xf32, #tpu.memory_space<vmem>> -> memref<1x200x32xf32, #tpu.memory_space<vmem>>
    %dma_start3A_485 = tpu.memref_squeeze %dma_start3A_484 : memref<1x200x32xf32, #tpu.memory_space<vmem>> -> memref<200x32xf32, #tpu.memory_space<vmem>>
    tpu.enqueue_dma source(%dma_start3A_485 : memref<200x32xf32, #tpu.memory_space<vmem>>) target(%dma_start3A_481 : memref<200x32xf32, #tpu.memory_space<hbm>>) target_semaphore(%dma_start3A_477 : memref<!tpu.dma_semaphore, #tpu.memory_space<semaphore_mem>>)
    %add3A_486 = arith.constant 124 : i32
    %add3A_487 = arith.addi %mul3A_4, %add3A_486 : i32
    %dma_wait3A_488 = arith.constant 0 : i32
    %dma_wait3A_489 = arith.constant 0 : i32
    %dma_wait3A_490 = arith.constant 0 : i32
    %dma_wait3A_491 = arith.constant 0 : i32
    %dma_wait3A_492 = tpu.memref_slice %arg7[%dma_wait3A_488, %dma_wait3A_490, %dma_wait3A_491] : memref<4x200x32xf32, #tpu.memory_space<vmem>> -> memref<1x200x32xf32, #tpu.memory_space<vmem>>
    %dma_wait3A_493 = tpu.memref_squeeze %dma_wait3A_492 : memref<1x200x32xf32, #tpu.memory_space<vmem>> -> memref<200x32xf32, #tpu.memory_space<vmem>>
    %dma_wait3A_494 = arith.constant 0 : i32
    %dma_wait3A_495 = arith.constant 0 : i32
    %dma_wait3A_496 = tpu.memref_slice %arg4[%add3A_487, %dma_wait3A_494, %dma_wait3A_495] : memref<4096x200x128xf32, #tpu.memory_space<hbm>> -> memref<1x200x32xf32, #tpu.memory_space<hbm>>
    %dma_wait3A_497 = tpu.memref_squeeze %dma_wait3A_496 : memref<1x200x32xf32, #tpu.memory_space<hbm>> -> memref<200x32xf32, #tpu.memory_space<hbm>>
    %dma_wait3A_498 = tpu.memref_slice %arg9[%dma_wait3A_489] : memref<4x!tpu.dma_semaphore, #tpu.memory_space<semaphore_mem>> -> memref<1x!tpu.dma_semaphore, #tpu.memory_space<semaphore_mem>>
    %dma_wait3A_499 = tpu.memref_squeeze %dma_wait3A_498 : memref<1x!tpu.dma_semaphore, #tpu.memory_space<semaphore_mem>> -> memref<!tpu.dma_semaphore, #tpu.memory_space<semaphore_mem>>
    %dma_wait3A_500 = arith.constant 0 : i32
    %dma_wait3A_501 = arith.constant 0 : i32
    %dma_wait3A_502 = tpu.memref_slice %arg4[%add3A_487, %dma_wait3A_500, %dma_wait3A_501] : memref<4096x200x128xf32, #tpu.memory_space<hbm>> -> memref<1x200x32xf32, #tpu.memory_space<hbm>>
    %dma_wait3A_503 = tpu.memref_squeeze %dma_wait3A_502 : memref<1x200x32xf32, #tpu.memory_space<hbm>> -> memref<200x32xf32, #tpu.memory_space<hbm>>
    %dma_wait3A_504 = arith.constant 0 : i32
    %dma_wait3A_505 = arith.constant 0 : i32
    %dma_wait3A_506 = tpu.memref_slice %arg7[%dma_wait3A_488, %dma_wait3A_504, %dma_wait3A_505] : memref<4x200x32xf32, #tpu.memory_space<vmem>> -> memref<1x200x32xf32, #tpu.memory_space<vmem>>
    %dma_wait3A_507 = tpu.memref_squeeze %dma_wait3A_506 : memref<1x200x32xf32, #tpu.memory_space<vmem>> -> memref<200x32xf32, #tpu.memory_space<vmem>>
    tpu.wait_dma2 semaphore(%dma_wait3A_499 : memref<!tpu.dma_semaphore, #tpu.memory_space<semaphore_mem>>) src(%dma_wait3A_507 : memref<200x32xf32, #tpu.memory_space<vmem>>) dst(%dma_wait3A_503 : memref<200x32xf32, #tpu.memory_space<hbm>>)
    %add3A_508 = arith.constant 125 : i32
    %add3A_509 = arith.addi %mul3A_4, %add3A_508 : i32
    %dma_wait3A_510 = arith.constant 1 : i32
    %dma_wait3A_511 = arith.constant 1 : i32
    %dma_wait3A_512 = arith.constant 0 : i32
    %dma_wait3A_513 = arith.constant 0 : i32
    %dma_wait3A_514 = tpu.memref_slice %arg7[%dma_wait3A_510, %dma_wait3A_512, %dma_wait3A_513] : memref<4x200x32xf32, #tpu.memory_space<vmem>> -> memref<1x200x32xf32, #tpu.memory_space<vmem>>
    %dma_wait3A_515 = tpu.memref_squeeze %dma_wait3A_514 : memref<1x200x32xf32, #tpu.memory_space<vmem>> -> memref<200x32xf32, #tpu.memory_space<vmem>>
    %dma_wait3A_516 = arith.constant 0 : i32
    %dma_wait3A_517 = arith.constant 0 : i32
    %dma_wait3A_518 = tpu.memref_slice %arg4[%add3A_509, %dma_wait3A_516, %dma_wait3A_517] : memref<4096x200x128xf32, #tpu.memory_space<hbm>> -> memref<1x200x32xf32, #tpu.memory_space<hbm>>
    %dma_wait3A_519 = tpu.memref_squeeze %dma_wait3A_518 : memref<1x200x32xf32, #tpu.memory_space<hbm>> -> memref<200x32xf32, #tpu.memory_space<hbm>>
    %dma_wait3A_520 = tpu.memref_slice %arg9[%dma_wait3A_511] : memref<4x!tpu.dma_semaphore, #tpu.memory_space<semaphore_mem>> -> memref<1x!tpu.dma_semaphore, #tpu.memory_space<semaphore_mem>>
    %dma_wait3A_521 = tpu.memref_squeeze %dma_wait3A_520 : memref<1x!tpu.dma_semaphore, #tpu.memory_space<semaphore_mem>> -> memref<!tpu.dma_semaphore, #tpu.memory_space<semaphore_mem>>
    %dma_wait3A_522 = arith.constant 0 : i32
    %dma_wait3A_523 = arith.constant 0 : i32
    %dma_wait3A_524 = tpu.memref_slice %arg4[%add3A_509, %dma_wait3A_522, %dma_wait3A_523] : memref<4096x200x128xf32, #tpu.memory_space<hbm>> -> memref<1x200x32xf32, #tpu.memory_space<hbm>>
    %dma_wait3A_525 = tpu.memref_squeeze %dma_wait3A_524 : memref<1x200x32xf32, #tpu.memory_space<hbm>> -> memref<200x32xf32, #tpu.memory_space<hbm>>
    %dma_wait3A_526 = arith.constant 0 : i32
    %dma_wait3A_527 = arith.constant 0 : i32
    %dma_wait3A_528 = tpu.memref_slice %arg7[%dma_wait3A_510, %dma_wait3A_526, %dma_wait3A_527] : memref<4x200x32xf32, #tpu.memory_space<vmem>> -> memref<1x200x32xf32, #tpu.memory_space<vmem>>
    %dma_wait3A_529 = tpu.memref_squeeze %dma_wait3A_528 : memref<1x200x32xf32, #tpu.memory_space<vmem>> -> memref<200x32xf32, #tpu.memory_space<vmem>>
    tpu.wait_dma2 semaphore(%dma_wait3A_521 : memref<!tpu.dma_semaphore, #tpu.memory_space<semaphore_mem>>) src(%dma_wait3A_529 : memref<200x32xf32, #tpu.memory_space<vmem>>) dst(%dma_wait3A_525 : memref<200x32xf32, #tpu.memory_space<hbm>>)
    %add3A_530 = arith.constant 126 : i32
    %add3A_531 = arith.addi %mul3A_4, %add3A_530 : i32
    %dma_wait3A_532 = arith.constant 2 : i32
    %dma_wait3A_533 = arith.constant 2 : i32
    %dma_wait3A_534 = arith.constant 0 : i32
    %dma_wait3A_535 = arith.constant 0 : i32
    %dma_wait3A_536 = tpu.memref_slice %arg7[%dma_wait3A_532, %dma_wait3A_534, %dma_wait3A_535] : memref<4x200x32xf32, #tpu.memory_space<vmem>> -> memref<1x200x32xf32, #tpu.memory_space<vmem>>
    %dma_wait3A_537 = tpu.memref_squeeze %dma_wait3A_536 : memref<1x200x32xf32, #tpu.memory_space<vmem>> -> memref<200x32xf32, #tpu.memory_space<vmem>>
    %dma_wait3A_538 = arith.constant 0 : i32
    %dma_wait3A_539 = arith.constant 0 : i32
    %dma_wait3A_540 = tpu.memref_slice %arg4[%add3A_531, %dma_wait3A_538, %dma_wait3A_539] : memref<4096x200x128xf32, #tpu.memory_space<hbm>> -> memref<1x200x32xf32, #tpu.memory_space<hbm>>
    %dma_wait3A_541 = tpu.memref_squeeze %dma_wait3A_540 : memref<1x200x32xf32, #tpu.memory_space<hbm>> -> memref<200x32xf32, #tpu.memory_space<hbm>>
    %dma_wait3A_542 = tpu.memref_slice %arg9[%dma_wait3A_533] : memref<4x!tpu.dma_semaphore, #tpu.memory_space<semaphore_mem>> -> memref<1x!tpu.dma_semaphore, #tpu.memory_space<semaphore_mem>>
    %dma_wait3A_543 = tpu.memref_squeeze %dma_wait3A_542 : memref<1x!tpu.dma_semaphore, #tpu.memory_space<semaphore_mem>> -> memref<!tpu.dma_semaphore, #tpu.memory_space<semaphore_mem>>
    %dma_wait3A_544 = arith.constant 0 : i32
    %dma_wait3A_545 = arith.constant 0 : i32
    %dma_wait3A_546 = tpu.memref_slice %arg4[%add3A_531, %dma_wait3A_544, %dma_wait3A_545] : memref<4096x200x128xf32, #tpu.memory_space<hbm>> -> memref<1x200x32xf32, #tpu.memory_space<hbm>>
    %dma_wait3A_547 = tpu.memref_squeeze %dma_wait3A_546 : memref<1x200x32xf32, #tpu.memory_space<hbm>> -> memref<200x32xf32, #tpu.memory_space<hbm>>
    %dma_wait3A_548 = arith.constant 0 : i32
    %dma_wait3A_549 = arith.constant 0 : i32
    %dma_wait3A_550 = tpu.memref_slice %arg7[%dma_wait3A_532, %dma_wait3A_548, %dma_wait3A_549] : memref<4x200x32xf32, #tpu.memory_space<vmem>> -> memref<1x200x32xf32, #tpu.memory_space<vmem>>
    %dma_wait3A_551 = tpu.memref_squeeze %dma_wait3A_550 : memref<1x200x32xf32, #tpu.memory_space<vmem>> -> memref<200x32xf32, #tpu.memory_space<vmem>>
    tpu.wait_dma2 semaphore(%dma_wait3A_543 : memref<!tpu.dma_semaphore, #tpu.memory_space<semaphore_mem>>) src(%dma_wait3A_551 : memref<200x32xf32, #tpu.memory_space<vmem>>) dst(%dma_wait3A_547 : memref<200x32xf32, #tpu.memory_space<hbm>>)
    %add3A_552 = arith.constant 127 : i32
    %add3A_553 = arith.addi %mul3A_4, %add3A_552 : i32
    %dma_wait3A_554 = arith.constant 3 : i32
    %dma_wait3A_555 = arith.constant 3 : i32
    %dma_wait3A_556 = arith.constant 0 : i32
    %dma_wait3A_557 = arith.constant 0 : i32
    %dma_wait3A_558 = tpu.memref_slice %arg7[%dma_wait3A_554, %dma_wait3A_556, %dma_wait3A_557] : memref<4x200x32xf32, #tpu.memory_space<vmem>> -> memref<1x200x32xf32, #tpu.memory_space<vmem>>
    %dma_wait3A_559 = tpu.memref_squeeze %dma_wait3A_558 : memref<1x200x32xf32, #tpu.memory_space<vmem>> -> memref<200x32xf32, #tpu.memory_space<vmem>>
    %dma_wait3A_560 = arith.constant 0 : i32
    %dma_wait3A_561 = arith.constant 0 : i32
    %dma_wait3A_562 = tpu.memref_slice %arg4[%add3A_553, %dma_wait3A_560, %dma_wait3A_561] : memref<4096x200x128xf32, #tpu.memory_space<hbm>> -> memref<1x200x32xf32, #tpu.memory_space<hbm>>
    %dma_wait3A_563 = tpu.memref_squeeze %dma_wait3A_562 : memref<1x200x32xf32, #tpu.memory_space<hbm>> -> memref<200x32xf32, #tpu.memory_space<hbm>>
    %dma_wait3A_564 = tpu.memref_slice %arg9[%dma_wait3A_555] : memref<4x!tpu.dma_semaphore, #tpu.memory_space<semaphore_mem>> -> memref<1x!tpu.dma_semaphore, #tpu.memory_space<semaphore_mem>>
    %dma_wait3A_565 = tpu.memref_squeeze %dma_wait3A_564 : memref<1x!tpu.dma_semaphore, #tpu.memory_space<semaphore_mem>> -> memref<!tpu.dma_semaphore, #tpu.memory_space<semaphore_mem>>
    %dma_wait3A_566 = arith.constant 0 : i32
    %dma_wait3A_567 = arith.constant 0 : i32
    %dma_wait3A_568 = tpu.memref_slice %arg4[%add3A_553, %dma_wait3A_566, %dma_wait3A_567] : memref<4096x200x128xf32, #tpu.memory_space<hbm>> -> memref<1x200x32xf32, #tpu.memory_space<hbm>>
    %dma_wait3A_569 = tpu.memref_squeeze %dma_wait3A_568 : memref<1x200x32xf32, #tpu.memory_space<hbm>> -> memref<200x32xf32, #tpu.memory_space<hbm>>
    %dma_wait3A_570 = arith.constant 0 : i32
    %dma_wait3A_571 = arith.constant 0 : i32
    %dma_wait3A_572 = tpu.memref_slice %arg7[%dma_wait3A_554, %dma_wait3A_570, %dma_wait3A_571] : memref<4x200x32xf32, #tpu.memory_space<vmem>> -> memref<1x200x32xf32, #tpu.memory_space<vmem>>
    %dma_wait3A_573 = tpu.memref_squeeze %dma_wait3A_572 : memref<1x200x32xf32, #tpu.memory_space<vmem>> -> memref<200x32xf32, #tpu.memory_space<vmem>>
    tpu.wait_dma2 semaphore(%dma_wait3A_565 : memref<!tpu.dma_semaphore, #tpu.memory_space<semaphore_mem>>) src(%dma_wait3A_573 : memref<200x32xf32, #tpu.memory_space<vmem>>) dst(%dma_wait3A_569 : memref<200x32xf32, #tpu.memory_space<hbm>>)
    return
  }
}

</mosaic_0001>

<sc_bundles>
// kernel: _run.4.cloned.1.call-start
scs
__scs_entry_jumppad:
0x0: {  	(pc) =	sbr.rel $0x88, $3  }
0x1: {  	(tag) =	ssettag $0x0;
	lr =	simm.s32 $0x1  }
0x2: {  	[smem:$0x3F9D] =	sst lr;
	_ =	strace $0xD0000000  }
0x3: {  	_ = 	snop  }
0x4: {  	_ = 	snop  }
0x5: {  	_ = 	snop  }
0x6: {  	_ = 	snop  }
0x7: {  	_ = 	snop  }
__scs_overlays_trampoline_lowered:
0x8: {  	[smem:$0x3FAC] =	sst s0  }
0x9: {  	[smem:$0x3FAD] =	sst s1  }
0xa: {  	[smem:$0x3FAE] =	sst s2  }
0xb: {  	[smem:$0x3FAF] =	sst s3  }
0xc: {  	[smem:$0x3FB0] =	sst s4  }
0xd: {  	[smem:$0x3FB1] =	sst s5  }
0xe: {  	[smem:$0x3FB2] =	sst s6  }
0xf: {  	[smem:$0x3FB3] =	sst s7  }
0x10: {  	[smem:$0x3FB4] =	sst s8  }
0x11: {  	[smem:$0x3FB5] =	sst s9;
	s0 =	simm.s32 @!p0 $0x0  }
0x12: {  	s1 =	sld [smem:$0x3F9B];
	s0 =	simm.s32 @p0 $0x1  }
0x13: {  	[smem:$0x3FB6] =	sst s0;
	s0 =	simm.s32 @!p1 $0x0  }
0x14: {  	s2 =	sld [smem:$0x3F9A];
	s0 =	simm.s32 @p1 $0x1  }
0x15: {  	[smem:$0x3FB7] =	sst s0;
	s0 =	simm.s32 @!p2 $0x0  }
0x16: {  	s3 =	sld [smem:$0x3FDB];
	s0 =	simm.s32 @p2 $0x1  }
0x17: {  	s4 =	simm.s32 $0x1BF5;
	[smem:$0x3FB9] =	sst s0  }
0x18: {  	s0 =	sld [smem:$0x3F9C];
	_ =	swait.ge [sflag:s4], $0x0  }
0x19: {  	s7 =	sld [smem:$0x3F9D]  }
0x1a: {  	s8 =	sadd.s32 $0xFFFFE003, lr  }
0x1b: {  	s9 =	sadd.s32 $0xFFFFFEF7, lr;
	s5 =	simm.s32 $0xFFFFFFFF;
	p2 =	slt.u32 s8, $0xFFFFF086  }
0x1c: {  	p1 =	slt.u32 s9, $0xF7A;
	s5 =	simm.s32 @!p2 $0x0  }
0x1d: {  	s5 =	simm.s32 @p1 $0x1;
	p0 =	seq.s32 s7, s2  }
0x1e: {  	s7 =	smul.u32 @!p0 $0xF7A, s2;
	p2 =	seq.s32 @!p0 s5, $0x0  }
0x1f: {  	s9 =	smul.u32 $0xF7A, s1;
	s8 =	simm.s32 @!p0 $0x1BF5;
	p2 =	por !p2, p0  }
0x20: {  	[sflag:s8] =	ssyncset.s32 @!p0 $0xFFFFF086;
	s6 =	sadd.s32 @!p0 s3, s7;
	s7 =	simm.s32 @!p0 $0x108  }
0x21: {  	s3 =	sadd.s32 s3, s9;
	s6 =	sadd.s32 @!p0 $0x88, s6;
	s7 =	simm.s32 @p2 $0x1082  }
0x22: {  	[simem:s7], [sflag:s8] =	dma.local @!p0 [hbm:s6], $0xF7A  }
0x23: {  	s9 =	sor.u32 $0xD0000000, s2;
	s6 =	simm.s32 $0x108;
	_ =	swait.ge @!p0 [sflag:s8], $0x0  }
0x24: {  	s3 =	sadd.s32 $0x88, s3;
	s6 =	simm.s32 @!p1 $0x1082;
	[sflag:s4] =	ssyncset.s32 $0xFFFFF086  }
0x25: {  	[simem:s6], [sflag:s4] =	dma.local [hbm:s3], $0xF7A  }
0x26: {  	[smem:$0x3F9D] =	sst s1;
	(tag) =	ssettag s2;
	_ =	strace s9  }
0x27: {  	s1 =	sld [smem:$0x3FAD]  }
0x28: {  	s2 =	sld [smem:$0x3FAE]  }
0x29: {  	s4 =	sld [smem:$0x3FB0]  }
0x2a: {  	p0 =	seq.s32 s5, $0x0;
	s5 =	sld [smem:$0x3FB1]  }
0x2b: {  	s6 =	sld [smem:$0x3FB2]  }
0x2c: {  	s7 =	sld [smem:$0x3FB3]  }
0x2d: {  	s3 =	simm.s32 $0x108;
	s8 =	sld [smem:$0x3FB4]  }
0x2e: {  	s3 =	simm.s32 @!p0 $0x1082;
	s9 =	sld [smem:$0x3FB5]  }
0x2f: {  	lr =	sadd.s32 s0, s3;
	s0 =	sld [smem:$0x3FAC]  }
0x30: {  	s3 =	sld [smem:$0x3FAF]  }
0x31: {  	[smem:$0x3FB8] =	sst s10  }
0x32: {  	s10 =	sld [smem:$0x3FB6];
	_ =	sdelay $0x3  }
0x33: {  	p0 =	seq.s32 s10, $0x1;
	s10 =	sld [smem:$0x3FB8];
	_ =	sdelay $0x3  }
0x34: {  	[smem:$0x3FB8] =	sst s10  }
0x35: {  	s10 =	sld [smem:$0x3FB7];
	_ =	sdelay $0x3  }
0x36: {  	p1 =	seq.s32 s10, $0x1;
	s10 =	sld [smem:$0x3FB8];
	_ =	sdelay $0x3  }
0x37: {  	[smem:$0x3FB8] =	sst s10  }
0x38: {  	s10 =	sld [smem:$0x3FB9]  }
0x39: {  	_ = 	snop;
	(pc) =	sbr.ind lr, $3  }
0x3a: {  	_ = 	snop  }
0x3b: {  	_ = 	snop  }
0x3c: {  	p2 =	seq.s32 s10, $0x1;
	s10 =	sld [smem:$0x3FB8]  }
0x3d: {  	_ =	shalt  }
0x3e: {  	_ =	shalt  }
0x3f: {  	_ =	shalt  }
0x40: {  	_ =	shalt  }
0x41: {  	_ =	shalt  }
0x42: {  	_ =	shalt  }
0x43: {  	_ =	shalt  }
0x44: {  	_ =	shalt  }
0x45: {  	_ =	shalt  }
0x46: {  	_ =	shalt  }
0x47: {  	_ =	shalt  }
0x48: {  	_ =	shalt  }
0x49: {  	_ =	shalt  }
0x4a: {  	_ =	shalt  }
0x4b: {  	_ =	shalt  }
0x4c: {  	_ =	shalt  }
0x4d: {  	_ =	shalt  }
0x4e: {  	_ =	shalt  }
0x4f: {  	_ =	shalt  }
0x50: {  	_ =	shalt  }
0x51: {  	_ =	shalt  }
0x52: {  	_ =	shalt  }
0x53: {  	_ =	shalt  }
0x54: {  	_ =	shalt  }
0x55: {  	_ =	shalt  }
0x56: {  	_ =	shalt  }
0x57: {  	_ =	shalt  }
0x58: {  	_ =	shalt  }
0x59: {  	_ =	shalt  }
0x5a: {  	_ =	shalt  }
0x5b: {  	_ =	shalt  }
0x5c: {  	_ =	shalt  }
0x5d: {  	_ =	shalt  }
0x5e: {  	_ =	shalt  }
0x5f: {  	_ =	shalt  }
0x60: {  	_ =	shalt  }
0x61: {  	_ =	shalt  }
0x62: {  	_ =	shalt  }
0x63: {  	_ =	shalt  }
0x64: {  	_ =	shalt  }
0x65: {  	_ =	shalt  }
0x66: {  	_ =	shalt  }
0x67: {  	_ =	shalt  }
0x68: {  	_ =	shalt  }
0x69: {  	_ =	shalt  }
0x6a: {  	_ =	shalt  }
0x6b: {  	_ =	shalt  }
0x6c: {  	_ =	shalt  }
0x6d: {  	_ =	shalt  }
0x6e: {  	_ =	shalt  }
0x6f: {  	_ =	shalt  }
0x70: {  	_ =	shalt  }
0x71: {  	_ =	shalt  }
0x72: {  	_ =	shalt  }
0x73: {  	_ =	shalt  }
0x74: {  	_ =	shalt  }
0x75: {  	_ =	shalt  }
0x76: {  	_ =	shalt  }
0x77: {  	_ =	shalt  }
0x78: {  	_ =	shalt  }
0x79: {  	_ =	shalt  }
0x7a: {  	_ =	shalt  }
0x7b: {  	_ =	shalt  }
0x7c: {  	_ =	shalt  }
0x7d: {  	_ =	shalt  }
0x7e: {  	_ =	shalt  }
0x7f: {  	_ =	shalt  }
0x80: {  	_ =	shalt  }
0x81: {  	_ =	shalt  }
0x82: {  	_ =	shalt  }
0x83: {  	_ =	shalt  }
0x84: {  	_ =	shalt  }
0x85: {  	_ =	shalt  }
0x86: {  	_ =	shalt  }
0x87: {  	_ =	shalt  }
.Lfunc_end0:
.L_simem_size_0:
called_computation.1_lowered:
.L_overlay_start_0:
0x88: {  	s2 =	sld [smem:$0x3FD9]  }
0x89: {  	s3 =	sld [smem:$0x3FFE];
	_ =	sdelay $0x1  }
0x8a: {  	s1 =	srdreg.scid  }
0x8b: {  	s0 =	sand.u32 $0x1, s1  }
0x8c: {  	s17 =	sshll.u32 s0, $0xA;
	s2 =	sadd.s32 s3, s2  }
0x8d: {  	s2 =	sadd.s32 s2, s17  }
0x8e: {  	[smem:$0x3FC4] =	sst s2  }
0x8f: {  	_ = 	snop  }
0x90: {  	s4 =	sld [smem:$0x3FC8]  }
0x91: {  	s18 =	sld [smem:$0x3FD0];
	(tm) =	ssettm $0x1  }
0x92: {  	s19 =	sld [smem:$0x3FFB];
	_ =	sdelay $0x3  }
0x93: {  	_ =	strace s19  }
0x94: {  	s2 =	sld [smem:$0x3FFC];
	_ =	sdelay $0x3  }
0x95: {  	_ =	strace s2  }
0x96: {  	s2 =	sld [smem:$0x3FFD];
	_ =	sdelay $0x3  }
0x97: {  	_ =	strace s2  }
0x98: {  	_ =	strace $0x8FFFFFFF  }
0x99: {  	s20 =	sld [smem:$0x3FDB];
	_ =	sdelay $0x1  }
0x9a: {  	s5 =	simm.s32 $_scs_section_size  }
0x9b: {  	s6 =	simm.s32 $_size__tile_overlayer_lowered;
	s7 =	simm.s32 $_tile_overlayer_lowered  }
0x9c: {  	s8 =	simm.s32 $0x1BFF;
	s21 =	sshll.u32 s7, $0x1;
	s5 =	sadd.s32 s5, s20  }
0x9d: {  	s22 =	simm.s32 $0x0;
	s6 =	sshll.u32 s6, $0x1;
	s7 =	sadd.s32 s21, s5  }
0x9e: {  	[timem:s22], [sflag:s8] =	dma.local [hbm:s7], s6  }
0x9f: {  	_ =	swait.ge [sflag:s8], s6  }
0xa0: {  	s6 =	ssub.s32 $0x0, s6;
	[sflag:s8] =	ssyncset.done $0x0  }
0xa1: {  	[sflag:s8] =	ssyncadd.s32 s6;
	_ =	sdelay $0x1  }
0xa2: {  	s23 =	simm.s32 $0x1B8B  }
0xa3: {  	_ =	swait.ge [sflag:s23], $0x1  }
0xa4: {  	[sflag:s23] =	ssyncset.done $0x0  }
0xa5: {  	[sflag:s23] =	ssyncadd.s32 $0xFFFFFFFF  }
0xa6: {  	s6 =	sld [smem:$0x0]  }
0xa7: {  	s7 =	sand.u32 $0xFFFFFFFE, s1  }
0xa8: {  	p0 =	sne.s32 s1, s7  }
0xa9: {  	s7 =	sshll.u32 @p0 s7, $0xE  }
0xaa: {  	s7 =	sadd.s32 @p0 $0x11B8D, s7;
	s8 =	sshll.u32 @p0 s6, $0x11  }
0xab: {  	s7 =	sor.u32 @p0 s8, s7  }
0xac: {  	[sflag:s7] =	ssyncadd.remote.s32 @p0 $0x1;
	_ =	sdelay $0x1  }
0xad: {  	s7 =	simm.s32 @p0 $0x1B8D  }
0xae: {  	_ =	swait.eq @p0 [sflag:s7], $0x1  }
0xaf: {  	[sflag:s7] =	ssyncadd.s32 @p0 $0xFFFFFFFF  }
0xb0: {  	s8 =	sshll.u32 @!p0 s1, $0xE  }
0xb1: {  	s8 =	sor.u32 @!p0 $0x4000, s8;
	s7 =	simm.s32 @!p0 $0x1B8D  }
0xb2: {  	s6 =	sshll.u32 @!p0 s6, $0x11;
	s8 =	sadd.s32 @!p0 $0x11B8D, s8;
	_ =	swait.eq @!p0 [sflag:s7], $0x1  }
0xb3: {  	s6 =	sor.u32 @!p0 s6, s8;
	[sflag:s7] =	ssyncadd.s32 @!p0 $0xFFFFFFFF  }
0xb4: {  	s25 =	simm.s32 $0x1B8E;
	s24 =	sld [smem:$0x3FFE];
	[sflag:s6] =	ssyncadd.remote.s32 @!p0 $0x1  }
0xb5: {  	s26 =	simm.s32 $execute0_lowered;
	[smem:$0x3FD2] =	sst s25  }
0xb6: {  	s7 =	sshll.u32 s26, $0x1;
	_ =	strace $0x80000049;
	[dreg:$0x1] =	wrdreg $0xFFFFFFFF  }
0xb7: {  	s28 =	simm.s32 $_size_execute0_lowered;
	s5 =	sadd.s32 s5, s7;
	[dreg:$0x0] =	wrdreg $0x0  }
0xb8: {  	s7 =	sshll.u32 s28, $0x1;
	[dreg:$0x2] =	wrdreg s5  }
0xb9: {  	[dreg:$0x3] =	wrdreg s7  }
0xba: {  	[dreg:$0x4] =	wrdreg $0xC0  }
0xbb: {  	_ =	task [dreg:s22], $0x5FFFF  }
0xbc: {  	[dreg:$0x1] =	wrdreg $0xFFFFFFFF  }
0xbd: {  	[dreg:$0x0] =	wrdreg $0x60  }
0xbe: {  	[dreg:$0x2] =	wrdreg s4  }
0xbf: {  	[dreg:$0x3] =	wrdreg s24  }
0xc0: {  	[dreg:$0x4] =	wrdreg s18  }
0xc1: {  	[dreg:$0x5] =	wrdreg $0xA  }
0xc2: {  	_ =	task.clear_ibuf [dreg:s22], $0x6FFFF;
	_ =	strace $0x90000049  }
0xc3: {  	s29 =	simm.s32 $0xA;
	_ =	strace $0x8000004B  }
0xc4: {  	_ =	swait.ge [sflag:s29], $0x1  }
0xc5: {  	[sflag:s29] =	ssyncadd.s32 $0xFFFFFFFF  }
0xc6: {  	_ =	strace $0x9000004B  }
0xc7: {  	_ =	sfence  }
0xc8: {  	s30 =	sld [smem:$0x0];
	_ =	sdelay $0x2  }
0xc9: {  	s31 =	sshll.u32 s1, $0xD;
	s1 =	sshrl.u32 s1, $0x2  }
0xca: {  	s4 =	sand.u32 $0x4000, s31;
	s1 =	sadd.s32 s1, s30  }
0xcb: {  	s0 =	sor.u32 s4, s0;
	s1 =	sshll.u32 s1, $0x11  }
0xcc: {  	s0 =	sor.u32 s1, s0  }
0xcd: {  	s0 =	sadd.s32 $0x8F2B, s0  }
0xce: {  	[sflag:s0] =	ssyncadd.remote.s32 $0x1  }
0xcf: {  	_ =	sfence.sel $0xFFFF  }
0xd0: {  	[dreg:$0x0] =	wrdreg $0xFFFFFFFF;
	(pc) =	sbr.abs _section_cstart, $3  }
0xd1: {  	[dreg:$0x1] =	wrdreg $0xFFFFFFFF  }
0xd2: {  	_ =	task.clear_ibuf [dreg:s22], $0x2FFFF;
	_ =	strace $0x9FFFFFFF  }
0xd3: {  	(tm) =	ssettm $0x7FFFFFFF  }
tec
execute0_lowered:
.L_overlay_start_1:
0x0: {  	(tag) =	ssettag $0x1  }
0x1: {  	s0 =	rddreg [dreg:$0x0]  }
0x2: {  	s1 =	rddreg [dreg:$0x1]  }
0x3: {  	s2 =	srdreg.scid;
	s10 =	stileid.u32  }
0x4: {  	s4 =	rddreg [dreg:$0x2];
	s6 =	simm.s32 $0x0;
	s15 =	simm.s32 $0x9  }
0x5: {  	s16 =	simm.s32 $0xC8;
	s17 =	simm.s32 $0x6400;
	s18 =	simm.s32 $0x7D00  }
0x6: {  	s19 =	simm.s32 $0x1;
	s28 =	simm.s32 $0x3;
	s29 =	simm.s32 $0x5  }
0x7: {  	s2 =	sand.u32 $0x1, s2;
	s3 =	sshll.u32 s10, $0x1;
	s13 =	smul.u32 $0xC8000, s10  }
0x8: {  	s31 =	simm.s32 $0x4;
	s5 =	sor.u32 s2, s3;
	s25 =	smul.u32 $0x64000, s2  }
0x9: {  	s30 =	simm.s32 $0x0;
	[smem:$0x7FF] =	sst s6;
	s20 =	smul.u32 $0xC80, s5  }
0xa: {  	_ =	strace $0x8000004A;
	s7 =	ssub.s32 $0x2, s2;
	s8 =	smul.u32 $0x64000, s5  }
0xb: {  	s3 =	sadd.s32 $0xF43200, s1;
	s21 =	sshrl.u32 s7, $0x1;
	s9 =	smul.u32 $0x320000, s5  }
0xc: {  	s26 =	sadd.s32 s13, s4;
	s1 =	ssub.s32 s7, s21;
	s21 =	simm.s32 $0x80  }
0xd: {  	s0 =	sadd.s32 s0, s20;
	s22 =	sadd.s32 s8, s4;
	s24 =	sshrl.u32 s9, $0x3  }
0xe: {  	s13 =	smax.u32 s1, $0x1;
	s20 =	simm.s32 $0x20;
	s1 =	simm.s32 $0x6  }
0xf: {  	[dreg:$0x4] =	wrdreg s0;
	s23 =	sadd.s32 $0x4, s22;
	s6 =	sadd.s32 $0xC84, s22  }
0x10: {  	s7 =	sadd.s32 $0x1904, s22;
	s12 =	sadd.s32 s4, s24;
	s8 =	sadd.s32 $0x2584, s22  }
0x11: {  	s0 =	sadd.s32 s25, s26;
	s24 =	simm.s32 $0x2;
	s26 =	simm.s32 $0xAF00  }
0x12: {  	s22 =	simm.s32 $0x7;
	s25 =	simm.s32 $0x8;
	[dreg:$0x5] =	wrdreg s23  }
0x13: {  	s9 =	sadd.s32 $0x60E04, s12;
	s10 =	sadd.s32 $0x61A84, s12;
	s11 =	sadd.s32 $0x62704, s12  }
0x14: {  	s12 =	sadd.s32 $0x63384, s12;
	s14 =	sadd.s32 $0x3204, s0;
	s23 =	simm.s32 $0x9600  }
.LBB2_1:
0x15: {  	s0 =	simm.s32 $0x0;
	s2 =	rddreg [dreg:$0x4]  }
0x16: {  	[tilespmem:s0], [sflag:$0x9] =	stream.linear.gather [hbm4b:s2+s0], $0x6400, $0x38;
	[tilespmem:$0xC800] =	vst v63  }
0x17: {  	_ =	swait.ge [sflag:s15], $0x6400  }
0x18: {  	[sflag:s15] =	ssyncset.done $0x0  }
0x19: {  	[sflag:s15] =	ssyncadd.s32 $0xFFFF9C00  }
0x1a: {  	[tilespmem:s17], [sflag:$0x1] =	stream.indirect.gather [hbm4b:s3+s16], $0x20, s0, s16, $0xb8;
	[tilespmem:$0xC800] =	vst v63  }
0x1b: {  	_ = 	snop  }
0x1c: {  	[tilespmem:s18], [sflag:$0x2] =	stream.indirect.gather [hbm4b:s3+s16], $0x20, s16, s16, $0xb8;
	[tilespmem:$0xC800] =	vst v63  }
0x1d: {  	_ =	swait.ge [sflag:s19], $0x1900  }
0x1e: {  	[sflag:s19] =	ssyncset.done $0x0  }
0x1f: {  	s4 =	rddreg [dreg:$0x5];
	[sflag:s19] =	ssyncadd.s32 $0xFFFFE700  }
0x20: {  	[hbm4b:s4+s20] =	stream.strided.scatter [tilespmem:s17], [sflag:$0x5], $0x1900, s21, s20, $0x38;
	[tilespmem:$0xC800] =	vst v63  }
0x21: {  	s5 =	simm.s32 $0x190  }
0x22: {  	[tilespmem:s23], [sflag:$0x3] =	stream.indirect.gather [hbm4b:s3+s16], $0x20, s5, s16, $0xb8;
	[tilespmem:$0xC800] =	vst v63  }
0x23: {  	_ =	swait.ge [sflag:s24], $0x1900  }
0x24: {  	[sflag:s24] =	ssyncset.done $0x0  }
0x25: {  	[sflag:s24] =	ssyncadd.s32 $0xFFFFE700  }
0x26: {  	[hbm4b:s6+s20] =	stream.strided.scatter [tilespmem:s18], [sflag:$0x6], $0x1900, s21, s20, $0x38;
	[tilespmem:$0xC800] =	vst v63  }
0x27: {  	s2 =	simm.s32 $0x258  }
0x28: {  	[tilespmem:s26], [sflag:$0x4] =	stream.indirect.gather [hbm4b:s3+s16], $0x20, s2, s16, $0xb8;
	[tilespmem:$0xC800] =	vst v63  }
0x29: {  	_ =	swait.ge [sflag:s28], $0x1900  }
0x2a: {  	[sflag:s28] =	ssyncset.done $0x0  }
0x2b: {  	[sflag:s28] =	ssyncadd.s32 $0xFFFFE700  }
0x2c: {  	[hbm4b:s7+s20] =	stream.strided.scatter [tilespmem:s23], [sflag:$0x7], $0x1900, s21, s20, $0x38;
	[tilespmem:$0xC800] =	vst v63  }
0x2d: {  	_ =	swait.ge [sflag:s29], $0x1900  }
0x2e: {  	[sflag:s29] =	ssyncset.done $0x0  }
0x2f: {  	s4 =	simm.s32 $0x320;
	[sflag:s29] =	ssyncadd.s32 $0xFFFFE700  }
0x30: {  	[tilespmem:s17], [sflag:$0x1] =	stream.indirect.gather [hbm4b:s3+s16], $0x20, s4, s16, $0xb8;
	[tilespmem:$0xC800] =	vst v63  }
0x31: {  	_ =	swait.ge [sflag:s31], $0x1900  }
0x32: {  	[sflag:s31] =	ssyncset.done $0x0  }
0x33: {  	[sflag:s31] =	ssyncadd.s32 $0xFFFFE700  }
0x34: {  	[hbm4b:s8+s20] =	stream.strided.scatter [tilespmem:s26], [sflag:$0x8], $0x1900, s21, s20, $0x38;
	[tilespmem:$0xC800] =	vst v63  }
0x35: {  	_ =	swait.ge [sflag:s1], $0x1900  }
0x36: {  	[sflag:s1] =	ssyncset.done $0x0  }
0x37: {  	s5 =	simm.s32 $0x3E8;
	[sflag:s1] =	ssyncadd.s32 $0xFFFFE700  }
0x38: {  	[tilespmem:s18], [sflag:$0x2] =	stream.indirect.gather [hbm4b:s3+s16], $0x20, s5, s16, $0xb8;
	[tilespmem:$0xC800] =	vst v63  }
0x39: {  	_ =	swait.ge [sflag:s19], $0x1900  }
0x3a: {  	[sflag:s19] =	ssyncset.done $0x0  }
0x3b: {  	[sflag:s19] =	ssyncadd.s32 $0xFFFFE700  }
0x3c: {  	[hbm4b:s14+s20] =	stream.strided.scatter [tilespmem:s17], [sflag:$0x5], $0x1900, s21, s20, $0x38;
	[tilespmem:$0xC800] =	vst v63  }
0x3d: {  	_ =	swait.ge [sflag:s22], $0x1900  }
0x3e: {  	[sflag:s22] =	ssyncset.done $0x0  }
0x3f: {  	s2 =	simm.s32 $0x4B0;
	[sflag:s22] =	ssyncadd.s32 $0xFFFFE700  }
0x40: {  	[tilespmem:s23], [sflag:$0x3] =	stream.indirect.gather [hbm4b:s3+s16], $0x20, s2, s16, $0xb8;
	[tilespmem:$0xC800] =	vst v63  }
0x41: {  	_ =	swait.ge [sflag:s24], $0x1900  }
0x42: {  	[sflag:s24] =	ssyncset.done $0x0  }
0x43: {  	s4 =	sadd.s32 $0xC80, s14;
	[sflag:s24] =	ssyncadd.s32 $0xFFFFE700  }
0x44: {  	[hbm4b:s4+s20] =	stream.strided.scatter [tilespmem:s18], [sflag:$0x6], $0x1900, s21, s20, $0x38;
	[tilespmem:$0xC800] =	vst v63  }
0x45: {  	_ =	swait.ge [sflag:s25], $0x1900  }
0x46: {  	[sflag:s25] =	ssyncset.done $0x0  }
0x47: {  	s5 =	simm.s32 $0x578;
	[sflag:s25] =	ssyncadd.s32 $0xFFFFE700  }
0x48: {  	[tilespmem:s26], [sflag:$0x4] =	stream.indirect.gather [hbm4b:s3+s16], $0x20, s5, s16, $0xb8;
	[tilespmem:$0xC800] =	vst v63  }
0x49: {  	_ =	swait.ge [sflag:s28], $0x1900  }
0x4a: {  	[sflag:s28] =	ssyncset.done $0x0  }
0x4b: {  	s2 =	sadd.s32 $0x1900, s14;
	[sflag:s28] =	ssyncadd.s32 $0xFFFFE700  }
0x4c: {  	[hbm4b:s2+s20] =	stream.strided.scatter [tilespmem:s23], [sflag:$0x7], $0x1900, s21, s20, $0x38;
	[tilespmem:$0xC800] =	vst v63  }
0x4d: {  	_ =	swait.ge [sflag:s29], $0x1900  }
0x4e: {  	[sflag:s29] =	ssyncset.done $0x0  }
0x4f: {  	s4 =	simm.s32 $0x640;
	[sflag:s29] =	ssyncadd.s32 $0xFFFFE700  }
0x50: {  	[tilespmem:s17], [sflag:$0x1] =	stream.indirect.gather [hbm4b:s3+s16], $0x20, s4, s16, $0xb8;
	[tilespmem:$0xC800] =	vst v63  }
0x51: {  	_ =	swait.ge [sflag:s31], $0x1900  }
0x52: {  	[sflag:s31] =	ssyncset.done $0x0  }
0x53: {  	s5 =	sadd.s32 $0x2580, s14;
	[sflag:s31] =	ssyncadd.s32 $0xFFFFE700  }
0x54: {  	[hbm4b:s5+s20] =	stream.strided.scatter [tilespmem:s26], [sflag:$0x8], $0x1900, s21, s20, $0x38;
	[tilespmem:$0xC800] =	vst v63  }
0x55: {  	_ =	swait.ge [sflag:s1], $0x1900  }
0x56: {  	s0 =	simm.s32 $0xC80;
	[sflag:s1] =	ssyncset.done $0x0  }
0x57: {  	s2 =	sadd.s32 $0x3200, s14;
	s4 =	simm.s32 $0x708;
	[sflag:s1] =	ssyncadd.s32 $0xFFFFE700  }
.LBB2_2:
0x58: {  	[tilespmem:s18], [sflag:$0x2] =	stream.indirect.gather [hbm4b:s3+s16], $0x20, s4, s16, $0xb8;
	[tilespmem:$0xC800] =	vst v63  }
0x59: {  	s4 =	smov.u32 s0  }
0x5a: {  	p0 =	sne.s32 s0, $0x16A80;
	s0 =	sadd.s32 $0xC80, s0;
	_ =	swait.ge [sflag:s19], $0x1900  }
0x5b: {  	[sflag:s19] =	ssyncset.done $0x0  }
0x5c: {  	[sflag:s19] =	ssyncadd.s32 $0xFFFFE700  }
0x5d: {  	[hbm4b:s2+s20] =	stream.strided.scatter [tilespmem:s17], [sflag:$0x5], $0x1900, s21, s20, $0x38;
	[tilespmem:$0xC800] =	vst v63  }
0x5e: {  	_ =	swait.ge [sflag:s22], $0x1900  }
0x5f: {  	s4 =	sshra.s32 s4, $0x2;
	[sflag:s22] =	ssyncset.done $0x0  }
0x60: {  	s5 =	sadd.s32 $0x4B0, s4;
	[sflag:s22] =	ssyncadd.s32 $0xFFFFE700  }
0x61: {  	[tilespmem:s23], [sflag:$0x3] =	stream.indirect.gather [hbm4b:s3+s16], $0x20, s5, s16, $0xb8;
	[tilespmem:$0xC800] =	vst v63  }
0x62: {  	_ =	swait.ge [sflag:s24], $0x1900  }
0x63: {  	[sflag:s24] =	ssyncset.done $0x0  }
0x64: {  	s5 =	sadd.s32 $0xC80, s2;
	[sflag:s24] =	ssyncadd.s32 $0xFFFFE700  }
0x65: {  	[hbm4b:s5+s20] =	stream.strided.scatter [tilespmem:s18], [sflag:$0x6], $0x1900, s21, s20, $0x38;
	[tilespmem:$0xC800] =	vst v63  }
0x66: {  	_ =	swait.ge [sflag:s25], $0x1900  }
0x67: {  	[sflag:s25] =	ssyncset.done $0x0  }
0x68: {  	s5 =	sadd.s32 $0x578, s4;
	[sflag:s25] =	ssyncadd.s32 $0xFFFFE700  }
0x69: {  	[tilespmem:s26], [sflag:$0x4] =	stream.indirect.gather [hbm4b:s3+s16], $0x20, s5, s16, $0xb8;
	[tilespmem:$0xC800] =	vst v63  }
0x6a: {  	_ =	swait.ge [sflag:s28], $0x1900  }
0x6b: {  	[sflag:s28] =	ssyncset.done $0x0  }
0x6c: {  	s5 =	sadd.s32 $0x1900, s2;
	[sflag:s28] =	ssyncadd.s32 $0xFFFFE700  }
0x6d: {  	[hbm4b:s5+s20] =	stream.strided.scatter [tilespmem:s23], [sflag:$0x7], $0x1900, s21, s20, $0x38;
	[tilespmem:$0xC800] =	vst v63  }
0x6e: {  	_ =	swait.ge [sflag:s29], $0x1900  }
0x6f: {  	[sflag:s29] =	ssyncset.done $0x0  }
0x70: {  	s5 =	sadd.s32 $0x640, s4;
	[sflag:s29] =	ssyncadd.s32 $0xFFFFE700  }
0x71: {  	[tilespmem:s17], [sflag:$0x1] =	stream.indirect.gather [hbm4b:s3+s16], $0x20, s5, s16, $0xb8;
	[tilespmem:$0xC800] =	vst v63  }
0x72: {  	_ =	swait.ge [sflag:s31], $0x1900  }
0x73: {  	[sflag:s31] =	ssyncset.done $0x0  }
.Ltmp0:
0x74: {  	s5 =	sadd.s32 $0x2580, s2;
	[sflag:s31] =	ssyncadd.s32 $0xFFFFE700;
	(pc) =	sbr.rel @p0 .LBB2_2-.Ltmp0, $4  }
0x75: {  	[hbm4b:s5+s20] =	stream.strided.scatter [tilespmem:s26], [sflag:$0x8], $0x1900, s21, s20, $0x38;
	[tilespmem:$0xC800] =	vst v63  }
0x76: {  	_ =	swait.ge [sflag:s1], $0x1900  }
0x77: {  	[sflag:s1] =	ssyncset.done $0x0  }
0x78: {  	s4 =	sadd.s32 $0x708, s4;
	s2 =	sadd.s32 $0x3200, s2;
	[sflag:s1] =	ssyncadd.s32 $0xFFFFE700  }
0x79: {  	[tilespmem:s18], [sflag:$0x2] =	stream.indirect.gather [hbm4b:s3+s16], $0x20, s4, s16, $0xb8;
	[tilespmem:$0xC800] =	vst v63  }
0x7a: {  	_ =	swait.ge [sflag:s19], $0x1900  }
0x7b: {  	[sflag:s19] =	ssyncset.done $0x0  }
0x7c: {  	[sflag:s19] =	ssyncadd.s32 $0xFFFFE700  }
0x7d: {  	[hbm4b:s9+s20] =	stream.strided.scatter [tilespmem:s17], [sflag:$0x5], $0x1900, s21, s20, $0x38;
	[tilespmem:$0xC800] =	vst v63  }
0x7e: {  	_ =	swait.ge [sflag:s22], $0x1900  }
0x7f: {  	[sflag:s22] =	ssyncset.done $0x0  }
0x80: {  	s0 =	simm.s32 $0x6270;
	[sflag:s22] =	ssyncadd.s32 $0xFFFFE700  }
0x81: {  	[tilespmem:s23], [sflag:$0x3] =	stream.indirect.gather [hbm4b:s3+s16], $0x20, s0, s16, $0xb8;
	[tilespmem:$0xC800] =	vst v63  }
0x82: {  	_ =	swait.ge [sflag:s24], $0x1900  }
0x83: {  	[sflag:s24] =	ssyncset.done $0x0  }
0x84: {  	[sflag:s24] =	ssyncadd.s32 $0xFFFFE700  }
0x85: {  	[hbm4b:s10+s20] =	stream.strided.scatter [tilespmem:s18], [sflag:$0x6], $0x1900, s21, s20, $0x38;
	[tilespmem:$0xC800] =	vst v63  }
0x86: {  	_ =	swait.ge [sflag:s25], $0x1900  }
0x87: {  	[sflag:s25] =	ssyncset.done $0x0  }
0x88: {  	s5 =	simm.s32 $0x6338;
	[sflag:s25] =	ssyncadd.s32 $0xFFFFE700  }
0x89: {  	[tilespmem:s26], [sflag:$0x4] =	stream.indirect.gather [hbm4b:s3+s16], $0x20, s5, s16, $0xb8;
	[tilespmem:$0xC800] =	vst v63  }
0x8a: {  	_ =	swait.ge [sflag:s28], $0x1900  }
0x8b: {  	[sflag:s28] =	ssyncset.done $0x0  }
0x8c: {  	[sflag:s28] =	ssyncadd.s32 $0xFFFFE700  }
0x8d: {  	[hbm4b:s11+s20] =	stream.strided.scatter [tilespmem:s23], [sflag:$0x7], $0x1900, s21, s20, $0x38;
	[tilespmem:$0xC800] =	vst v63  }
0x8e: {  	_ =	swait.ge [sflag:s31], $0x1900  }
0x8f: {  	[sflag:s31] =	ssyncset.done $0x0  }
0x90: {  	[sflag:s31] =	ssyncadd.s32 $0xFFFFE700  }
0x91: {  	[hbm4b:s12+s20] =	stream.strided.scatter [tilespmem:s26], [sflag:$0x8], $0x1900, s21, s20, $0x38;
	[tilespmem:$0xC800] =	vst v63  }
0x92: {  	_ =	swait.ge [sflag:s29], $0x1900  }
0x93: {  	[sflag:s29] =	ssyncset.done $0x0  }
0x94: {  	[sflag:s29] =	ssyncadd.s32 $0xFFFFE700  }
0x95: {  	_ =	swait.ge [sflag:s1], $0x1900  }
0x96: {  	[sflag:s1] =	ssyncset.done $0x0  }
0x97: {  	s30 =	sadd.s32 $0x1, s30;
	[sflag:s1] =	ssyncadd.s32 $0xFFFFE700  }
0x98: {  	p0 =	sne.s32 s30, s13;
	_ =	swait.ge [sflag:s22], $0x1900  }
.Ltmp1:
0x99: {  	[sflag:s22] =	ssyncset.done $0x0;
	(pc) =	sbr.rel @p0 .LBB2_1-.Ltmp1, $4  }
0x9a: {  	[sflag:s22] =	ssyncadd.s32 $0xFFFFE700  }
0x9b: {  	_ =	swait.ge [sflag:s25], $0x1900  }
0x9c: {  	[sflag:s25] =	ssyncset.done $0x0  }
0x9d: {  	[sflag:s25] =	ssyncadd.s32 $0xFFFFE700  }
0x9e: {  	_ =	sfence.sel $0x180000  }
0x9f: {  	[bflag:$0x0] =	sbarrier.arrive $0xFFFF  }
0xa0: {  	_ =	strace $0x9000004A  }
0xa1: {  	s0 =	stileid.u32;
	[bflag:$0x2] =	sbarrier.arrive $0xFFFF  }
0xa2: {  	p0 =	sne.s32 s0, $0x0;
	s0 =	rddreg [dreg:$0x3]  }
0xa3: {  	s0 =	sadd.s32 @!p0 $0x100000, s0  }
0xa4: {  	[sflag:s0] =	ssyncadd.tile.s32 @!p0 $0x1;
	_ =	shalt  }
.Lfunc_end2:
_tile_overlayer_lowered:
.L_overlay_start_2:
0xa5: {  	(tag) =	ssettag $0x2  }
0xa6: {  	s0 =	rddreg [dreg:$0x0];
	s2 =	stileid.u32  }
0xa7: {  	s1 =	rddreg [dreg:$0x1];
	p0 =	sne.s32 s2, $0x0  }
0xa8: {  	s3 =	rddreg [dreg:$0x2];
	[bflag:$0x3] =	sbarrier.arrive $0xFFFF;
	s2 =	simm.s32 @!p0 $0x1C09  }
0xa9: {  	[timem:s3], [sflag:s2] =	dma.local @!p0 [hbm:s0], s1  }
0xaa: {  	s0 =	simm.s32 @!p0 $0x9  }
0xab: {  	_ =	swait.ge @!p0 [sflag:s0], s1  }
0xac: {  	s1 =	ssub.s32 @!p0 $0x0, s1;
	[sflag:s0] =	ssyncset.done @!p0 $0x0  }
0xad: {  	[sflag:s0] =	ssyncadd.s32 @!p0 s1  }
0xae: {  	[bflag:$0x3] =	sbarrier.arrive $0xFFFF  }
0xaf: {  	_ =	shalt  }

// kernel: _run.7.cloned.1.call-start
scs
__scs_entry_jumppad:
0x0: {  	(pc) =	sbr.rel $0x88, $3  }
0x1: {  	(tag) =	ssettag $0x0;
	lr =	simm.s32 $0x1  }
0x2: {  	[smem:$0x3F9D] =	sst lr;
	_ =	strace $0xD0000000  }
0x3: {  	_ = 	snop  }
0x4: {  	_ = 	snop  }
0x5: {  	_ = 	snop  }
0x6: {  	_ = 	snop  }
0x7: {  	_ = 	snop  }
__scs_overlays_trampoline_lowered:
0x8: {  	[smem:$0x3FAC] =	sst s0  }
0x9: {  	[smem:$0x3FAD] =	sst s1  }
0xa: {  	[smem:$0x3FAE] =	sst s2  }
0xb: {  	[smem:$0x3FAF] =	sst s3  }
0xc: {  	[smem:$0x3FB0] =	sst s4  }
0xd: {  	[smem:$0x3FB1] =	sst s5  }
0xe: {  	[smem:$0x3FB2] =	sst s6  }
0xf: {  	[smem:$0x3FB3] =	sst s7  }
0x10: {  	[smem:$0x3FB4] =	sst s8  }
0x11: {  	[smem:$0x3FB5] =	sst s9;
	s0 =	simm.s32 @!p0 $0x0  }
0x12: {  	s1 =	sld [smem:$0x3F9B];
	s0 =	simm.s32 @p0 $0x1  }
0x13: {  	[smem:$0x3FB6] =	sst s0;
	s0 =	simm.s32 @!p1 $0x0  }
0x14: {  	s2 =	sld [smem:$0x3F9A];
	s0 =	simm.s32 @p1 $0x1  }
0x15: {  	[smem:$0x3FB7] =	sst s0;
	s0 =	simm.s32 @!p2 $0x0  }
0x16: {  	s3 =	sld [smem:$0x3FDB];
	s0 =	simm.s32 @p2 $0x1  }
0x17: {  	s4 =	simm.s32 $0x1BF5;
	[smem:$0x3FB9] =	sst s0  }
0x18: {  	s0 =	sld [smem:$0x3F9C];
	_ =	swait.ge [sflag:s4], $0x0  }
0x19: {  	s7 =	sld [smem:$0x3F9D]  }
0x1a: {  	s8 =	sadd.s32 $0xFFFFE003, lr  }
0x1b: {  	s9 =	sadd.s32 $0xFFFFFEF7, lr;
	s5 =	simm.s32 $0xFFFFFFFF;
	p2 =	slt.u32 s8, $0xFFFFF086  }
0x1c: {  	p1 =	slt.u32 s9, $0xF7A;
	s5 =	simm.s32 @!p2 $0x0  }
0x1d: {  	s5 =	simm.s32 @p1 $0x1;
	p0 =	seq.s32 s7, s2  }
0x1e: {  	s7 =	smul.u32 @!p0 $0xF7A, s2;
	p2 =	seq.s32 @!p0 s5, $0x0  }
0x1f: {  	s9 =	smul.u32 $0xF7A, s1;
	s8 =	simm.s32 @!p0 $0x1BF5;
	p2 =	por !p2, p0  }
0x20: {  	[sflag:s8] =	ssyncset.s32 @!p0 $0xFFFFF086;
	s6 =	sadd.s32 @!p0 s3, s7;
	s7 =	simm.s32 @!p0 $0x108  }
0x21: {  	s3 =	sadd.s32 s3, s9;
	s6 =	sadd.s32 @!p0 $0x88, s6;
	s7 =	simm.s32 @p2 $0x1082  }
0x22: {  	[simem:s7], [sflag:s8] =	dma.local @!p0 [hbm:s6], $0xF7A  }
0x23: {  	s9 =	sor.u32 $0xD0000000, s2;
	s6 =	simm.s32 $0x108;
	_ =	swait.ge @!p0 [sflag:s8], $0x0  }
0x24: {  	s3 =	sadd.s32 $0x88, s3;
	s6 =	simm.s32 @!p1 $0x1082;
	[sflag:s4] =	ssyncset.s32 $0xFFFFF086  }
0x25: {  	[simem:s6], [sflag:s4] =	dma.local [hbm:s3], $0xF7A  }
0x26: {  	[smem:$0x3F9D] =	sst s1;
	(tag) =	ssettag s2;
	_ =	strace s9  }
0x27: {  	s1 =	sld [smem:$0x3FAD]  }
0x28: {  	s2 =	sld [smem:$0x3FAE]  }
0x29: {  	s4 =	sld [smem:$0x3FB0]  }
0x2a: {  	p0 =	seq.s32 s5, $0x0;
	s5 =	sld [smem:$0x3FB1]  }
0x2b: {  	s6 =	sld [smem:$0x3FB2]  }
0x2c: {  	s7 =	sld [smem:$0x3FB3]  }
0x2d: {  	s3 =	simm.s32 $0x108;
	s8 =	sld [smem:$0x3FB4]  }
0x2e: {  	s3 =	simm.s32 @!p0 $0x1082;
	s9 =	sld [smem:$0x3FB5]  }
0x2f: {  	lr =	sadd.s32 s0, s3;
	s0 =	sld [smem:$0x3FAC]  }
0x30: {  	s3 =	sld [smem:$0x3FAF]  }
0x31: {  	[smem:$0x3FB8] =	sst s10  }
0x32: {  	s10 =	sld [smem:$0x3FB6];
	_ =	sdelay $0x3  }
0x33: {  	p0 =	seq.s32 s10, $0x1;
	s10 =	sld [smem:$0x3FB8];
	_ =	sdelay $0x3  }
0x34: {  	[smem:$0x3FB8] =	sst s10  }
0x35: {  	s10 =	sld [smem:$0x3FB7];
	_ =	sdelay $0x3  }
0x36: {  	p1 =	seq.s32 s10, $0x1;
	s10 =	sld [smem:$0x3FB8];
	_ =	sdelay $0x3  }
0x37: {  	[smem:$0x3FB8] =	sst s10  }
0x38: {  	s10 =	sld [smem:$0x3FB9]  }
0x39: {  	_ = 	snop;
	(pc) =	sbr.ind lr, $3  }
0x3a: {  	_ = 	snop  }
0x3b: {  	_ = 	snop  }
0x3c: {  	p2 =	seq.s32 s10, $0x1;
	s10 =	sld [smem:$0x3FB8]  }
0x3d: {  	_ =	shalt  }
0x3e: {  	_ =	shalt  }
0x3f: {  	_ =	shalt  }
0x40: {  	_ =	shalt  }
0x41: {  	_ =	shalt  }
0x42: {  	_ =	shalt  }
0x43: {  	_ =	shalt  }
0x44: {  	_ =	shalt  }
0x45: {  	_ =	shalt  }
0x46: {  	_ =	shalt  }
0x47: {  	_ =	shalt  }
0x48: {  	_ =	shalt  }
0x49: {  	_ =	shalt  }
0x4a: {  	_ =	shalt  }
0x4b: {  	_ =	shalt  }
0x4c: {  	_ =	shalt  }
0x4d: {  	_ =	shalt  }
0x4e: {  	_ =	shalt  }
0x4f: {  	_ =	shalt  }
0x50: {  	_ =	shalt  }
0x51: {  	_ =	shalt  }
0x52: {  	_ =	shalt  }
0x53: {  	_ =	shalt  }
0x54: {  	_ =	shalt  }
0x55: {  	_ =	shalt  }
0x56: {  	_ =	shalt  }
0x57: {  	_ =	shalt  }
0x58: {  	_ =	shalt  }
0x59: {  	_ =	shalt  }
0x5a: {  	_ =	shalt  }
0x5b: {  	_ =	shalt  }
0x5c: {  	_ =	shalt  }
0x5d: {  	_ =	shalt  }
0x5e: {  	_ =	shalt  }
0x5f: {  	_ =	shalt  }
0x60: {  	_ =	shalt  }
0x61: {  	_ =	shalt  }
0x62: {  	_ =	shalt  }
0x63: {  	_ =	shalt  }
0x64: {  	_ =	shalt  }
0x65: {  	_ =	shalt  }
0x66: {  	_ =	shalt  }
0x67: {  	_ =	shalt  }
0x68: {  	_ =	shalt  }
0x69: {  	_ =	shalt  }
0x6a: {  	_ =	shalt  }
0x6b: {  	_ =	shalt  }
0x6c: {  	_ =	shalt  }
0x6d: {  	_ =	shalt  }
0x6e: {  	_ =	shalt  }
0x6f: {  	_ =	shalt  }
0x70: {  	_ =	shalt  }
0x71: {  	_ =	shalt  }
0x72: {  	_ =	shalt  }
0x73: {  	_ =	shalt  }
0x74: {  	_ =	shalt  }
0x75: {  	_ =	shalt  }
0x76: {  	_ =	shalt  }
0x77: {  	_ =	shalt  }
0x78: {  	_ =	shalt  }
0x79: {  	_ =	shalt  }
0x7a: {  	_ =	shalt  }
0x7b: {  	_ =	shalt  }
0x7c: {  	_ =	shalt  }
0x7d: {  	_ =	shalt  }
0x7e: {  	_ =	shalt  }
0x7f: {  	_ =	shalt  }
0x80: {  	_ =	shalt  }
0x81: {  	_ =	shalt  }
0x82: {  	_ =	shalt  }
0x83: {  	_ =	shalt  }
0x84: {  	_ =	shalt  }
0x85: {  	_ =	shalt  }
0x86: {  	_ =	shalt  }
0x87: {  	_ =	shalt  }
.Lfunc_end0:
.L_simem_size_0:
called_computation.2_lowered:
.L_overlay_start_0:
0x88: {  	s2 =	sld [smem:$0x3FD9]  }
0x89: {  	s3 =	sld [smem:$0x3FFE];
	_ =	sdelay $0x1  }
0x8a: {  	s1 =	srdreg.scid  }
0x8b: {  	s0 =	sand.u32 $0x1, s1  }
0x8c: {  	s17 =	sshll.u32 s0, $0xA;
	s2 =	sadd.s32 s3, s2  }
0x8d: {  	s2 =	sadd.s32 s2, s17  }
0x8e: {  	[smem:$0x3FC4] =	sst s2  }
0x8f: {  	_ = 	snop  }
0x90: {  	s2 =	sld [smem:$0x3FC9]  }
0x91: {  	s18 =	sld [smem:$0x3FD0];
	(tm) =	ssettm $0x1  }
0x92: {  	s4 =	sld [smem:$0x3FFB];
	_ =	sdelay $0x3  }
0x93: {  	_ =	strace s4  }
0x94: {  	s4 =	sld [smem:$0x3FFC];
	_ =	sdelay $0x3  }
0x95: {  	_ =	strace s4  }
0x96: {  	s4 =	sld [smem:$0x3FFD];
	_ =	sdelay $0x3  }
0x97: {  	_ =	strace s4  }
0x98: {  	_ =	strace $0x8FFFFFFF  }
0x99: {  	s19 =	sld [smem:$0x3FDB];
	_ =	sdelay $0x1  }
0x9a: {  	s5 =	simm.s32 $_scs_section_size  }
0x9b: {  	s6 =	simm.s32 $_size__tile_overlayer_lowered;
	s7 =	simm.s32 $_tile_overlayer_lowered  }
0x9c: {  	s22 =	simm.s32 $0x1BFF;
	s21 =	sshll.u32 s7, $0x1;
	s4 =	sadd.s32 s5, s19  }
0x9d: {  	s8 =	simm.s32 $0x0;
	s20 =	sshll.u32 s6, $0x1;
	s6 =	sadd.s32 s21, s4  }
0x9e: {  	[timem:s8], [sflag:s22] =	dma.local [hbm:s6], s20  }
0x9f: {  	_ =	swait.ge [sflag:s22], s20  }
0xa0: {  	s5 =	ssub.s32 $0x0, s20;
	[sflag:s22] =	ssyncset.done $0x0  }
0xa1: {  	[sflag:s22] =	ssyncadd.s32 s5;
	_ =	sdelay $0x1  }
0xa2: {  	s23 =	simm.s32 $0x1B8B  }
0xa3: {  	_ =	swait.ge [sflag:s23], $0x1  }
0xa4: {  	[sflag:s23] =	ssyncset.done $0x0  }
0xa5: {  	s25 =	simm.s32 $0x1B8E;
	s24 =	sld [smem:$0x3FFE];
	[sflag:s23] =	ssyncadd.s32 $0xFFFFFFFF  }
0xa6: {  	s26 =	simm.s32 $execute0_lowered;
	[smem:$0x3FD2] =	sst s25  }
0xa7: {  	s6 =	sshll.u32 s26, $0x1;
	_ =	strace $0x8000004C;
	[dreg:$0x1] =	wrdreg $0xFFFFFFFF  }
0xa8: {  	s28 =	simm.s32 $_size_execute0_lowered;
	s4 =	sadd.s32 s4, s6;
	[dreg:$0x0] =	wrdreg $0x0  }
0xa9: {  	s6 =	sshll.u32 s28, $0x1;
	[dreg:$0x2] =	wrdreg s4  }
0xaa: {  	[dreg:$0x3] =	wrdreg s6  }
0xab: {  	[dreg:$0x4] =	wrdreg $0xC0  }
0xac: {  	_ =	task [dreg:s8], $0x5FFFF  }
0xad: {  	[dreg:$0x1] =	wrdreg $0xFFFFFFFF  }
0xae: {  	[dreg:$0x0] =	wrdreg $0x60  }
0xaf: {  	[dreg:$0x2] =	wrdreg s2  }
0xb0: {  	[dreg:$0x3] =	wrdreg s24  }
0xb1: {  	[dreg:$0x4] =	wrdreg s18  }
0xb2: {  	[dreg:$0x5] =	wrdreg $0x9  }
0xb3: {  	_ =	task.clear_ibuf [dreg:s8], $0x6FFFF;
	_ =	strace $0x9000004C  }
0xb4: {  	s29 =	simm.s32 $0x9;
	_ =	strace $0x8000004E  }
0xb5: {  	_ =	swait.ge [sflag:s29], $0x1  }
0xb6: {  	[sflag:s29] =	ssyncadd.s32 $0xFFFFFFFF  }
0xb7: {  	_ =	strace $0x9000004E  }
0xb8: {  	_ =	sfence  }
0xb9: {  	s30 =	sld [smem:$0x0];
	_ =	sdelay $0x2  }
0xba: {  	s31 =	sshll.u32 s1, $0xD;
	s1 =	sshrl.u32 s1, $0x2  }
0xbb: {  	s3 =	sand.u32 $0x4000, s31;
	s1 =	sadd.s32 s1, s30  }
0xbc: {  	s0 =	sor.u32 s3, s0;
	s1 =	sshll.u32 s1, $0x11  }
0xbd: {  	s0 =	sor.u32 s1, s0  }
0xbe: {  	s0 =	sadd.s32 $0x8F2B, s0  }
0xbf: {  	[sflag:s0] =	ssyncadd.remote.s32 $0x1  }
0xc0: {  	_ =	sfence.sel $0xFFFF  }
0xc1: {  	[dreg:$0x0] =	wrdreg $0xFFFFFFFF;
	(pc) =	sbr.abs _section_cstart, $3  }
0xc2: {  	[dreg:$0x1] =	wrdreg $0xFFFFFFFF  }
0xc3: {  	_ =	task.clear_ibuf [dreg:s8], $0x2FFFF;
	_ =	strace $0x9FFFFFFF  }
0xc4: {  	(tm) =	ssettm $0x7FFFFFFF  }
0xc5: {  	_ =	shalt  }
tec
execute0_lowered:
.L_overlay_start_1:
0x0: {  	(tag) =	ssettag $0x1  }
0x1: {  	s0 =	rddreg [dreg:$0x0]  }
0x2: {  	s1 =	srdreg.scid;
	s2 =	rddreg [dreg:$0x1]  }
0x3: {  	s10 =	stileid.u32;
	s5 =	rddreg [dreg:$0x2];
	s4 =	simm.s32 $0x0  }
0x4: {  	s15 =	simm.s32 $0x9;
	s16 =	simm.s32 $0xC8;
	s17 =	simm.s32 $0x6400  }
0x5: {  	s18 =	simm.s32 $0x7D00;
	s19 =	simm.s32 $0x1;
	s20 =	simm.s32 $0x20  }
0x6: {  	s21 =	simm.s32 $0x80;
	s28 =	simm.s32 $0x3;
	s29 =	simm.s32 $0x5  }
0x7: {  	s1 =	sand.u32 $0x1, s1;
	s3 =	sshll.u32 s10, $0x1;
	s12 =	smul.u32 $0xC8000, s10  }
0x8: {  	s3 =	sor.u32 s1, s3;
	s23 =	ssub.s32 $0x2, s1;
	s1 =	smul.u32 $0x64000, s1  }
0x9: {  	s31 =	simm.s32 $0x4;
	[smem:$0x7FF] =	sst s4;
	s6 =	smul.u32 $0xC80, s3  }
0xa: {  	s22 =	simm.s32 $0x8;
	_ =	strace $0x8000004D;
	s7 =	smul.u32 $0x64000, s3  }
0xb: {  	s8 =	sshrl.u32 s23, $0x1;
	s9 =	smul.u32 $0x320000, s3;
	s3 =	sadd.s32 $0xF44200, s2  }
0xc: {  	s2 =	simm.s32 $0x7;
	s24 =	ssub.s32 s23, s8;
	s23 =	simm.s32 $0x9600  }
0xd: {  	s4 =	sadd.s32 s5, s7;
	s0 =	sadd.s32 s0, s6;
	s26 =	sshrl.u32 s9, $0x3  }
0xe: {  	s13 =	smax.u32 s24, $0x1;
	s24 =	simm.s32 $0x2;
	[dreg:$0x4] =	wrdreg s0  }
0xf: {  	s25 =	sadd.s32 $0xC80, s4;
	s7 =	sadd.s32 $0x1900, s4;
	s0 =	sadd.s32 s5, s26  }
0x10: {  	s8 =	sadd.s32 $0x2580, s4;
	s5 =	sadd.s32 s12, s5;
	s26 =	simm.s32 $0xAF00  }
0x11: {  	[dreg:$0x5] =	wrdreg s25;
	s9 =	sadd.s32 $0x60E00, s0;
	s10 =	sadd.s32 $0x61A80, s0  }
0x12: {  	s11 =	sadd.s32 $0x62700, s0;
	s12 =	sadd.s32 $0x63380, s0;
	s30 =	sadd.s32 s1, s5  }
0x13: {  	s1 =	simm.s32 $0x6;
	s0 =	simm.s32 $0x0;
	s14 =	sadd.s32 $0x3200, s30  }
.LBB2_1:
0x14: {  	s5 =	simm.s32 $0x0;
	s6 =	rddreg [dreg:$0x4]  }
0x15: {  	[tilespmem:s5], [sflag:$0x9] =	stream.linear.gather [hbm4b:s6+s5], $0x6400, $0x38;
	[tilespmem:$0xC800] =	vst v63  }
0x16: {  	_ =	swait.ge [sflag:s15], $0x6400  }
0x17: {  	[sflag:s15] =	ssyncset.done $0x0  }
0x18: {  	s25 =	simm.s32 $0x0;
	s30 =	simm.s32 $0x40;
	[sflag:s15] =	ssyncadd.s32 $0xFFFF9C00  }
.LBB2_2:
0x19: {  	p0 =	sne.s32 s30, $0x18FC0;
	v0 =	vld [tilespmem:s25+$0x0];
	_ =	sdelay $0x1  }
.Ltmp0:
0x1a: {  	(pc) =	sbr.rel @p0 .LBB2_2-.Ltmp0, $3  }
0x1b: {  	_ =	sdelay $0x1  }
0x1c: {  	v0 =	vshll.u32 v0, $0x2  }
0x1d: {  	[tilespmem:s25+$0x0] =	vst v0;
	s25 =	sshra.s32 s30, $0x2;
	s30 =	sadd.s32 $0x40, s30  }
0x1e: {  	v0 =	vld [tilespmem:s25+$0x0];
	_ =	sdelay $0x4  }
0x1f: {  	v0 =	vshll.u32 v0, $0x2  }
0x20: {  	s5 =	simm.s32 $0x0;
	[tilespmem:s25+$0x0] =	vst v0  }
0x21: {  	[tilespmem:s17], [sflag:$0x1] =	stream.indirect.gather [hbm4b:s3+s16], $0x20, s5, s16, $0xb8;
	[tilespmem:$0xC800] =	vst v63  }
0x22: {  	_ = 	snop  }
0x23: {  	[tilespmem:s18], [sflag:$0x2] =	stream.indirect.gather [hbm4b:s3+s16], $0x20, s16, s16, $0xb8;
	[tilespmem:$0xC800] =	vst v63  }
0x24: {  	_ =	swait.ge [sflag:s19], $0x1900  }
0x25: {  	[sflag:s19] =	ssyncset.done $0x0  }
0x26: {  	[sflag:s19] =	ssyncadd.s32 $0xFFFFE700  }
0x27: {  	[hbm4b:s4+s20] =	stream.strided.scatter [tilespmem:s17], [sflag:$0x5], $0x1900, s21, s20, $0x38;
	[tilespmem:$0xC800] =	vst v63  }
0x28: {  	s25 =	simm.s32 $0x190  }
0x29: {  	[tilespmem:s23], [sflag:$0x3] =	stream.indirect.gather [hbm4b:s3+s16], $0x20, s25, s16, $0xb8;
	[tilespmem:$0xC800] =	vst v63  }
0x2a: {  	_ =	swait.ge [sflag:s24], $0x1900  }
0x2b: {  	[sflag:s24] =	ssyncset.done $0x0  }
0x2c: {  	s6 =	rddreg [dreg:$0x5];
	[sflag:s24] =	ssyncadd.s32 $0xFFFFE700  }
0x2d: {  	[hbm4b:s6+s20] =	stream.strided.scatter [tilespmem:s18], [sflag:$0x6], $0x1900, s21, s20, $0x38;
	[tilespmem:$0xC800] =	vst v63  }
0x2e: {  	s25 =	simm.s32 $0x258  }
0x2f: {  	[tilespmem:s26], [sflag:$0x4] =	stream.indirect.gather [hbm4b:s3+s16], $0x20, s25, s16, $0xb8;
	[tilespmem:$0xC800] =	vst v63  }
0x30: {  	_ =	swait.ge [sflag:s28], $0x1900  }
0x31: {  	[sflag:s28] =	ssyncset.done $0x0  }
0x32: {  	[sflag:s28] =	ssyncadd.s32 $0xFFFFE700  }
0x33: {  	[hbm4b:s7+s20] =	stream.strided.scatter [tilespmem:s23], [sflag:$0x7], $0x1900, s21, s20, $0x38;
	[tilespmem:$0xC800] =	vst v63  }
0x34: {  	_ =	swait.ge [sflag:s29], $0x1900  }
0x35: {  	[sflag:s29] =	ssyncset.done $0x0  }
0x36: {  	s6 =	simm.s32 $0x320;
	[sflag:s29] =	ssyncadd.s32 $0xFFFFE700  }
0x37: {  	[tilespmem:s17], [sflag:$0x1] =	stream.indirect.gather [hbm4b:s3+s16], $0x20, s6, s16, $0xb8;
	[tilespmem:$0xC800] =	vst v63  }
0x38: {  	_ =	swait.ge [sflag:s31], $0x1900  }
0x39: {  	[sflag:s31] =	ssyncset.done $0x0  }
0x3a: {  	[sflag:s31] =	ssyncadd.s32 $0xFFFFE700  }
0x3b: {  	[hbm4b:s8+s20] =	stream.strided.scatter [tilespmem:s26], [sflag:$0x8], $0x1900, s21, s20, $0x38;
	[tilespmem:$0xC800] =	vst v63  }
0x3c: {  	_ =	swait.ge [sflag:s1], $0x1900  }
0x3d: {  	[sflag:s1] =	ssyncset.done $0x0  }
0x3e: {  	s25 =	simm.s32 $0x3E8;
	[sflag:s1] =	ssyncadd.s32 $0xFFFFE700  }
0x3f: {  	[tilespmem:s18], [sflag:$0x2] =	stream.indirect.gather [hbm4b:s3+s16], $0x20, s25, s16, $0xb8;
	[tilespmem:$0xC800] =	vst v63  }
0x40: {  	_ =	swait.ge [sflag:s19], $0x1900  }
0x41: {  	[sflag:s19] =	ssyncset.done $0x0  }
0x42: {  	[sflag:s19] =	ssyncadd.s32 $0xFFFFE700  }
0x43: {  	[hbm4b:s14+s20] =	stream.strided.scatter [tilespmem:s17], [sflag:$0x5], $0x1900, s21, s20, $0x38;
	[tilespmem:$0xC800] =	vst v63  }
0x44: {  	_ =	swait.ge [sflag:s2], $0x1900  }
0x45: {  	[sflag:s2] =	ssyncset.done $0x0  }
0x46: {  	s6 =	simm.s32 $0x4B0;
	[sflag:s2] =	ssyncadd.s32 $0xFFFFE700  }
0x47: {  	[tilespmem:s23], [sflag:$0x3] =	stream.indirect.gather [hbm4b:s3+s16], $0x20, s6, s16, $0xb8;
	[tilespmem:$0xC800] =	vst v63  }
0x48: {  	_ =	swait.ge [sflag:s24], $0x1900  }
0x49: {  	[sflag:s24] =	ssyncset.done $0x0  }
0x4a: {  	s25 =	sadd.s32 $0xC80, s14;
	[sflag:s24] =	ssyncadd.s32 $0xFFFFE700  }
0x4b: {  	[hbm4b:s25+s20] =	stream.strided.scatter [tilespmem:s18], [sflag:$0x6], $0x1900, s21, s20, $0x38;
	[tilespmem:$0xC800] =	vst v63  }
0x4c: {  	_ =	swait.ge [sflag:s22], $0x1900  }
0x4d: {  	[sflag:s22] =	ssyncset.done $0x0  }
0x4e: {  	s6 =	simm.s32 $0x578;
	[sflag:s22] =	ssyncadd.s32 $0xFFFFE700  }
0x4f: {  	[tilespmem:s26], [sflag:$0x4] =	stream.indirect.gather [hbm4b:s3+s16], $0x20, s6, s16, $0xb8;
	[tilespmem:$0xC800] =	vst v63  }
0x50: {  	_ =	swait.ge [sflag:s28], $0x1900  }
0x51: {  	[sflag:s28] =	ssyncset.done $0x0  }
0x52: {  	s25 =	sadd.s32 $0x1900, s14;
	[sflag:s28] =	ssyncadd.s32 $0xFFFFE700  }
0x53: {  	[hbm4b:s25+s20] =	stream.strided.scatter [tilespmem:s23], [sflag:$0x7], $0x1900, s21, s20, $0x38;
	[tilespmem:$0xC800] =	vst v63  }
0x54: {  	_ =	swait.ge [sflag:s29], $0x1900  }
0x55: {  	[sflag:s29] =	ssyncset.done $0x0  }
0x56: {  	s6 =	simm.s32 $0x640;
	[sflag:s29] =	ssyncadd.s32 $0xFFFFE700  }
0x57: {  	[tilespmem:s17], [sflag:$0x1] =	stream.indirect.gather [hbm4b:s3+s16], $0x20, s6, s16, $0xb8;
	[tilespmem:$0xC800] =	vst v63  }
0x58: {  	_ =	swait.ge [sflag:s31], $0x1900  }
0x59: {  	[sflag:s31] =	ssyncset.done $0x0  }
0x5a: {  	s25 =	sadd.s32 $0x2580, s14;
	[sflag:s31] =	ssyncadd.s32 $0xFFFFE700  }
0x5b: {  	[hbm4b:s25+s20] =	stream.strided.scatter [tilespmem:s26], [sflag:$0x8], $0x1900, s21, s20, $0x38;
	[tilespmem:$0xC800] =	vst v63  }
0x5c: {  	_ =	swait.ge [sflag:s1], $0x1900  }
0x5d: {  	s30 =	sadd.s32 $0x3200, s14;
	[sflag:s1] =	ssyncset.done $0x0  }
0x5e: {  	s5 =	simm.s32 $0x708;
	s25 =	simm.s32 $0xC80;
	[sflag:s1] =	ssyncadd.s32 $0xFFFFE700  }
.LBB2_4:
0x5f: {  	[tilespmem:s18], [sflag:$0x2] =	stream.indirect.gather [hbm4b:s3+s16], $0x20, s5, s16, $0xb8;
	[tilespmem:$0xC800] =	vst v63  }
0x60: {  	s5 =	smov.u32 s25  }
0x61: {  	p0 =	sne.s32 s25, $0x16A80;
	s25 =	sadd.s32 $0xC80, s25;
	_ =	swait.ge [sflag:s19], $0x1900  }
0x62: {  	[sflag:s19] =	ssyncset.done $0x0  }
0x63: {  	[sflag:s19] =	ssyncadd.s32 $0xFFFFE700  }
0x64: {  	[hbm4b:s30+s20] =	stream.strided.scatter [tilespmem:s17], [sflag:$0x5], $0x1900, s21, s20, $0x38;
	[tilespmem:$0xC800] =	vst v63  }
0x65: {  	_ =	swait.ge [sflag:s2], $0x1900  }
0x66: {  	s5 =	sshra.s32 s5, $0x2;
	[sflag:s2] =	ssyncset.done $0x0  }
0x67: {  	s6 =	sadd.s32 $0x4B0, s5;
	[sflag:s2] =	ssyncadd.s32 $0xFFFFE700  }
0x68: {  	[tilespmem:s23], [sflag:$0x3] =	stream.indirect.gather [hbm4b:s3+s16], $0x20, s6, s16, $0xb8;
	[tilespmem:$0xC800] =	vst v63  }
0x69: {  	_ =	swait.ge [sflag:s24], $0x1900  }
0x6a: {  	[sflag:s24] =	ssyncset.done $0x0  }
0x6b: {  	s6 =	sadd.s32 $0xC80, s30;
	[sflag:s24] =	ssyncadd.s32 $0xFFFFE700  }
0x6c: {  	[hbm4b:s6+s20] =	stream.strided.scatter [tilespmem:s18], [sflag:$0x6], $0x1900, s21, s20, $0x38;
	[tilespmem:$0xC800] =	vst v63  }
0x6d: {  	_ =	swait.ge [sflag:s22], $0x1900  }
0x6e: {  	[sflag:s22] =	ssyncset.done $0x0  }
0x6f: {  	s6 =	sadd.s32 $0x578, s5;
	[sflag:s22] =	ssyncadd.s32 $0xFFFFE700  }
0x70: {  	[tilespmem:s26], [sflag:$0x4] =	stream.indirect.gather [hbm4b:s3+s16], $0x20, s6, s16, $0xb8;
	[tilespmem:$0xC800] =	vst v63  }
0x71: {  	_ =	swait.ge [sflag:s28], $0x1900  }
0x72: {  	[sflag:s28] =	ssyncset.done $0x0  }
0x73: {  	s6 =	sadd.s32 $0x1900, s30;
	[sflag:s28] =	ssyncadd.s32 $0xFFFFE700  }
0x74: {  	[hbm4b:s6+s20] =	stream.strided.scatter [tilespmem:s23], [sflag:$0x7], $0x1900, s21, s20, $0x38;
	[tilespmem:$0xC800] =	vst v63  }
0x75: {  	_ =	swait.ge [sflag:s29], $0x1900  }
0x76: {  	[sflag:s29] =	ssyncset.done $0x0  }
0x77: {  	s6 =	sadd.s32 $0x640, s5;
	[sflag:s29] =	ssyncadd.s32 $0xFFFFE700  }
0x78: {  	[tilespmem:s17], [sflag:$0x1] =	stream.indirect.gather [hbm4b:s3+s16], $0x20, s6, s16, $0xb8;
	[tilespmem:$0xC800] =	vst v63  }
0x79: {  	_ =	swait.ge [sflag:s31], $0x1900  }
0x7a: {  	[sflag:s31] =	ssyncset.done $0x0  }
.Ltmp1:
0x7b: {  	s6 =	sadd.s32 $0x2580, s30;
	[sflag:s31] =	ssyncadd.s32 $0xFFFFE700;
	(pc) =	sbr.rel @p0 .LBB2_4-.Ltmp1, $4  }
0x7c: {  	[hbm4b:s6+s20] =	stream.strided.scatter [tilespmem:s26], [sflag:$0x8], $0x1900, s21, s20, $0x38;
	[tilespmem:$0xC800] =	vst v63  }
0x7d: {  	_ =	swait.ge [sflag:s1], $0x1900  }
0x7e: {  	[sflag:s1] =	ssyncset.done $0x0  }
0x7f: {  	s5 =	sadd.s32 $0x708, s5;
	s30 =	sadd.s32 $0x3200, s30;
	[sflag:s1] =	ssyncadd.s32 $0xFFFFE700  }
0x80: {  	[tilespmem:s18], [sflag:$0x2] =	stream.indirect.gather [hbm4b:s3+s16], $0x20, s5, s16, $0xb8;
	[tilespmem:$0xC800] =	vst v63  }
0x81: {  	_ =	swait.ge [sflag:s19], $0x1900  }
0x82: {  	[sflag:s19] =	ssyncset.done $0x0  }
0x83: {  	[sflag:s19] =	ssyncadd.s32 $0xFFFFE700  }
0x84: {  	[hbm4b:s9+s20] =	stream.strided.scatter [tilespmem:s17], [sflag:$0x5], $0x1900, s21, s20, $0x38;
	[tilespmem:$0xC800] =	vst v63  }
0x85: {  	_ =	swait.ge [sflag:s2], $0x1900  }
0x86: {  	[sflag:s2] =	ssyncset.done $0x0  }
0x87: {  	s25 =	simm.s32 $0x6270;
	[sflag:s2] =	ssyncadd.s32 $0xFFFFE700  }
0x88: {  	[tilespmem:s23], [sflag:$0x3] =	stream.indirect.gather [hbm4b:s3+s16], $0x20, s25, s16, $0xb8;
	[tilespmem:$0xC800] =	vst v63  }
0x89: {  	_ =	swait.ge [sflag:s24], $0x1900  }
0x8a: {  	[sflag:s24] =	ssyncset.done $0x0  }
0x8b: {  	[sflag:s24] =	ssyncadd.s32 $0xFFFFE700  }
0x8c: {  	[hbm4b:s10+s20] =	stream.strided.scatter [tilespmem:s18], [sflag:$0x6], $0x1900, s21, s20, $0x38;
	[tilespmem:$0xC800] =	vst v63  }
0x8d: {  	_ =	swait.ge [sflag:s22], $0x1900  }
0x8e: {  	[sflag:s22] =	ssyncset.done $0x0  }
0x8f: {  	s30 =	simm.s32 $0x6338;
	[sflag:s22] =	ssyncadd.s32 $0xFFFFE700  }
0x90: {  	[tilespmem:s26], [sflag:$0x4] =	stream.indirect.gather [hbm4b:s3+s16], $0x20, s30, s16, $0xb8;
	[tilespmem:$0xC800] =	vst v63  }
0x91: {  	_ =	swait.ge [sflag:s28], $0x1900  }
0x92: {  	[sflag:s28] =	ssyncset.done $0x0  }
0x93: {  	[sflag:s28] =	ssyncadd.s32 $0xFFFFE700  }
0x94: {  	[hbm4b:s11+s20] =	stream.strided.scatter [tilespmem:s23], [sflag:$0x7], $0x1900, s21, s20, $0x38;
	[tilespmem:$0xC800] =	vst v63  }
0x95: {  	_ =	swait.ge [sflag:s31], $0x1900  }
0x96: {  	[sflag:s31] =	ssyncset.done $0x0  }
0x97: {  	[sflag:s31] =	ssyncadd.s32 $0xFFFFE700  }
0x98: {  	[hbm4b:s12+s20] =	stream.strided.scatter [tilespmem:s26], [sflag:$0x8], $0x1900, s21, s20, $0x38;
	[tilespmem:$0xC800] =	vst v63  }
0x99: {  	_ =	swait.ge [sflag:s29], $0x1900  }
0x9a: {  	[sflag:s29] =	ssyncset.done $0x0  }
0x9b: {  	[sflag:s29] =	ssyncadd.s32 $0xFFFFE700  }
0x9c: {  	_ =	swait.ge [sflag:s1], $0x1900  }
0x9d: {  	[sflag:s1] =	ssyncset.done $0x0  }
0x9e: {  	s0 =	sadd.s32 $0x1, s0;
	[sflag:s1] =	ssyncadd.s32 $0xFFFFE700  }
0x9f: {  	p0 =	sne.s32 s0, s13;
	_ =	swait.ge [sflag:s2], $0x1900  }
.Ltmp2:
0xa0: {  	[sflag:s2] =	ssyncset.done $0x0;
	(pc) =	sbr.rel @p0 .LBB2_1-.Ltmp2, $4  }
0xa1: {  	[sflag:s2] =	ssyncadd.s32 $0xFFFFE700  }
0xa2: {  	_ =	swait.ge [sflag:s22], $0x1900  }
0xa3: {  	[sflag:s22] =	ssyncset.done $0x0  }
0xa4: {  	[sflag:s22] =	ssyncadd.s32 $0xFFFFE700  }
0xa5: {  	_ =	sfence.sel $0x180000  }
0xa6: {  	[bflag:$0x0] =	sbarrier.arrive $0xFFFF  }
0xa7: {  	_ =	strace $0x9000004D  }
0xa8: {  	s0 =	stileid.u32;
	[bflag:$0x2] =	sbarrier.arrive $0xFFFF  }
0xa9: {  	p0 =	sne.s32 s0, $0x0;
	s0 =	rddreg [dreg:$0x3]  }
0xaa: {  	s0 =	sadd.s32 @!p0 $0x100000, s0  }
0xab: {  	[sflag:s0] =	ssyncadd.tile.s32 @!p0 $0x1;
	_ =	shalt  }
.Lfunc_end2:
_tile_overlayer_lowered:
.L_overlay_start_2:
0xac: {  	(tag) =	ssettag $0x2  }
0xad: {  	s0 =	rddreg [dreg:$0x0];
	s2 =	stileid.u32  }
0xae: {  	s1 =	rddreg [dreg:$0x1];
	p0 =	sne.s32 s2, $0x0  }
0xaf: {  	s3 =	rddreg [dreg:$0x2];
	[bflag:$0x3] =	sbarrier.arrive $0xFFFF;
	s2 =	simm.s32 @!p0 $0x1C09  }
0xb0: {  	[timem:s3], [sflag:s2] =	dma.local @!p0 [hbm:s0], s1  }
0xb1: {  	s0 =	simm.s32 @!p0 $0x9  }
0xb2: {  	_ =	swait.ge @!p0 [sflag:s0], s1  }
0xb3: {  	s1 =	ssub.s32 @!p0 $0x0, s1;
	[sflag:s0] =	ssyncset.done @!p0 $0x0  }
0xb4: {  	[sflag:s0] =	ssyncadd.s32 @!p0 s1  }
0xb5: {  	[bflag:$0x3] =	sbarrier.arrive $0xFFFF  }
0xb6: {  	_ =	shalt  }

// kernel: sparse-core-data-format-call.cloned.1.call-start
scs
called_computation_lowered:
.L_overlay_start_0:
0x0: {  	s2 =	sld [smem:$0x3FD9]  }
0x1: {  	s3 =	sld [smem:$0x3FFE];
	_ =	sdelay $0x1  }
0x2: {  	s1 =	srdreg.scid  }
0x3: {  	s0 =	sand.u32 $0x1, s1  }
0x4: {  	s18 =	sshll.u32 s0, $0xA;
	s2 =	sadd.s32 s3, s2  }
0x5: {  	s2 =	sadd.s32 s2, s18  }
0x6: {  	[smem:$0x3FC4] =	sst s2  }
0x7: {  	_ = 	snop  }
0x8: {  	s2 =	sld [smem:$0x3FC7];
	(tm) =	ssettm $0x1  }
0x9: {  	s19 =	sld [smem:$0x3FFB];
	_ =	sdelay $0x3  }
0xa: {  	_ =	strace s19  }
0xb: {  	s3 =	sld [smem:$0x3FFC];
	_ =	sdelay $0x3  }
0xc: {  	_ =	strace s3  }
0xd: {  	s3 =	sld [smem:$0x3FFD];
	_ =	sdelay $0x3  }
0xe: {  	_ =	strace s3  }
0xf: {  	_ =	strace $0x8FFFFFFF  }
0x10: {  	s20 =	sld [smem:$0x3FDB];
	_ =	sdelay $0x1  }
0x11: {  	s4 =	simm.s32 $_scs_section_size  }
0x12: {  	s5 =	simm.s32 $_size__tile_overlayer_lowered;
	s6 =	simm.s32 $_tile_overlayer_lowered  }
0x13: {  	s23 =	simm.s32 $0x1BFF;
	s22 =	sshll.u32 s6, $0x1;
	s3 =	sadd.s32 s4, s20  }
0x14: {  	s7 =	simm.s32 $0x0;
	s21 =	sshll.u32 s5, $0x1;
	s5 =	sadd.s32 s22, s3  }
0x15: {  	[timem:s7], [sflag:s23] =	dma.local [hbm:s5], s21  }
0x16: {  	_ =	swait.ge [sflag:s23], s21  }
0x17: {  	s4 =	ssub.s32 $0x0, s21;
	[sflag:s23] =	ssyncset.done $0x0  }
0x18: {  	[sflag:s23] =	ssyncadd.s32 s4;
	_ =	sdelay $0x1  }
0x19: {  	s24 =	simm.s32 $0x1B8B  }
0x1a: {  	_ =	swait.ge [sflag:s24], $0x1  }
0x1b: {  	[sflag:s24] =	ssyncset.done $0x0  }
0x1c: {  	s26 =	simm.s32 $0x1B8E;
	s25 =	sld [smem:$0x3FFE];
	[sflag:s24] =	ssyncadd.s32 $0xFFFFFFFF  }
0x1d: {  	s27 =	simm.s32 $execute0_lowered;
	[smem:$0x3FD2] =	sst s26  }
0x1e: {  	s5 =	sshll.u32 s27, $0x1;
	_ =	strace $0x80000046;
	[dreg:$0x1] =	wrdreg $0xFFFFFFFF  }
0x1f: {  	s28 =	simm.s32 $_size_execute0_lowered;
	s3 =	sadd.s32 s3, s5;
	[dreg:$0x0] =	wrdreg $0x0  }
0x20: {  	s5 =	sshll.u32 s28, $0x1;
	[dreg:$0x2] =	wrdreg s3  }
0x21: {  	[dreg:$0x3] =	wrdreg s5  }
0x22: {  	[dreg:$0x4] =	wrdreg $0xC0  }
0x23: {  	_ =	task [dreg:s7], $0x5FFFF  }
0x24: {  	[dreg:$0x1] =	wrdreg $0xFFFFFFFF  }
0x25: {  	[dreg:$0x0] =	wrdreg $0x60  }
0x26: {  	[dreg:$0x2] =	wrdreg s2  }
0x27: {  	[dreg:$0x3] =	wrdreg s25  }
0x28: {  	[dreg:$0x4] =	wrdreg $0x9  }
0x29: {  	_ =	task.clear_ibuf [dreg:s7], $0x5FFFF;
	_ =	strace $0x90000046  }
0x2a: {  	s29 =	simm.s32 $0x9;
	_ =	strace $0x80000048  }
0x2b: {  	_ =	swait.ge [sflag:s29], $0x1  }
0x2c: {  	[sflag:s29] =	ssyncadd.s32 $0xFFFFFFFF  }
0x2d: {  	_ =	strace $0x90000048  }
0x2e: {  	_ =	sfence  }
0x2f: {  	s30 =	sld [smem:$0x0];
	_ =	sdelay $0x2  }
0x30: {  	s31 =	sshll.u32 s1, $0xD;
	s1 =	sshrl.u32 s1, $0x2  }
0x31: {  	s3 =	sand.u32 $0x4000, s31;
	s1 =	sadd.s32 s1, s30  }
0x32: {  	s0 =	sor.u32 s3, s0;
	s1 =	sshll.u32 s1, $0x11  }
0x33: {  	s0 =	sor.u32 s1, s0  }
0x34: {  	s0 =	sadd.s32 $0x8F2B, s0  }
0x35: {  	[sflag:s0] =	ssyncadd.remote.s32 $0x1  }
0x36: {  	_ =	sfence.sel $0xFFFF  }
0x37: {  	[dreg:$0x0] =	wrdreg $0xFFFFFFFF;
	(pc) =	sbr.abs _section_cstart, $3  }
0x38: {  	[dreg:$0x1] =	wrdreg $0xFFFFFFFF  }
0x39: {  	_ =	task.clear_ibuf [dreg:s7], $0x2FFFF;
	_ =	strace $0x9FFFFFFF  }
0x3a: {  	(tm) =	ssettm $0x7FFFFFFF  }
0x3b: {  	_ =	shalt  }
tec
execute0_lowered:
.L_overlay_start_1:
0x0: {  	(tag) =	ssettag $0x1  }
0x1: {  	s0 =	srdreg.scid;
	s2 =	rddreg [dreg:$0x0]  }
0x2: {  	s5 =	rddreg [dreg:$0x1];
	s1 =	stileid.u32  }
0x3: {  	s4 =	simm.s32 $0x1;
	s6 =	simm.s32 $0x2;
	s15 =	simm.s32 $0x0  }
0x4: {  	p0 =	por $0x0, $0x0;
	s8 =	simm.s32 $0x80;
	s0 =	sshll.u32 s0, $0x4  }
0x5: {  	s14 =	simm.s32 $0x0;
	s9 =	simm.s32 $0x0;
	s3 =	sand.u32 $0x10, s0  }
.Ltmp0:
0x6: {  	s10 =	simm.s32 $0x0;
	s3 =	sor.u32 s1, s3;
	(pc) =	sbr.rel .LBB1_1-.Ltmp0, $4  }
0x7: {  	s0 =	rddreg [dreg:$0x2];
	_ =	strace $0x80000047;
	s3 =	sshll.u32 s3, $0x7  }
0x8: {  	s12 =	simm.s32 $0x0;
	[sflag:s4] =	ssyncpa.u1 $0x0;
	s7 =	ssub.s32 $0xF4200, s3  }
0x9: {  	s13 =	simm.s32 $0x0;
	[sflag:s6] =	ssyncpa.u1 $0x0;
	s6 =	sshrl.u32 s7, $0xC  }
0xa: {  	s5 =	sadd.s32 $0xE00, s5;
	s11 =	smov.u32 s3;
	s7 =	sadd.s32 $0x2, s6  }
.LBB1_5:
0xb: {  	p1 =	slt.u32 s13, $0x2  }
0xc: {  	s17 =	smov.u32 s15;
	p2 =	sgt.s32 @!p1 s15, $0xF41C0;
	s16 =	sshra.s32 @!p1 s15, $0x1F  }
0xd: {  	p3 =	sgt.s32 @!p1 s14, $0x60;
	s18 =	sshra.s32 @!p1 s14, $0x1F;
	p2 =	por !p2, p1  }
0xe: {  	s15 =	sand.u32 @!p1 s16, s15;
	p3 =	por !p3, p1;
	s16 =	smov.u32 s14  }
0xf: {  	s14 =	sand.u32 @!p1 s18, s14;
	s17 =	simm.s32 @p2 $0xF41C0;
	s16 =	simm.s32 @p3 $0x60  }
0x10: {  	s15 =	ssub.s32 @!p1 s17, s15;
	s14 =	ssub.s32 @!p1 s16, s14  }
0x11: {  	s18 =	smov.u32 s12;
	s16 =	sadd.s32 @!p1 $0xFFF0BE40, s15;
	s17 =	sadd.s32 @!p1 $0xFFFFFFA0, s14  }
0x12: {  	s15 =	ssub.s32 @!p1 $0xF4240, s15;
	p2 =	sgt.s32 @!p1 s16, $0x7F;
	p3 =	sgt.s32 @!p1 s17, $0x1F  }
0x13: {  	s14 =	ssub.s32 @!p1 $0x80, s14;
	p2 =	por !p2, p1;
	p3 =	por !p3, p1  }
0x14: {  	s16 =	sadd.s32 $0x1000, s11;
	s15 =	simm.s32 @!p2 $0x0;
	s14 =	simm.s32 @!p3 $0x0  }
0x15: {  	p2 =	sgt.s32 s16, $0xF423F;
	s14 =	smul.u32 @!p1 s14, s15;
	s15 =	sadd.s32 $0x20, s12  }
0x16: {  	s18 =	smov.u32 @p2 s15  }
0x17: {  	s16 =	smov.u32 @p2 s3;
	p2 =	sgt.s32 s18, $0x1F  }
0x18: {  	s18 =	simm.s32 @p2 $0x0;
	p2 =	sne.s32 s13, s7  }
.Ltmp1:
0x19: {  	p0 =	por !p0, !p0;
	s17 =	simm.s32 @!p1 $0x2;
	(pc) =	sbr.rel @!p2 .LBB1_6-.Ltmp1, $4  }
0x1a: {  	s15 =	smov.u32 s9;
	s9 =	smov.u32 s11;
	s14 =	sand.u32 @!p1 $0x3FFFFFFF, s14  }
0x1b: {  	s11 =	smov.u32 s16;
	_ =	swait.ge @!p1 [sflag:s17], s14;
	s19 =	ssub.s32 @!p1 $0x0, s14  }
0x1c: {  	s14 =	smov.u32 s10;
	s13 =	sadd.s32 $0x1, s13;
	[sflag:s17] =	ssyncset.done @!p1 $0x0  }
0x1d: {  	s10 =	smov.u32 s12;
	s12 =	smov.u32 s18;
	[sflag:s17] =	ssyncadd.s32 @!p1 s19  }
.LBB1_1:
0x1e: {  	p1 =	sgt.u32 s13, s6  }
0x1f: {  	s16 =	sshrl.u32 @!p1 s12, $0x3  }
0x20: {  	s17 =	sshll.u32 @!p1 s11, $0x3;
	s16 =	smul.u32 @!p1 $0x7A1400, s16  }
0x21: {  	s18 =	sshll.u32 @!p1 s12, $0x7;
	s17 =	sand.u32 @!p1 $0xFFFFFC00, s17  }
0x22: {  	s16 =	sadd.s32 @!p1 s16, s17;
	s17 =	sand.u32 @!p1 $0x380, s18  }
0x23: {  	s18 =	sand.u32 @!p1 $0x7F, s11;
	s16 =	sor.u32 @!p1 s17, s16  }
0x24: {  	s17 =	sor.u32 @!p1 s18, s16  }
0x25: {  	s18 =	smulhi.u32 @!p1 $0x218D6287, s17;
	_ =	sdelay $0x1  }
0x26: {  	s16 =	smulhi.u32 @!p1 $0x218D6287, s16;
	s18 =	sshrl.u32 @!p1 s18, $0x11  }
0x27: {  	s18 =	smul.u32 @!p1 $0xF4280, s18  }
0x28: {  	s19 =	sxor.u32 @!p1 $0xFFFFFFFF, s13;
	s16 =	sshrl.u32 @!p1 s16, $0x11  }
0x29: {  	s19 =	sshll.u32 @!p1 s19, $0xC;
	s16 =	sand.u32 @!p1 $0x1F, s16;
	s17 =	ssub.s32 @!p1 s17, s18  }
0x2a: {  	s16 =	smul.u32 @!p1 $0x1E850, s16;
	s18 =	sshrl.u32 @!p1 s17, $0x3;
	s17 =	sand.u32 @!p1 $0x7, s17  }
0x2b: {  	s19 =	sand.u32 @!p1 $0x1000, s19;
	s18 =	sadd.s32 @!p1 s2, s18;
	s17 =	sshll.u32 @!p1 s17, $0x12  }
0x2c: {  	s16 =	sadd.s32 @!p1 s16, s18;
	s17 =	sor.u32 @!p1 $0x400, s17;
	s18 =	simm.s32 @!p1 $0x7A1400  }
0x2d: {  	[tilespmem:s19], [sflag:$0x1] =	stream.strided.gather @!p1 [hbm4b:s16+s17], $0x1000, s18, s17, $0x38;
	[tilespmem:$0x4100] =	vst v63  }
0x2e: {  	p1 =	seq.s32 s13, $0x0  }
0x2f: {  	p2 =	sge.u32 @!p1 s13, s7  }
0x30: {  	p1 =	por p1, p2  }
.Ltmp2:
0x31: {  	_ = 	snop;
	(pc) =	sbr.rel @p1 .LBB1_5-.Ltmp2, $1  }
0x32: {  	_ =	sdelay $0x3  }
0x33: {  	s16 =	simm.s32 $0x1  }
0x34: {  	_ =	swait.ge [sflag:s4], $0x1000;
	s16 =	simm.s32 @!p0 $0x0  }
0x35: {  	[sflag:s4] =	ssyncset.done $0x0;
	s17 =	sshll.u32 s16, $0xC  }
0x36: {  	[sflag:s4] =	ssyncadd.s32 $0xFFFFF000;
	s17 =	sor.u32 $0x40, s17  }
0x37: {  	s16 =	smul.u32 $0x4200, s16;
	v0 =	vld [tilespmem:s17+$0x30]  }
0x38: {  	v1 =	vld [tilespmem:s17+$0xFFFFFFD0]  }
0x39: {  	s16 =	sshrl.u32 s16, $0x2;
	v5 =	vld [tilespmem:s17+$0xFFFFFFE0]  }
0x3a: {  	v6 =	vld [tilespmem:s17+$0xFFFFFFF0];
	s19 =	sor.u32 $0x2000, s16  }
0x3b: {  	s31 =	sand.u32 $0x1, s13;
	v4 =	vld [tilespmem:s17+$0x0];
	s18 =	sadd.s32 $0x0, s19  }
0x3c: {  	v3 =	vld [tilespmem:s17+$0x10];
	s16 =	smul.u32 $0x4200, s31;
	[tilespmem:s18+$0xE70 ss:$0x21] =	vst.msk $0xffff, v0  }
0x3d: {  	v2 =	vld [tilespmem:s17+$0x20];
	[tilespmem:s18+$0x210 ss:$0x21] =	vst.msk $0xffff, v1  }
0x3e: {  	s16 =	sshrl.u32 s16, $0x2;
	v1 =	vld [tilespmem:s17+$0xFFFFFFC0];
	[tilespmem:s18+$0x420 ss:$0x21] =	vst.msk $0xffff, v5;
	s17 =	sadd.s32 $0x80, s17  }
0x3f: {  	s20 =	simm.s32 $0x4;
	s21 =	simm.s32 $0x8;
	s16 =	sor.u32 $0x2000, s16;
	[tilespmem:s18+$0x630 ss:$0x21] =	vst.msk $0xffff, v6;
	v0 =	vld [tilespmem:s17+$0x30]  }
.LBB1_3:
0x40: {  	p1 =	sne.s32 s21, $0x7C;
	v5 =	vld [tilespmem:s17+$0xFFFFFFD0];
	[tilespmem:s18+$0x840 ss:$0x21] =	vst.msk $0xffff, v4  }
0x41: {  	v6 =	vld [tilespmem:s17+$0xFFFFFFE0];
	[tilespmem:s18+$0xA50 ss:$0x21] =	vst.msk $0xffff, v3  }
0x42: {  	s22 =	sshra.s32 s20, $0x2;
	s20 =	smov.u32 s21;
	v7 =	vld [tilespmem:s17+$0xFFFFFFF0];
	[tilespmem:s18+$0xC60 ss:$0x21] =	vst.msk $0xffff, v2  }
.Ltmp3:
0x43: {  	v4 =	vld [tilespmem:s17+$0x0];
	[tilespmem:s18+$0x0 ss:$0x21] =	vst.msk $0xffff, v1;
	s18 =	sadd.s32 s22, s19;
	(pc) =	sbr.rel @p1 .LBB1_3-.Ltmp3, $4  }
0x44: {  	v3 =	vld [tilespmem:s17+$0x10];
	[tilespmem:s18+$0xE70 ss:$0x21] =	vst.msk $0xffff, v0  }
0x45: {  	[tilespmem:s18+$0x210 ss:$0x21] =	vst.msk $0xffff, v5;
	v2 =	vld [tilespmem:s17+$0x20]  }
0x46: {  	v1 =	vld [tilespmem:s17+$0xFFFFFFC0];
	[tilespmem:s18+$0x420 ss:$0x21] =	vst.msk $0xffff, v6;
	s17 =	sadd.s32 $0x80, s17  }
0x47: {  	s21 =	sadd.s32 $0x4, s21;
	v0 =	vld [tilespmem:s17+$0x30];
	[tilespmem:s18+$0x630 ss:$0x21] =	vst.msk $0xffff, v7  }
0x48: {  	s21 =	sshll.u32 s9, $0x7;
	s22 =	sshll.u32 s10, $0x3;
	s20 =	sshra.s32 s20, $0x2  }
0x49: {  	p1 =	sgt.s32 s9, $0xF41C0;
	s30 =	sshra.s32 s9, $0x1F;
	s25 =	sshra.s32 s10, $0x1F  }
0x4a: {  	v5 =	vld [tilespmem:s17+$0xFFFFFFD0];
	s28 =	sshrl.u32 s10, $0x3;
	s23 =	sand.u32 $0xFFFFFC00, s21;
	s22 =	sand.u32 $0xFFFFFC00, s22  }
0x4b: {  	[tilespmem:s18+$0x840 ss:$0x21] =	vst.msk $0xffff, v4;
	v58 =	vld [tilespmem:s17+$0xFFFFFFE0];
	s21 =	sand.u32 $0x380, s21;
	s19 =	sadd.s32 s20, s19;
	s22 =	sadd.s32 s22, s23  }
0x4c: {  	v59 =	vld [tilespmem:s17+$0xFFFFFFF0];
	[tilespmem:s18+$0xA50 ss:$0x21] =	vst.msk $0xffff, v3;
	s29 =	sor.u32 s21, s22;
	s21 =	smov.u32 s9;
	s22 =	sand.u32 s30, s9  }
0x4d: {  	v60 =	vld [tilespmem:s17+$0x0];
	[tilespmem:s18+$0xC60 ss:$0x21] =	vst.msk $0xffff, v2;
	s30 =	sand.u32 $0x7, s10;
	s20 =	sshrl.u32 s29, $0x7;
	s21 =	simm.s32 @!p1 $0xF41C0  }
0x4e: {  	v61 =	vld [tilespmem:s17+$0x10];
	[tilespmem:s18+$0x0 ss:$0x21] =	vst.msk $0xffff, v1;
	p1 =	sgt.s32 s10, $0x60;
	s24 =	ssub.s32 s21, s22;
	s21 =	smov.u32 s10  }
0x4f: {  	v62 =	vld [tilespmem:s17+$0x20];
	[tilespmem:s19+$0xE70 ss:$0x21] =	vst.msk $0xffff, v0;
	s31 =	smulhi.u32 $0x218DEF5, s20;
	s22 =	sand.u32 s25, s10;
	s21 =	simm.s32 @!p1 $0x60  }
0x50: {  	v63 =	vld [tilespmem:s17+$0xFFFFFFC0];
	[tilespmem:s19+$0x210 ss:$0x21] =	vst.msk $0xffff, v5;
	s26 =	sadd.s32 $0xFFF0BE40, s24;
	s17 =	ssub.s32 $0xF4240, s24;
	s21 =	ssub.s32 s21, s22  }
0x51: {  	[tilespmem:s19+$0x420 ss:$0x21] =	vst.msk $0xffff, v58;
	s23 =	sshrl.u32 s31, $0xD;
	p1 =	sgt.s32 s26, $0x7F;
	s27 =	sadd.s32 $0xFFFFFFA0, s21  }
0x52: {  	[tilespmem:s19+$0x630 ss:$0x21] =	vst.msk $0xffff, v59;
	s23 =	smul.u32 $0xF4240, s23;
	s18 =	ssub.s32 $0x80, s21;
	p2 =	sgt.s32 s27, $0x1F  }
.Ltmp4:
0x53: {  	[tilespmem:s19+$0x840 ss:$0x21] =	vst.msk $0xffff, v60;
	s17 =	simm.s32 @p1 $0x0;
	s18 =	simm.s32 @p2 $0x0;
	(pc) =	sbr.rel .LBB1_5-.Ltmp4, $4  }
0x54: {  	s29 =	sand.u32 $0xF, s28;
	[tilespmem:s19+$0xA50 ss:$0x21] =	vst.msk $0xffff, v61;
	s20 =	ssub.s32 s20, s23;
	s17 =	smul.u32 s18, s17  }
0x55: {  	[tilespmem:s19+$0xC60 ss:$0x21] =	vst.msk $0xffff, v62;
	s21 =	sshll.u32 s30, $0x12;
	s20 =	sshll.u32 s20, $0x4;
	s18 =	sadd.s32 s5, s29  }
0x56: {  	[tilespmem:s19+$0x0 ss:$0x21] =	vst.msk $0xffff, v63;
	s31 =	sor.u32 $0x20, s21;
	s18 =	sadd.s32 s20, s18;
	s17 =	sand.u32 $0x3FFFFFFF, s17  }
0x57: {  	[hbm4b:s18+s31] =	stream.strided.scatter [tilespmem:s16], [sflag:$0x2], s17, s8, s31, $0x10;
	[tilespmem:$0x4100] =	vst v63  }
.LBB1_6:
0x58: {  	_ =	sfence.sel $0x180000  }
0x59: {  	s2 =	simm.s32 $0x1;
	[bflag:$0x0] =	sbarrier.arrive $0xFFFF  }
0x5a: {  	s31 =	simm.s32 $0x2;
	[sflag:s2] =	ssyncpa.u1 $0x1  }
0x5b: {  	[sflag:s31] =	ssyncpa.u1 $0x1  }
0x5c: {  	p0 =	sne.s32 s1, $0x0;
	_ =	strace $0x90000047  }
0x5d: {  	s0 =	sadd.s32 @!p0 $0x100000, s0;
	[bflag:$0x2] =	sbarrier.arrive $0xFFFF  }
0x5e: {  	[sflag:s0] =	ssyncadd.tile.s32 @!p0 $0x1;
	_ =	shalt  }
.Lfunc_end1:
_tile_overlayer_lowered:
.L_overlay_start_2:
0x5f: {  	(tag) =	ssettag $0x2  }
0x60: {  	s0 =	rddreg [dreg:$0x0];
	s2 =	stileid.u32  }
0x61: {  	s1 =	rddreg [dreg:$0x1];
	p0 =	sne.s32 s2, $0x0  }
0x62: {  	s3 =	rddreg [dreg:$0x2];
	[bflag:$0x3] =	sbarrier.arrive $0xFFFF;
	s2 =	simm.s32 @!p0 $0x1C01  }
0x63: {  	[timem:s3], [sflag:s2] =	dma.local @!p0 [hbm:s0], s1  }
0x64: {  	s0 =	simm.s32 @!p0 $0x1  }
0x65: {  	_ =	swait.ge @!p0 [sflag:s0], s1  }
0x66: {  	s1 =	ssub.s32 @!p0 $0x0, s1;
	[sflag:s0] =	ssyncset.done @!p0 $0x0  }
0x67: {  	[sflag:s0] =	ssyncadd.s32 @!p0 s1  }
0x68: {  	[bflag:$0x3] =	sbarrier.arrive $0xFFFF  }
0x69: {  	_ =	shalt  }

</sc_bundles>
